<compile_context>
chip_gen: v7x
topology: tpu7x:2x2x1
jax: 0.10.2.dev20260603
libtpu: 0.0.44.dev20260713+nightly
codegen_flags: <defaults>
</compile_context>

<pallas_src>
import functools

import jax
import jax.numpy as jnp
from jax import lax
from jax.experimental import pallas as pl
from jax.experimental.pallas import tpu as pltpu
from jax.experimental.pallas import tpu_sc as plsc

_NUM_PROMPTS = 12
_PROMPT_LEN = 20
_HIDDEN = 4096
_BATCH = 1024

_NC = 2
_NS = 16
_NW = _NC * _NS

_K = 8
_G = 160
_S = _G * _K
_M0 = 4
_M1 = 6
_M = max(_M0, _M1)
_PIECES = ((0, 16), (16, 4))


def _sc_gather(ridx, sidx, table2d):
    mesh = plsc.VectorSubcoreMesh(core_axis_name="c", subcore_axis_name="s")

    @functools.partial(
        pl.kernel,
        mesh=mesh,
        compiler_params=pltpu.CompilerParams(use_tc_tiling_on_sc=True),
        out_type=jax.ShapeDtypeStruct((_PROMPT_LEN * _BATCH, _HIDDEN),
                                      jnp.float32),
        scratch_types=(
            [pltpu.VMEM((_M, _PROMPT_LEN), jnp.int32),
             pltpu.VMEM((_M * _K, _PROMPT_LEN), jnp.int32)]
            + [pltpu.VMEM((ln, _HIDDEN), jnp.float32) for _, ln in _PIECES]
            + [pltpu.SemaphoreType.DMA] * 4
        ),
    )
    def k(ridx_hbm, sidx_hbm, table_hbm, out_hbm,
          ridx_v, sidx_v, buf0, buf1, g0, g1, s0, s1):
        bufs = (buf0, buf1)
        gsems = (g0, g1)
        ssems = (s0, s1)
        cid = lax.axis_index("c")
        wid = lax.axis_index("s") * _NC + cid
        my_m = jnp.where(cid == 0, jnp.int32(_M0), jnp.int32(_M1))

        pltpu.sync_copy(ridx_hbm.at[wid], ridx_v)
        pltpu.sync_copy(sidx_hbm.at[wid], sidx_v)

        def drain_group(_):
            for s, (so, ln) in enumerate(_PIECES):
                for _e in range(_K):
                    pltpu.make_async_copy(
                        bufs[s],
                        out_hbm.at[sidx_v.at[0, pl.ds(so, ln)]],
                        ssems[s],
                    ).wait()

        def group(g, carry):
            @pl.when(g > 0)
            def _():
                drain_group(None)

            for s, (so, ln) in enumerate(_PIECES):
                pltpu.make_async_copy(
                    table_hbm.at[ridx_v.at[g, pl.ds(so, ln)]],
                    bufs[s],
                    gsems[s],
                ).start()
            for s, (so, ln) in enumerate(_PIECES):
                pltpu.make_async_copy(
                    table_hbm.at[ridx_v.at[g, pl.ds(so, ln)]],
                    bufs[s],
                    gsems[s],
                ).wait()

            for e in range(_K):
                for s, (so, ln) in enumerate(_PIECES):
                    pltpu.make_async_copy(
                        bufs[s],
                        out_hbm.at[sidx_v.at[g * _K + e, pl.ds(so, ln)]],
                        ssems[s],
                    ).start()
            return carry

        lax.fori_loop(0, my_m, group, 0)
        drain_group(None)

    return k(ridx, sidx, table2d)


def kernel(cultural_context, cultural_prompts):
    idx = cultural_context.astype(jnp.int32)
    order = jnp.argsort(idx).astype(jnp.int32)
    n = jnp.bincount(idx, length=_NUM_PROMPTS).astype(jnp.int32)
    m = ((n + _K - 1) // _K) * _K
    moff = jnp.cumsum(m)
    noff = jnp.cumsum(n) - n
    total = moff[-1]
    s = jnp.arange(_S, dtype=jnp.int32) % total
    p = jnp.searchsorted(moff, s, side="right").astype(jnp.int32)
    j = s - (moff[p] - m[p])
    e = noff[p] + jnp.minimum(j, n[p] - 1)
    dest = order[e]
    t = jnp.arange(_PROMPT_LEN, dtype=jnp.int32)
    sidx_all = (t[None, :] * _BATCH + dest[:, None]).reshape(
        _G, _K, _PROMPT_LEN)
    gp = p.reshape(_G, _K)[:, 0]
    ridx_all = gp[:, None] * _PROMPT_LEN + t[None, :]
    w = jnp.arange(_NW, dtype=jnp.int32)
    base = jnp.where(w % 2 == 0, (w // 2) * _M0,
                     _NS * _M0 + (w // 2) * _M1)
    gid = jnp.minimum(base[:, None] + jnp.arange(_M, dtype=jnp.int32),
                      _G - 1)
    ridx = ridx_all[gid]
    sidx = sidx_all[gid].reshape(_NW, _M * _K, _PROMPT_LEN)
    table2d = cultural_prompts.reshape(_NUM_PROMPTS * _PROMPT_LEN, _HIDDEN)
    out = _sc_gather(ridx, sidx, table2d)
    out = out.reshape(_PROMPT_LEN, _BATCH, _HIDDEN)
    return jnp.transpose(out, (1, 0, 2))

# --- scband reference (transcript-rebuilt; emitter-appended) ---
"""Pipeline reference for scband-cultural-soft-prompts-420906795312 (READ-ONLY COPY).

The authoritative reference and input builder live on the scoring server;
editing this copy changes nothing except your own understanding.
"""

import jax, jax.numpy as jnp
import numpy as np

NUM_PROMPTS = 12
PROMPT_LEN = 20
HIDDEN = 4096
BATCH = 1024

def setup_inputs(seed: int = 0) -> dict:
    key = jax.random.key(seed)
    k1, k2 = jax.random.split(key)
    cultural_context = jax.random.randint(k1, (BATCH,), 0, NUM_PROMPTS, dtype=jnp.int64 if jax.config.jax_enable_x64 else jnp.int32)
    cultural_prompts = jax.random.normal(k2, (NUM_PROMPTS, PROMPT_LEN, HIDDEN), dtype=jnp.float32) * 0.02
    return {"cultural_context": cultural_context, "cultural_prompts": cultural_prompts}

def reference(cultural_context, cultural_prompts):
    # prompts = self.cultural_prompts[cultural_context]
    prompts = jnp.take(cultural_prompts, cultural_context, axis=0)
    return prompts

if __name__ == "__main__":
    import jax
    _d = setup_inputs()
    print(jax.jit(kernel)(*tuple(_d.values())))

</pallas_src>

<mosaic_0001>
#map = affine_map<(d0, d1) -> (0, 0, 0)>
#map1 = affine_map<(d0, d1) -> (0, 0)>
module attributes {stable_mosaic.version = 14 : i64} {
  func.func @k(%arg0: i32, %arg1: i32, %arg2: memref<32x6x20xi32, #tpu.memory_space<hbm>>, %arg3: memref<32x48x20xi32, #tpu.memory_space<hbm>>, %arg4: memref<240x4096xf32, #tpu.memory_space<hbm>>, %arg5: memref<20480x4096xf32, #tpu.memory_space<hbm>>, %arg6: memref<6x20xi32, #tpu.memory_space<vmem>>, %arg7: memref<48x20xi32, #tpu.memory_space<vmem>>, %arg8: memref<16x4096xf32, #tpu.memory_space<vmem>>, %arg9: memref<4x4096xf32, #tpu.memory_space<vmem>>, %arg10: memref<!tpu.dma_semaphore, #tpu.memory_space<semaphore_mem>>, %arg11: memref<!tpu.dma_semaphore, #tpu.memory_space<semaphore_mem>>, %arg12: memref<!tpu.dma_semaphore, #tpu.memory_space<semaphore_mem>>, %arg13: memref<!tpu.dma_semaphore, #tpu.memory_space<semaphore_mem>>) attributes {dimension_semantics = [#tpu.dimension_semantics<core_parallel>, #tpu.dimension_semantics<subcore_parallel>], iteration_bounds = array<i64: 2, 16>, scalar_prefetch = 0 : i64, scratch_operands = 8 : i64, tpu.core_type = #tpu.core_type<sc_vector_subcore>, window_params = [{transform_indices = #map}, {transform_indices = #map}, {transform_indices = #map1}, {transform_indices = #map1}]} {
    %mul3A = arith.constant 2 : i32
    %mul3A_0 = arith.muli %arg1, %mul3A : i32
    %add3A = arith.addi %mul3A_0, %arg0 : i32
    %eq3A = arith.constant 0 : i32
    %eq3A_1 = arith.cmpi eq, %arg0, %eq3A : i32
    %jit3A = arith.constant 4 : i32
    %jit3A_2 = arith.constant 6 : i32
    %select_n3A = arith.select %eq3A_1, %jit3A, %jit3A_2 : i32
    "tpu.region"() ({
      %run_scoped3A = tpu.sem_alloc : memref<!tpu.dma_semaphore, #tpu.memory_space<semaphore_mem>>
      %dma_start3A = arith.constant 0 : i32
      %dma_start3A_123 = arith.constant 0 : i32
      %dma_start3A_124 = tpu.memref_slice %arg2[%add3A, %dma_start3A, %dma_start3A_123] : memref<32x6x20xi32, #tpu.memory_space<hbm>> -> memref<1x6x20xi32, #tpu.memory_space<hbm>>
      %dma_start3A_125 = tpu.memref_squeeze %dma_start3A_124 : memref<1x6x20xi32, #tpu.memory_space<hbm>> -> memref<6x20xi32, #tpu.memory_space<hbm>>
      %dma_start3A_126 = arith.constant 0 : i32
      %dma_start3A_127 = arith.constant 0 : i32
      %dma_start3A_128 = tpu.memref_slice %arg2[%add3A, %dma_start3A_126, %dma_start3A_127] : memref<32x6x20xi32, #tpu.memory_space<hbm>> -> memref<1x6x20xi32, #tpu.memory_space<hbm>>
      %dma_start3A_129 = tpu.memref_squeeze %dma_start3A_128 : memref<1x6x20xi32, #tpu.memory_space<hbm>> -> memref<6x20xi32, #tpu.memory_space<hbm>>
      tpu.enqueue_dma source(%dma_start3A_129 : memref<6x20xi32, #tpu.memory_space<hbm>>) target(%arg6 : memref<6x20xi32, #tpu.memory_space<vmem>>) target_semaphore(%run_scoped3A : memref<!tpu.dma_semaphore, #tpu.memory_space<semaphore_mem>>)
      %dma_wait3A_130 = arith.constant 0 : i32
      %dma_wait3A_131 = arith.constant 0 : i32
      %dma_wait3A_132 = tpu.memref_slice %arg2[%add3A, %dma_wait3A_130, %dma_wait3A_131] : memref<32x6x20xi32, #tpu.memory_space<hbm>> -> memref<1x6x20xi32, #tpu.memory_space<hbm>>
      %dma_wait3A_133 = tpu.memref_squeeze %dma_wait3A_132 : memref<1x6x20xi32, #tpu.memory_space<hbm>> -> memref<6x20xi32, #tpu.memory_space<hbm>>
      %dma_wait3A_134 = arith.constant 0 : i32
      %dma_wait3A_135 = arith.constant 0 : i32
      %dma_wait3A_136 = tpu.memref_slice %arg2[%add3A, %dma_wait3A_134, %dma_wait3A_135] : memref<32x6x20xi32, #tpu.memory_space<hbm>> -> memref<1x6x20xi32, #tpu.memory_space<hbm>>
      %dma_wait3A_137 = tpu.memref_squeeze %dma_wait3A_136 : memref<1x6x20xi32, #tpu.memory_space<hbm>> -> memref<6x20xi32, #tpu.memory_space<hbm>>
      tpu.wait_dma2 semaphore(%run_scoped3A : memref<!tpu.dma_semaphore, #tpu.memory_space<semaphore_mem>>) src(%dma_wait3A_137 : memref<6x20xi32, #tpu.memory_space<hbm>>) dst(%arg6 : memref<6x20xi32, #tpu.memory_space<vmem>>)
      tpu.yield
    }) : () -> ()
    "tpu.region"() ({
      %run_scoped3A = tpu.sem_alloc : memref<!tpu.dma_semaphore, #tpu.memory_space<semaphore_mem>>
      %dma_start3A = arith.constant 0 : i32
      %dma_start3A_123 = arith.constant 0 : i32
      %dma_start3A_124 = tpu.memref_slice %arg3[%add3A, %dma_start3A, %dma_start3A_123] : memref<32x48x20xi32, #tpu.memory_space<hbm>> -> memref<1x48x20xi32, #tpu.memory_space<hbm>>
      %dma_start3A_125 = tpu.memref_squeeze %dma_start3A_124 : memref<1x48x20xi32, #tpu.memory_space<hbm>> -> memref<48x20xi32, #tpu.memory_space<hbm>>
      %dma_start3A_126 = arith.constant 0 : i32
      %dma_start3A_127 = arith.constant 0 : i32
      %dma_start3A_128 = tpu.memref_slice %arg3[%add3A, %dma_start3A_126, %dma_start3A_127] : memref<32x48x20xi32, #tpu.memory_space<hbm>> -> memref<1x48x20xi32, #tpu.memory_space<hbm>>
      %dma_start3A_129 = tpu.memref_squeeze %dma_start3A_128 : memref<1x48x20xi32, #tpu.memory_space<hbm>> -> memref<48x20xi32, #tpu.memory_space<hbm>>
      tpu.enqueue_dma source(%dma_start3A_129 : memref<48x20xi32, #tpu.memory_space<hbm>>) target(%arg7 : memref<48x20xi32, #tpu.memory_space<vmem>>) target_semaphore(%run_scoped3A : memref<!tpu.dma_semaphore, #tpu.memory_space<semaphore_mem>>)
      %dma_wait3A_130 = arith.constant 0 : i32
      %dma_wait3A_131 = arith.constant 0 : i32
      %dma_wait3A_132 = tpu.memref_slice %arg3[%add3A, %dma_wait3A_130, %dma_wait3A_131] : memref<32x48x20xi32, #tpu.memory_space<hbm>> -> memref<1x48x20xi32, #tpu.memory_space<hbm>>
      %dma_wait3A_133 = tpu.memref_squeeze %dma_wait3A_132 : memref<1x48x20xi32, #tpu.memory_space<hbm>> -> memref<48x20xi32, #tpu.memory_space<hbm>>
      %dma_wait3A_134 = arith.constant 0 : i32
      %dma_wait3A_135 = arith.constant 0 : i32
      %dma_wait3A_136 = tpu.memref_slice %arg3[%add3A, %dma_wait3A_134, %dma_wait3A_135] : memref<32x48x20xi32, #tpu.memory_space<hbm>> -> memref<1x48x20xi32, #tpu.memory_space<hbm>>
      %dma_wait3A_137 = tpu.memref_squeeze %dma_wait3A_136 : memref<1x48x20xi32, #tpu.memory_space<hbm>> -> memref<48x20xi32, #tpu.memory_space<hbm>>
      tpu.wait_dma2 semaphore(%run_scoped3A : memref<!tpu.dma_semaphore, #tpu.memory_space<semaphore_mem>>) src(%dma_wait3A_137 : memref<48x20xi32, #tpu.memory_space<hbm>>) dst(%arg7 : memref<48x20xi32, #tpu.memory_space<vmem>>)
      tpu.yield
    }) : () -> ()
    %while3A = arith.constant 0 : i32
    %while3A_3 = arith.constant 0 : i32
    %while3A_4 = arith.subi %select_n3A, %while3A_3 : i32
    %while3A_5 = arith.addi %while3A_3, %while3A_4 : i32
    %while3A_6 = arith.constant 1 : i32
    %while3A_7 = arith.divsi %while3A_4, %while3A_6 : i32
    %while3A_8 = arith.muli %while3A_7, %while3A_6 : i32
    %while3A_9 = arith.addi %while3A_3, %while3A_8 : i32
    %while3A_10 = arith.constant 1 : i32
    scf.for %while3A_123 = %while3A_3 to %while3A_9 step %while3A_10  : i32 {
      %gt3A = arith.constant 0 : i32
      %gt3A_124 = arith.cmpi sgt, %while3A_123, %gt3A : i32
      %convert_element_type3A = arith.extui %gt3A_124 : i1 to i32
      %cond3A = arith.constant 0 : i32
      %cond3A_125 = arith.cmpi ne, %convert_element_type3A, %cond3A : i32
      scf.if %cond3A_125 {
        %dma_wait3A_309 = arith.constant 0 : i32
        %dma_wait3A_310 = arith.constant 0 : i32
        %dma_wait3A_311 = tpu.memref_slice %arg7[%dma_wait3A_309, %dma_wait3A_310] : memref<48x20xi32, #tpu.memory_space<vmem>> -> memref<1x16xi32, #tpu.memory_space<vmem>>
        %dma_wait3A_312 = tpu.memref_squeeze %dma_wait3A_311 : memref<1x16xi32, #tpu.memory_space<vmem>> -> memref<16xi32, #tpu.memory_space<vmem>>
        %dma_wait3A_313 = arith.constant 0 : i32
        %dma_wait3A_314 = arith.constant 0 : i32
        %dma_wait3A_315 = tpu.memref_slice %arg5[%dma_wait3A_313, %dma_wait3A_314] : memref<20480x4096xf32, #tpu.memory_space<hbm>> -> memref<20480x4096xf32, #tpu.memory_space<hbm>>
        tpu.wait_indirect_dma semaphore(%arg12 : memref<!tpu.dma_semaphore, #tpu.memory_space<semaphore_mem>>) src(%arg8 : memref<16x4096xf32, #tpu.memory_space<vmem>>) dst(%dma_wait3A_315 : memref<20480x4096xf32, #tpu.memory_space<hbm>>)
        %dma_wait3A_316 = arith.constant 0 : i32
        %dma_wait3A_317 = arith.constant 0 : i32
        %dma_wait3A_318 = tpu.memref_slice %arg7[%dma_wait3A_316, %dma_wait3A_317] : memref<48x20xi32, #tpu.memory_space<vmem>> -> memref<1x16xi32, #tpu.memory_space<vmem>>
        %dma_wait3A_319 = tpu.memref_squeeze %dma_wait3A_318 : memref<1x16xi32, #tpu.memory_space<vmem>> -> memref<16xi32, #tpu.memory_space<vmem>>
        %dma_wait3A_320 = arith.constant 0 : i32
        %dma_wait3A_321 = arith.constant 0 : i32
        %dma_wait3A_322 = tpu.memref_slice %arg5[%dma_wait3A_320, %dma_wait3A_321] : memref<20480x4096xf32, #tpu.memory_space<hbm>> -> memref<20480x4096xf32, #tpu.memory_space<hbm>>
        tpu.wait_indirect_dma semaphore(%arg12 : memref<!tpu.dma_semaphore, #tpu.memory_space<semaphore_mem>>) src(%arg8 : memref<16x4096xf32, #tpu.memory_space<vmem>>) dst(%dma_wait3A_322 : memref<20480x4096xf32, #tpu.memory_space<hbm>>)
        %dma_wait3A_323 = arith.constant 0 : i32
        %dma_wait3A_324 = arith.constant 0 : i32
        %dma_wait3A_325 = tpu.memref_slice %arg7[%dma_wait3A_323, %dma_wait3A_324] : memref<48x20xi32, #tpu.memory_space<vmem>> -> memref<1x16xi32, #tpu.memory_space<vmem>>
        %dma_wait3A_326 = tpu.memref_squeeze %dma_wait3A_325 : memref<1x16xi32, #tpu.memory_space<vmem>> -> memref<16xi32, #tpu.memory_space<vmem>>
        %dma_wait3A_327 = arith.constant 0 : i32
        %dma_wait3A_328 = arith.constant 0 : i32
        %dma_wait3A_329 = tpu.memref_slice %arg5[%dma_wait3A_327, %dma_wait3A_328] : memref<20480x4096xf32, #tpu.memory_space<hbm>> -> memref<20480x4096xf32, #tpu.memory_space<hbm>>
        tpu.wait_indirect_dma semaphore(%arg12 : memref<!tpu.dma_semaphore, #tpu.memory_space<semaphore_mem>>) src(%arg8 : memref<16x4096xf32, #tpu.memory_space<vmem>>) dst(%dma_wait3A_329 : memref<20480x4096xf32, #tpu.memory_space<hbm>>)
        %dma_wait3A_330 = arith.constant 0 : i32
        %dma_wait3A_331 = arith.constant 0 : i32
        %dma_wait3A_332 = tpu.memref_slice %arg7[%dma_wait3A_330, %dma_wait3A_331] : memref<48x20xi32, #tpu.memory_space<vmem>> -> memref<1x16xi32, #tpu.memory_space<vmem>>
        %dma_wait3A_333 = tpu.memref_squeeze %dma_wait3A_332 : memref<1x16xi32, #tpu.memory_space<vmem>> -> memref<16xi32, #tpu.memory_space<vmem>>
        %dma_wait3A_334 = arith.constant 0 : i32
        %dma_wait3A_335 = arith.constant 0 : i32
        %dma_wait3A_336 = tpu.memref_slice %arg5[%dma_wait3A_334, %dma_wait3A_335] : memref<20480x4096xf32, #tpu.memory_space<hbm>> -> memref<20480x4096xf32, #tpu.memory_space<hbm>>
        tpu.wait_indirect_dma semaphore(%arg12 : memref<!tpu.dma_semaphore, #tpu.memory_space<semaphore_mem>>) src(%arg8 : memref<16x4096xf32, #tpu.memory_space<vmem>>) dst(%dma_wait3A_336 : memref<20480x4096xf32, #tpu.memory_space<hbm>>)
        %dma_wait3A_337 = arith.constant 0 : i32
        %dma_wait3A_338 = arith.constant 0 : i32
        %dma_wait3A_339 = tpu.memref_slice %arg7[%dma_wait3A_337, %dma_wait3A_338] : memref<48x20xi32, #tpu.memory_space<vmem>> -> memref<1x16xi32, #tpu.memory_space<vmem>>
        %dma_wait3A_340 = tpu.memref_squeeze %dma_wait3A_339 : memref<1x16xi32, #tpu.memory_space<vmem>> -> memref<16xi32, #tpu.memory_space<vmem>>
        %dma_wait3A_341 = arith.constant 0 : i32
        %dma_wait3A_342 = arith.constant 0 : i32
        %dma_wait3A_343 = tpu.memref_slice %arg5[%dma_wait3A_341, %dma_wait3A_342] : memref<20480x4096xf32, #tpu.memory_space<hbm>> -> memref<20480x4096xf32, #tpu.memory_space<hbm>>
        tpu.wait_indirect_dma semaphore(%arg12 : memref<!tpu.dma_semaphore, #tpu.memory_space<semaphore_mem>>) src(%arg8 : memref<16x4096xf32, #tpu.memory_space<vmem>>) dst(%dma_wait3A_343 : memref<20480x4096xf32, #tpu.memory_space<hbm>>)
        %dma_wait3A_344 = arith.constant 0 : i32
        %dma_wait3A_345 = arith.constant 0 : i32
        %dma_wait3A_346 = tpu.memref_slice %arg7[%dma_wait3A_344, %dma_wait3A_345] : memref<48x20xi32, #tpu.memory_space<vmem>> -> memref<1x16xi32, #tpu.memory_space<vmem>>
        %dma_wait3A_347 = tpu.memref_squeeze %dma_wait3A_346 : memref<1x16xi32, #tpu.memory_space<vmem>> -> memref<16xi32, #tpu.memory_space<vmem>>
        %dma_wait3A_348 = arith.constant 0 : i32
        %dma_wait3A_349 = arith.constant 0 : i32
        %dma_wait3A_350 = tpu.memref_slice %arg5[%dma_wait3A_348, %dma_wait3A_349] : memref<20480x4096xf32, #tpu.memory_space<hbm>> -> memref<20480x4096xf32, #tpu.memory_space<hbm>>
        tpu.wait_indirect_dma semaphore(%arg12 : memref<!tpu.dma_semaphore, #tpu.memory_space<semaphore_mem>>) src(%arg8 : memref<16x4096xf32, #tpu.memory_space<vmem>>) dst(%dma_wait3A_350 : memref<20480x4096xf32, #tpu.memory_space<hbm>>)
        %dma_wait3A_351 = arith.constant 0 : i32
        %dma_wait3A_352 = arith.constant 0 : i32
        %dma_wait3A_353 = tpu.memref_slice %arg7[%dma_wait3A_351, %dma_wait3A_352] : memref<48x20xi32, #tpu.memory_space<vmem>> -> memref<1x16xi32, #tpu.memory_space<vmem>>
        %dma_wait3A_354 = tpu.memref_squeeze %dma_wait3A_353 : memref<1x16xi32, #tpu.memory_space<vmem>> -> memref<16xi32, #tpu.memory_space<vmem>>
        %dma_wait3A_355 = arith.constant 0 : i32
        %dma_wait3A_356 = arith.constant 0 : i32
        %dma_wait3A_357 = tpu.memref_slice %arg5[%dma_wait3A_355, %dma_wait3A_356] : memref<20480x4096xf32, #tpu.memory_space<hbm>> -> memref<20480x4096xf32, #tpu.memory_space<hbm>>
        tpu.wait_indirect_dma semaphore(%arg12 : memref<!tpu.dma_semaphore, #tpu.memory_space<semaphore_mem>>) src(%arg8 : memref<16x4096xf32, #tpu.memory_space<vmem>>) dst(%dma_wait3A_357 : memref<20480x4096xf32, #tpu.memory_space<hbm>>)
        %dma_wait3A_358 = arith.constant 0 : i32
        %dma_wait3A_359 = arith.constant 0 : i32
        %dma_wait3A_360 = tpu.memref_slice %arg7[%dma_wait3A_358, %dma_wait3A_359] : memref<48x20xi32, #tpu.memory_space<vmem>> -> memref<1x16xi32, #tpu.memory_space<vmem>>
        %dma_wait3A_361 = tpu.memref_squeeze %dma_wait3A_360 : memref<1x16xi32, #tpu.memory_space<vmem>> -> memref<16xi32, #tpu.memory_space<vmem>>
        %dma_wait3A_362 = arith.constant 0 : i32
        %dma_wait3A_363 = arith.constant 0 : i32
        %dma_wait3A_364 = tpu.memref_slice %arg5[%dma_wait3A_362, %dma_wait3A_363] : memref<20480x4096xf32, #tpu.memory_space<hbm>> -> memref<20480x4096xf32, #tpu.memory_space<hbm>>
        tpu.wait_indirect_dma semaphore(%arg12 : memref<!tpu.dma_semaphore, #tpu.memory_space<semaphore_mem>>) src(%arg8 : memref<16x4096xf32, #tpu.memory_space<vmem>>) dst(%dma_wait3A_364 : memref<20480x4096xf32, #tpu.memory_space<hbm>>)
        %dma_wait3A_365 = arith.constant 0 : i32
        %dma_wait3A_366 = arith.constant 16 : i32
        %dma_wait3A_367 = tpu.memref_slice %arg7[%dma_wait3A_365, %dma_wait3A_366] : memref<48x20xi32, #tpu.memory_space<vmem>> -> memref<1x4xi32, #tpu.memory_space<vmem>>
        %dma_wait3A_368 = tpu.memref_squeeze %dma_wait3A_367 : memref<1x4xi32, #tpu.memory_space<vmem>> -> memref<4xi32, #tpu.memory_space<vmem>>
        %dma_wait3A_369 = arith.constant 0 : i32
        %dma_wait3A_370 = arith.constant 0 : i32
        %dma_wait3A_371 = tpu.memref_slice %arg5[%dma_wait3A_369, %dma_wait3A_370] : memref<20480x4096xf32, #tpu.memory_space<hbm>> -> memref<20480x4096xf32, #tpu.memory_space<hbm>>
        tpu.wait_indirect_dma semaphore(%arg13 : memref<!tpu.dma_semaphore, #tpu.memory_space<semaphore_mem>>) src(%arg9 : memref<4x4096xf32, #tpu.memory_space<vmem>>) dst(%dma_wait3A_371 : memref<20480x4096xf32, #tpu.memory_space<hbm>>)
        %dma_wait3A_372 = arith.constant 0 : i32
        %dma_wait3A_373 = arith.constant 16 : i32
        %dma_wait3A_374 = tpu.memref_slice %arg7[%dma_wait3A_372, %dma_wait3A_373] : memref<48x20xi32, #tpu.memory_space<vmem>> -> memref<1x4xi32, #tpu.memory_space<vmem>>
        %dma_wait3A_375 = tpu.memref_squeeze %dma_wait3A_374 : memref<1x4xi32, #tpu.memory_space<vmem>> -> memref<4xi32, #tpu.memory_space<vmem>>
        %dma_wait3A_376 = arith.constant 0 : i32
        %dma_wait3A_377 = arith.constant 0 : i32
        %dma_wait3A_378 = tpu.memref_slice %arg5[%dma_wait3A_376, %dma_wait3A_377] : memref<20480x4096xf32, #tpu.memory_space<hbm>> -> memref<20480x4096xf32, #tpu.memory_space<hbm>>
        tpu.wait_indirect_dma semaphore(%arg13 : memref<!tpu.dma_semaphore, #tpu.memory_space<semaphore_mem>>) src(%arg9 : memref<4x4096xf32, #tpu.memory_space<vmem>>) dst(%dma_wait3A_378 : memref<20480x4096xf32, #tpu.memory_space<hbm>>)
        %dma_wait3A_379 = arith.constant 0 : i32
        %dma_wait3A_380 = arith.constant 16 : i32
        %dma_wait3A_381 = tpu.memref_slice %arg7[%dma_wait3A_379, %dma_wait3A_380] : memref<48x20xi32, #tpu.memory_space<vmem>> -> memref<1x4xi32, #tpu.memory_space<vmem>>
        %dma_wait3A_382 = tpu.memref_squeeze %dma_wait3A_381 : memref<1x4xi32, #tpu.memory_space<vmem>> -> memref<4xi32, #tpu.memory_space<vmem>>
        %dma_wait3A_383 = arith.constant 0 : i32
        %dma_wait3A_384 = arith.constant 0 : i32
        %dma_wait3A_385 = tpu.memref_slice %arg5[%dma_wait3A_383, %dma_wait3A_384] : memref<20480x4096xf32, #tpu.memory_space<hbm>> -> memref<20480x4096xf32, #tpu.memory_space<hbm>>
        tpu.wait_indirect_dma semaphore(%arg13 : memref<!tpu.dma_semaphore, #tpu.memory_space<semaphore_mem>>) src(%arg9 : memref<4x4096xf32, #tpu.memory_space<vmem>>) dst(%dma_wait3A_385 : memref<20480x4096xf32, #tpu.memory_space<hbm>>)
        %dma_wait3A_386 = arith.constant 0 : i32
        %dma_wait3A_387 = arith.constant 16 : i32
        %dma_wait3A_388 = tpu.memref_slice %arg7[%dma_wait3A_386, %dma_wait3A_387] : memref<48x20xi32, #tpu.memory_space<vmem>> -> memref<1x4xi32, #tpu.memory_space<vmem>>
        %dma_wait3A_389 = tpu.memref_squeeze %dma_wait3A_388 : memref<1x4xi32, #tpu.memory_space<vmem>> -> memref<4xi32, #tpu.memory_space<vmem>>
        %dma_wait3A_390 = arith.constant 0 : i32
        %dma_wait3A_391 = arith.constant 0 : i32
        %dma_wait3A_392 = tpu.memref_slice %arg5[%dma_wait3A_390, %dma_wait3A_391] : memref<20480x4096xf32, #tpu.memory_space<hbm>> -> memref<20480x4096xf32, #tpu.memory_space<hbm>>
        tpu.wait_indirect_dma semaphore(%arg13 : memref<!tpu.dma_semaphore, #tpu.memory_space<semaphore_mem>>) src(%arg9 : memref<4x4096xf32, #tpu.memory_space<vmem>>) dst(%dma_wait3A_392 : memref<20480x4096xf32, #tpu.memory_space<hbm>>)
        %dma_wait3A_393 = arith.constant 0 : i32
        %dma_wait3A_394 = arith.constant 16 : i32
        %dma_wait3A_395 = tpu.memref_slice %arg7[%dma_wait3A_393, %dma_wait3A_394] : memref<48x20xi32, #tpu.memory_space<vmem>> -> memref<1x4xi32, #tpu.memory_space<vmem>>
        %dma_wait3A_396 = tpu.memref_squeeze %dma_wait3A_395 : memref<1x4xi32, #tpu.memory_space<vmem>> -> memref<4xi32, #tpu.memory_space<vmem>>
        %dma_wait3A_397 = arith.constant 0 : i32
        %dma_wait3A_398 = arith.constant 0 : i32
        %dma_wait3A_399 = tpu.memref_slice %arg5[%dma_wait3A_397, %dma_wait3A_398] : memref<20480x4096xf32, #tpu.memory_space<hbm>> -> memref<20480x4096xf32, #tpu.memory_space<hbm>>
        tpu.wait_indirect_dma semaphore(%arg13 : memref<!tpu.dma_semaphore, #tpu.memory_space<semaphore_mem>>) src(%arg9 : memref<4x4096xf32, #tpu.memory_space<vmem>>) dst(%dma_wait3A_399 : memref<20480x4096xf32, #tpu.memory_space<hbm>>)
        %dma_wait3A_400 = arith.constant 0 : i32
        %dma_wait3A_401 = arith.constant 16 : i32
        %dma_wait3A_402 = tpu.memref_slice %arg7[%dma_wait3A_400, %dma_wait3A_401] : memref<48x20xi32, #tpu.memory_space<vmem>> -> memref<1x4xi32, #tpu.memory_space<vmem>>
        %dma_wait3A_403 = tpu.memref_squeeze %dma_wait3A_402 : memref<1x4xi32, #tpu.memory_space<vmem>> -> memref<4xi32, #tpu.memory_space<vmem>>
        %dma_wait3A_404 = arith.constant 0 : i32
        %dma_wait3A_405 = arith.constant 0 : i32
        %dma_wait3A_406 = tpu.memref_slice %arg5[%dma_wait3A_404, %dma_wait3A_405] : memref<20480x4096xf32, #tpu.memory_space<hbm>> -> memref<20480x4096xf32, #tpu.memory_space<hbm>>
        tpu.wait_indirect_dma semaphore(%arg13 : memref<!tpu.dma_semaphore, #tpu.memory_space<semaphore_mem>>) src(%arg9 : memref<4x4096xf32, #tpu.memory_space<vmem>>) dst(%dma_wait3A_406 : memref<20480x4096xf32, #tpu.memory_space<hbm>>)
        %dma_wait3A_407 = arith.constant 0 : i32
        %dma_wait3A_408 = arith.constant 16 : i32
        %dma_wait3A_409 = tpu.memref_slice %arg7[%dma_wait3A_407, %dma_wait3A_408] : memref<48x20xi32, #tpu.memory_space<vmem>> -> memref<1x4xi32, #tpu.memory_space<vmem>>
        %dma_wait3A_410 = tpu.memref_squeeze %dma_wait3A_409 : memref<1x4xi32, #tpu.memory_space<vmem>> -> memref<4xi32, #tpu.memory_space<vmem>>
        %dma_wait3A_411 = arith.constant 0 : i32
        %dma_wait3A_412 = arith.constant 0 : i32
        %dma_wait3A_413 = tpu.memref_slice %arg5[%dma_wait3A_411, %dma_wait3A_412] : memref<20480x4096xf32, #tpu.memory_space<hbm>> -> memref<20480x4096xf32, #tpu.memory_space<hbm>>
        tpu.wait_indirect_dma semaphore(%arg13 : memref<!tpu.dma_semaphore, #tpu.memory_space<semaphore_mem>>) src(%arg9 : memref<4x4096xf32, #tpu.memory_space<vmem>>) dst(%dma_wait3A_413 : memref<20480x4096xf32, #tpu.memory_space<hbm>>)
        %dma_wait3A_414 = arith.constant 0 : i32
        %dma_wait3A_415 = arith.constant 16 : i32
        %dma_wait3A_416 = tpu.memref_slice %arg7[%dma_wait3A_414, %dma_wait3A_415] : memref<48x20xi32, #tpu.memory_space<vmem>> -> memref<1x4xi32, #tpu.memory_space<vmem>>
        %dma_wait3A_417 = tpu.memref_squeeze %dma_wait3A_416 : memref<1x4xi32, #tpu.memory_space<vmem>> -> memref<4xi32, #tpu.memory_space<vmem>>
        %dma_wait3A_418 = arith.constant 0 : i32
        %dma_wait3A_419 = arith.constant 0 : i32
        %dma_wait3A_420 = tpu.memref_slice %arg5[%dma_wait3A_418, %dma_wait3A_419] : memref<20480x4096xf32, #tpu.memory_space<hbm>> -> memref<20480x4096xf32, #tpu.memory_space<hbm>>
        tpu.wait_indirect_dma semaphore(%arg13 : memref<!tpu.dma_semaphore, #tpu.memory_space<semaphore_mem>>) src(%arg9 : memref<4x4096xf32, #tpu.memory_space<vmem>>) dst(%dma_wait3A_420 : memref<20480x4096xf32, #tpu.memory_space<hbm>>)
      } else {
      }
      %dma_start3A = arith.constant 0 : i32
      %dma_start3A_126 = tpu.memref_slice %arg6[%while3A_123, %dma_start3A] : memref<6x20xi32, #tpu.memory_space<vmem>> -> memref<1x16xi32, #tpu.memory_space<vmem>>
      %dma_start3A_127 = tpu.memref_squeeze %dma_start3A_126 : memref<1x16xi32, #tpu.memory_space<vmem>> -> memref<16xi32, #tpu.memory_space<vmem>>
      %dma_start3A_128 = arith.constant 0 : i32
      %dma_start3A_129 = arith.constant 0 : i32
      %dma_start3A_130 = tpu.memref_slice %arg4[%dma_start3A_128, %dma_start3A_129] : memref<240x4096xf32, #tpu.memory_space<hbm>> -> memref<240x4096xf32, #tpu.memory_space<hbm>>
      tpu.enqueue_indirect_dma source(%dma_start3A_130 : memref<240x4096xf32, #tpu.memory_space<hbm>>) target(%arg8 : memref<16x4096xf32, #tpu.memory_space<vmem>>) offsets(%dma_start3A_127 : memref<16xi32, #tpu.memory_space<vmem>>) semaphore(%arg10 : memref<!tpu.dma_semaphore, #tpu.memory_space<semaphore_mem>>)
      %dma_start3A_131 = arith.constant 16 : i32
      %dma_start3A_132 = tpu.memref_slice %arg6[%while3A_123, %dma_start3A_131] : memref<6x20xi32, #tpu.memory_space<vmem>> -> memref<1x4xi32, #tpu.memory_space<vmem>>
      %dma_start3A_133 = tpu.memref_squeeze %dma_start3A_132 : memref<1x4xi32, #tpu.memory_space<vmem>> -> memref<4xi32, #tpu.memory_space<vmem>>
      %dma_start3A_134 = arith.constant 0 : i32
      %dma_start3A_135 = arith.constant 0 : i32
      %dma_start3A_136 = tpu.memref_slice %arg4[%dma_start3A_134, %dma_start3A_135] : memref<240x4096xf32, #tpu.memory_space<hbm>> -> memref<240x4096xf32, #tpu.memory_space<hbm>>
      tpu.enqueue_indirect_dma source(%dma_start3A_136 : memref<240x4096xf32, #tpu.memory_space<hbm>>) target(%arg9 : memref<4x4096xf32, #tpu.memory_space<vmem>>) offsets(%dma_start3A_133 : memref<4xi32, #tpu.memory_space<vmem>>) semaphore(%arg11 : memref<!tpu.dma_semaphore, #tpu.memory_space<semaphore_mem>>)
      %dma_wait3A_137 = arith.constant 0 : i32
      %dma_wait3A_138 = tpu.memref_slice %arg6[%while3A_123, %dma_wait3A_137] : memref<6x20xi32, #tpu.memory_space<vmem>> -> memref<1x16xi32, #tpu.memory_space<vmem>>
      %dma_wait3A_139 = tpu.memref_squeeze %dma_wait3A_138 : memref<1x16xi32, #tpu.memory_space<vmem>> -> memref<16xi32, #tpu.memory_space<vmem>>
      %dma_wait3A_140 = arith.constant 0 : i32
      %dma_wait3A_141 = arith.constant 0 : i32
      %dma_wait3A_142 = tpu.memref_slice %arg4[%dma_wait3A_140, %dma_wait3A_141] : memref<240x4096xf32, #tpu.memory_space<hbm>> -> memref<240x4096xf32, #tpu.memory_space<hbm>>
      tpu.wait_indirect_dma semaphore(%arg10 : memref<!tpu.dma_semaphore, #tpu.memory_space<semaphore_mem>>) src(%dma_wait3A_142 : memref<240x4096xf32, #tpu.memory_space<hbm>>) dst(%arg8 : memref<16x4096xf32, #tpu.memory_space<vmem>>)
      %dma_wait3A_143 = arith.constant 16 : i32
      %dma_wait3A_144 = tpu.memref_slice %arg6[%while3A_123, %dma_wait3A_143] : memref<6x20xi32, #tpu.memory_space<vmem>> -> memref<1x4xi32, #tpu.memory_space<vmem>>
      %dma_wait3A_145 = tpu.memref_squeeze %dma_wait3A_144 : memref<1x4xi32, #tpu.memory_space<vmem>> -> memref<4xi32, #tpu.memory_space<vmem>>
      %dma_wait3A_146 = arith.constant 0 : i32
      %dma_wait3A_147 = arith.constant 0 : i32
      %dma_wait3A_148 = tpu.memref_slice %arg4[%dma_wait3A_146, %dma_wait3A_147] : memref<240x4096xf32, #tpu.memory_space<hbm>> -> memref<240x4096xf32, #tpu.memory_space<hbm>>
      tpu.wait_indirect_dma semaphore(%arg11 : memref<!tpu.dma_semaphore, #tpu.memory_space<semaphore_mem>>) src(%dma_wait3A_148 : memref<240x4096xf32, #tpu.memory_space<hbm>>) dst(%arg9 : memref<4x4096xf32, #tpu.memory_space<vmem>>)
      %mul3A_149 = arith.constant 8 : i32
      %mul3A_150 = arith.muli %while3A_123, %mul3A_149 : i32
      %add3A_151 = arith.constant 0 : i32
      %add3A_152 = arith.addi %mul3A_150, %add3A_151 : i32
      %dma_start3A_153 = arith.constant 0 : i32
      %dma_start3A_154 = tpu.memref_slice %arg7[%add3A_152, %dma_start3A_153] : memref<48x20xi32, #tpu.memory_space<vmem>> -> memref<1x16xi32, #tpu.memory_space<vmem>>
      %dma_start3A_155 = tpu.memref_squeeze %dma_start3A_154 : memref<1x16xi32, #tpu.memory_space<vmem>> -> memref<16xi32, #tpu.memory_space<vmem>>
      %dma_start3A_156 = arith.constant 0 : i32
      %dma_start3A_157 = arith.constant 0 : i32
      %dma_start3A_158 = tpu.memref_slice %arg5[%dma_start3A_156, %dma_start3A_157] : memref<20480x4096xf32, #tpu.memory_space<hbm>> -> memref<20480x4096xf32, #tpu.memory_space<hbm>>
      tpu.enqueue_indirect_dma source(%arg8 : memref<16x4096xf32, #tpu.memory_space<vmem>>) target(%dma_start3A_158 : memref<20480x4096xf32, #tpu.memory_space<hbm>>) offsets(%dma_start3A_155 : memref<16xi32, #tpu.memory_space<vmem>>) semaphore(%arg12 : memref<!tpu.dma_semaphore, #tpu.memory_space<semaphore_mem>>)
      %mul3A_159 = arith.constant 8 : i32
      %mul3A_160 = arith.muli %while3A_123, %mul3A_159 : i32
      %add3A_161 = arith.constant 0 : i32
      %add3A_162 = arith.addi %mul3A_160, %add3A_161 : i32
      %dma_start3A_163 = arith.constant 16 : i32
      %dma_start3A_164 = tpu.memref_slice %arg7[%add3A_162, %dma_start3A_163] : memref<48x20xi32, #tpu.memory_space<vmem>> -> memref<1x4xi32, #tpu.memory_space<vmem>>
      %dma_start3A_165 = tpu.memref_squeeze %dma_start3A_164 : memref<1x4xi32, #tpu.memory_space<vmem>> -> memref<4xi32, #tpu.memory_space<vmem>>
      %dma_start3A_166 = arith.constant 0 : i32
      %dma_start3A_167 = arith.constant 0 : i32
      %dma_start3A_168 = tpu.memref_slice %arg5[%dma_start3A_166, %dma_start3A_167] : memref<20480x4096xf32, #tpu.memory_space<hbm>> -> memref<20480x4096xf32, #tpu.memory_space<hbm>>
      tpu.enqueue_indirect_dma source(%arg9 : memref<4x4096xf32, #tpu.memory_space<vmem>>) target(%dma_start3A_168 : memref<20480x4096xf32, #tpu.memory_space<hbm>>) offsets(%dma_start3A_165 : memref<4xi32, #tpu.memory_space<vmem>>) semaphore(%arg13 : memref<!tpu.dma_semaphore, #tpu.memory_space<semaphore_mem>>)
      %mul3A_169 = arith.constant 8 : i32
      %mul3A_170 = arith.muli %while3A_123, %mul3A_169 : i32
      %add3A_171 = arith.constant 1 : i32
      %add3A_172 = arith.addi %mul3A_170, %add3A_171 : i32
      %dma_start3A_173 = arith.constant 0 : i32
      %dma_start3A_174 = tpu.memref_slice %arg7[%add3A_172, %dma_start3A_173] : memref<48x20xi32, #tpu.memory_space<vmem>> -> memref<1x16xi32, #tpu.memory_space<vmem>>
      %dma_start3A_175 = tpu.memref_squeeze %dma_start3A_174 : memref<1x16xi32, #tpu.memory_space<vmem>> -> memref<16xi32, #tpu.memory_space<vmem>>
      %dma_start3A_176 = arith.constant 0 : i32
      %dma_start3A_177 = arith.constant 0 : i32
      %dma_start3A_178 = tpu.memref_slice %arg5[%dma_start3A_176, %dma_start3A_177] : memref<20480x4096xf32, #tpu.memory_space<hbm>> -> memref<20480x4096xf32, #tpu.memory_space<hbm>>
      tpu.enqueue_indirect_dma source(%arg8 : memref<16x4096xf32, #tpu.memory_space<vmem>>) target(%dma_start3A_178 : memref<20480x4096xf32, #tpu.memory_space<hbm>>) offsets(%dma_start3A_175 : memref<16xi32, #tpu.memory_space<vmem>>) semaphore(%arg12 : memref<!tpu.dma_semaphore, #tpu.memory_space<semaphore_mem>>)
      %mul3A_179 = arith.constant 8 : i32
      %mul3A_180 = arith.muli %while3A_123, %mul3A_179 : i32
      %add3A_181 = arith.constant 1 : i32
      %add3A_182 = arith.addi %mul3A_180, %add3A_181 : i32
      %dma_start3A_183 = arith.constant 16 : i32
      %dma_start3A_184 = tpu.memref_slice %arg7[%add3A_182, %dma_start3A_183] : memref<48x20xi32, #tpu.memory_space<vmem>> -> memref<1x4xi32, #tpu.memory_space<vmem>>
      %dma_start3A_185 = tpu.memref_squeeze %dma_start3A_184 : memref<1x4xi32, #tpu.memory_space<vmem>> -> memref<4xi32, #tpu.memory_space<vmem>>
      %dma_start3A_186 = arith.constant 0 : i32
      %dma_start3A_187 = arith.constant 0 : i32
      %dma_start3A_188 = tpu.memref_slice %arg5[%dma_start3A_186, %dma_start3A_187] : memref<20480x4096xf32, #tpu.memory_space<hbm>> -> memref<20480x4096xf32, #tpu.memory_space<hbm>>
      tpu.enqueue_indirect_dma source(%arg9 : memref<4x4096xf32, #tpu.memory_space<vmem>>) target(%dma_start3A_188 : memref<20480x4096xf32, #tpu.memory_space<hbm>>) offsets(%dma_start3A_185 : memref<4xi32, #tpu.memory_space<vmem>>) semaphore(%arg13 : memref<!tpu.dma_semaphore, #tpu.memory_space<semaphore_mem>>)
      %mul3A_189 = arith.constant 8 : i32
      %mul3A_190 = arith.muli %while3A_123, %mul3A_189 : i32
      %add3A_191 = arith.constant 2 : i32
      %add3A_192 = arith.addi %mul3A_190, %add3A_191 : i32
      %dma_start3A_193 = arith.constant 0 : i32
      %dma_start3A_194 = tpu.memref_slice %arg7[%add3A_192, %dma_start3A_193] : memref<48x20xi32, #tpu.memory_space<vmem>> -> memref<1x16xi32, #tpu.memory_space<vmem>>
      %dma_start3A_195 = tpu.memref_squeeze %dma_start3A_194 : memref<1x16xi32, #tpu.memory_space<vmem>> -> memref<16xi32, #tpu.memory_space<vmem>>
      %dma_start3A_196 = arith.constant 0 : i32
      %dma_start3A_197 = arith.constant 0 : i32
      %dma_start3A_198 = tpu.memref_slice %arg5[%dma_start3A_196, %dma_start3A_197] : memref<20480x4096xf32, #tpu.memory_space<hbm>> -> memref<20480x4096xf32, #tpu.memory_space<hbm>>
      tpu.enqueue_indirect_dma source(%arg8 : memref<16x4096xf32, #tpu.memory_space<vmem>>) target(%dma_start3A_198 : memref<20480x4096xf32, #tpu.memory_space<hbm>>) offsets(%dma_start3A_195 : memref<16xi32, #tpu.memory_space<vmem>>) semaphore(%arg12 : memref<!tpu.dma_semaphore, #tpu.memory_space<semaphore_mem>>)
      %mul3A_199 = arith.constant 8 : i32
      %mul3A_200 = arith.muli %while3A_123, %mul3A_199 : i32
      %add3A_201 = arith.constant 2 : i32
      %add3A_202 = arith.addi %mul3A_200, %add3A_201 : i32
      %dma_start3A_203 = arith.constant 16 : i32
      %dma_start3A_204 = tpu.memref_slice %arg7[%add3A_202, %dma_start3A_203] : memref<48x20xi32, #tpu.memory_space<vmem>> -> memref<1x4xi32, #tpu.memory_space<vmem>>
      %dma_start3A_205 = tpu.memref_squeeze %dma_start3A_204 : memref<1x4xi32, #tpu.memory_space<vmem>> -> memref<4xi32, #tpu.memory_space<vmem>>
      %dma_start3A_206 = arith.constant 0 : i32
      %dma_start3A_207 = arith.constant 0 : i32
      %dma_start3A_208 = tpu.memref_slice %arg5[%dma_start3A_206, %dma_start3A_207] : memref<20480x4096xf32, #tpu.memory_space<hbm>> -> memref<20480x4096xf32, #tpu.memory_space<hbm>>
      tpu.enqueue_indirect_dma source(%arg9 : memref<4x4096xf32, #tpu.memory_space<vmem>>) target(%dma_start3A_208 : memref<20480x4096xf32, #tpu.memory_space<hbm>>) offsets(%dma_start3A_205 : memref<4xi32, #tpu.memory_space<vmem>>) semaphore(%arg13 : memref<!tpu.dma_semaphore, #tpu.memory_space<semaphore_mem>>)
      %mul3A_209 = arith.constant 8 : i32
      %mul3A_210 = arith.muli %while3A_123, %mul3A_209 : i32
      %add3A_211 = arith.constant 3 : i32
      %add3A_212 = arith.addi %mul3A_210, %add3A_211 : i32
      %dma_start3A_213 = arith.constant 0 : i32
      %dma_start3A_214 = tpu.memref_slice %arg7[%add3A_212, %dma_start3A_213] : memref<48x20xi32, #tpu.memory_space<vmem>> -> memref<1x16xi32, #tpu.memory_space<vmem>>
      %dma_start3A_215 = tpu.memref_squeeze %dma_start3A_214 : memref<1x16xi32, #tpu.memory_space<vmem>> -> memref<16xi32, #tpu.memory_space<vmem>>
      %dma_start3A_216 = arith.constant 0 : i32
      %dma_start3A_217 = arith.constant 0 : i32
      %dma_start3A_218 = tpu.memref_slice %arg5[%dma_start3A_216, %dma_start3A_217] : memref<20480x4096xf32, #tpu.memory_space<hbm>> -> memref<20480x4096xf32, #tpu.memory_space<hbm>>
      tpu.enqueue_indirect_dma source(%arg8 : memref<16x4096xf32, #tpu.memory_space<vmem>>) target(%dma_start3A_218 : memref<20480x4096xf32, #tpu.memory_space<hbm>>) offsets(%dma_start3A_215 : memref<16xi32, #tpu.memory_space<vmem>>) semaphore(%arg12 : memref<!tpu.dma_semaphore, #tpu.memory_space<semaphore_mem>>)
      %mul3A_219 = arith.constant 8 : i32
      %mul3A_220 = arith.muli %while3A_123, %mul3A_219 : i32
      %add3A_221 = arith.constant 3 : i32
      %add3A_222 = arith.addi %mul3A_220, %add3A_221 : i32
      %dma_start3A_223 = arith.constant 16 : i32
      %dma_start3A_224 = tpu.memref_slice %arg7[%add3A_222, %dma_start3A_223] : memref<48x20xi32, #tpu.memory_space<vmem>> -> memref<1x4xi32, #tpu.memory_space<vmem>>
      %dma_start3A_225 = tpu.memref_squeeze %dma_start3A_224 : memref<1x4xi32, #tpu.memory_space<vmem>> -> memref<4xi32, #tpu.memory_space<vmem>>
      %dma_start3A_226 = arith.constant 0 : i32
      %dma_start3A_227 = arith.constant 0 : i32
      %dma_start3A_228 = tpu.memref_slice %arg5[%dma_start3A_226, %dma_start3A_227] : memref<20480x4096xf32, #tpu.memory_space<hbm>> -> memref<20480x4096xf32, #tpu.memory_space<hbm>>
      tpu.enqueue_indirect_dma source(%arg9 : memref<4x4096xf32, #tpu.memory_space<vmem>>) target(%dma_start3A_228 : memref<20480x4096xf32, #tpu.memory_space<hbm>>) offsets(%dma_start3A_225 : memref<4xi32, #tpu.memory_space<vmem>>) semaphore(%arg13 : memref<!tpu.dma_semaphore, #tpu.memory_space<semaphore_mem>>)
      %mul3A_229 = arith.constant 8 : i32
      %mul3A_230 = arith.muli %while3A_123, %mul3A_229 : i32
      %add3A_231 = arith.constant 4 : i32
      %add3A_232 = arith.addi %mul3A_230, %add3A_231 : i32
      %dma_start3A_233 = arith.constant 0 : i32
      %dma_start3A_234 = tpu.memref_slice %arg7[%add3A_232, %dma_start3A_233] : memref<48x20xi32, #tpu.memory_space<vmem>> -> memref<1x16xi32, #tpu.memory_space<vmem>>
      %dma_start3A_235 = tpu.memref_squeeze %dma_start3A_234 : memref<1x16xi32, #tpu.memory_space<vmem>> -> memref<16xi32, #tpu.memory_space<vmem>>
      %dma_start3A_236 = arith.constant 0 : i32
      %dma_start3A_237 = arith.constant 0 : i32
      %dma_start3A_238 = tpu.memref_slice %arg5[%dma_start3A_236, %dma_start3A_237] : memref<20480x4096xf32, #tpu.memory_space<hbm>> -> memref<20480x4096xf32, #tpu.memory_space<hbm>>
      tpu.enqueue_indirect_dma source(%arg8 : memref<16x4096xf32, #tpu.memory_space<vmem>>) target(%dma_start3A_238 : memref<20480x4096xf32, #tpu.memory_space<hbm>>) offsets(%dma_start3A_235 : memref<16xi32, #tpu.memory_space<vmem>>) semaphore(%arg12 : memref<!tpu.dma_semaphore, #tpu.memory_space<semaphore_mem>>)
      %mul3A_239 = arith.constant 8 : i32
      %mul3A_240 = arith.muli %while3A_123, %mul3A_239 : i32
      %add3A_241 = arith.constant 4 : i32
      %add3A_242 = arith.addi %mul3A_240, %add3A_241 : i32
      %dma_start3A_243 = arith.constant 16 : i32
      %dma_start3A_244 = tpu.memref_slice %arg7[%add3A_242, %dma_start3A_243] : memref<48x20xi32, #tpu.memory_space<vmem>> -> memref<1x4xi32, #tpu.memory_space<vmem>>
      %dma_start3A_245 = tpu.memref_squeeze %dma_start3A_244 : memref<1x4xi32, #tpu.memory_space<vmem>> -> memref<4xi32, #tpu.memory_space<vmem>>
      %dma_start3A_246 = arith.constant 0 : i32
      %dma_start3A_247 = arith.constant 0 : i32
      %dma_start3A_248 = tpu.memref_slice %arg5[%dma_start3A_246, %dma_start3A_247] : memref<20480x4096xf32, #tpu.memory_space<hbm>> -> memref<20480x4096xf32, #tpu.memory_space<hbm>>
      tpu.enqueue_indirect_dma source(%arg9 : memref<4x4096xf32, #tpu.memory_space<vmem>>) target(%dma_start3A_248 : memref<20480x4096xf32, #tpu.memory_space<hbm>>) offsets(%dma_start3A_245 : memref<4xi32, #tpu.memory_space<vmem>>) semaphore(%arg13 : memref<!tpu.dma_semaphore, #tpu.memory_space<semaphore_mem>>)
      %mul3A_249 = arith.constant 8 : i32
      %mul3A_250 = arith.muli %while3A_123, %mul3A_249 : i32
      %add3A_251 = arith.constant 5 : i32
      %add3A_252 = arith.addi %mul3A_250, %add3A_251 : i32
      %dma_start3A_253 = arith.constant 0 : i32
      %dma_start3A_254 = tpu.memref_slice %arg7[%add3A_252, %dma_start3A_253] : memref<48x20xi32, #tpu.memory_space<vmem>> -> memref<1x16xi32, #tpu.memory_space<vmem>>
      %dma_start3A_255 = tpu.memref_squeeze %dma_start3A_254 : memref<1x16xi32, #tpu.memory_space<vmem>> -> memref<16xi32, #tpu.memory_space<vmem>>
      %dma_start3A_256 = arith.constant 0 : i32
      %dma_start3A_257 = arith.constant 0 : i32
      %dma_start3A_258 = tpu.memref_slice %arg5[%dma_start3A_256, %dma_start3A_257] : memref<20480x4096xf32, #tpu.memory_space<hbm>> -> memref<20480x4096xf32, #tpu.memory_space<hbm>>
      tpu.enqueue_indirect_dma source(%arg8 : memref<16x4096xf32, #tpu.memory_space<vmem>>) target(%dma_start3A_258 : memref<20480x4096xf32, #tpu.memory_space<hbm>>) offsets(%dma_start3A_255 : memref<16xi32, #tpu.memory_space<vmem>>) semaphore(%arg12 : memref<!tpu.dma_semaphore, #tpu.memory_space<semaphore_mem>>)
      %mul3A_259 = arith.constant 8 : i32
      %mul3A_260 = arith.muli %while3A_123, %mul3A_259 : i32
      %add3A_261 = arith.constant 5 : i32
      %add3A_262 = arith.addi %mul3A_260, %add3A_261 : i32
      %dma_start3A_263 = arith.constant 16 : i32
      %dma_start3A_264 = tpu.memref_slice %arg7[%add3A_262, %dma_start3A_263] : memref<48x20xi32, #tpu.memory_space<vmem>> -> memref<1x4xi32, #tpu.memory_space<vmem>>
      %dma_start3A_265 = tpu.memref_squeeze %dma_start3A_264 : memref<1x4xi32, #tpu.memory_space<vmem>> -> memref<4xi32, #tpu.memory_space<vmem>>
      %dma_start3A_266 = arith.constant 0 : i32
      %dma_start3A_267 = arith.constant 0 : i32
      %dma_start3A_268 = tpu.memref_slice %arg5[%dma_start3A_266, %dma_start3A_267] : memref<20480x4096xf32, #tpu.memory_space<hbm>> -> memref<20480x4096xf32, #tpu.memory_space<hbm>>
      tpu.enqueue_indirect_dma source(%arg9 : memref<4x4096xf32, #tpu.memory_space<vmem>>) target(%dma_start3A_268 : memref<20480x4096xf32, #tpu.memory_space<hbm>>) offsets(%dma_start3A_265 : memref<4xi32, #tpu.memory_space<vmem>>) semaphore(%arg13 : memref<!tpu.dma_semaphore, #tpu.memory_space<semaphore_mem>>)
      %mul3A_269 = arith.constant 8 : i32
      %mul3A_270 = arith.muli %while3A_123, %mul3A_269 : i32
      %add3A_271 = arith.constant 6 : i32
      %add3A_272 = arith.addi %mul3A_270, %add3A_271 : i32
      %dma_start3A_273 = arith.constant 0 : i32
      %dma_start3A_274 = tpu.memref_slice %arg7[%add3A_272, %dma_start3A_273] : memref<48x20xi32, #tpu.memory_space<vmem>> -> memref<1x16xi32, #tpu.memory_space<vmem>>
      %dma_start3A_275 = tpu.memref_squeeze %dma_start3A_274 : memref<1x16xi32, #tpu.memory_space<vmem>> -> memref<16xi32, #tpu.memory_space<vmem>>
      %dma_start3A_276 = arith.constant 0 : i32
      %dma_start3A_277 = arith.constant 0 : i32
      %dma_start3A_278 = tpu.memref_slice %arg5[%dma_start3A_276, %dma_start3A_277] : memref<20480x4096xf32, #tpu.memory_space<hbm>> -> memref<20480x4096xf32, #tpu.memory_space<hbm>>
      tpu.enqueue_indirect_dma source(%arg8 : memref<16x4096xf32, #tpu.memory_space<vmem>>) target(%dma_start3A_278 : memref<20480x4096xf32, #tpu.memory_space<hbm>>) offsets(%dma_start3A_275 : memref<16xi32, #tpu.memory_space<vmem>>) semaphore(%arg12 : memref<!tpu.dma_semaphore, #tpu.memory_space<semaphore_mem>>)
      %mul3A_279 = arith.constant 8 : i32
      %mul3A_280 = arith.muli %while3A_123, %mul3A_279 : i32
      %add3A_281 = arith.constant 6 : i32
      %add3A_282 = arith.addi %mul3A_280, %add3A_281 : i32
      %dma_start3A_283 = arith.constant 16 : i32
      %dma_start3A_284 = tpu.memref_slice %arg7[%add3A_282, %dma_start3A_283] : memref<48x20xi32, #tpu.memory_space<vmem>> -> memref<1x4xi32, #tpu.memory_space<vmem>>
      %dma_start3A_285 = tpu.memref_squeeze %dma_start3A_284 : memref<1x4xi32, #tpu.memory_space<vmem>> -> memref<4xi32, #tpu.memory_space<vmem>>
      %dma_start3A_286 = arith.constant 0 : i32
      %dma_start3A_287 = arith.constant 0 : i32
      %dma_start3A_288 = tpu.memref_slice %arg5[%dma_start3A_286, %dma_start3A_287] : memref<20480x4096xf32, #tpu.memory_space<hbm>> -> memref<20480x4096xf32, #tpu.memory_space<hbm>>
      tpu.enqueue_indirect_dma source(%arg9 : memref<4x4096xf32, #tpu.memory_space<vmem>>) target(%dma_start3A_288 : memref<20480x4096xf32, #tpu.memory_space<hbm>>) offsets(%dma_start3A_285 : memref<4xi32, #tpu.memory_space<vmem>>) semaphore(%arg13 : memref<!tpu.dma_semaphore, #tpu.memory_space<semaphore_mem>>)
      %mul3A_289 = arith.constant 8 : i32
      %mul3A_290 = arith.muli %while3A_123, %mul3A_289 : i32
      %add3A_291 = arith.constant 7 : i32
      %add3A_292 = arith.addi %mul3A_290, %add3A_291 : i32
      %dma_start3A_293 = arith.constant 0 : i32
      %dma_start3A_294 = tpu.memref_slice %arg7[%add3A_292, %dma_start3A_293] : memref<48x20xi32, #tpu.memory_space<vmem>> -> memref<1x16xi32, #tpu.memory_space<vmem>>
      %dma_start3A_295 = tpu.memref_squeeze %dma_start3A_294 : memref<1x16xi32, #tpu.memory_space<vmem>> -> memref<16xi32, #tpu.memory_space<vmem>>
      %dma_start3A_296 = arith.constant 0 : i32
      %dma_start3A_297 = arith.constant 0 : i32
      %dma_start3A_298 = tpu.memref_slice %arg5[%dma_start3A_296, %dma_start3A_297] : memref<20480x4096xf32, #tpu.memory_space<hbm>> -> memref<20480x4096xf32, #tpu.memory_space<hbm>>
      tpu.enqueue_indirect_dma source(%arg8 : memref<16x4096xf32, #tpu.memory_space<vmem>>) target(%dma_start3A_298 : memref<20480x4096xf32, #tpu.memory_space<hbm>>) offsets(%dma_start3A_295 : memref<16xi32, #tpu.memory_space<vmem>>) semaphore(%arg12 : memref<!tpu.dma_semaphore, #tpu.memory_space<semaphore_mem>>)
      %mul3A_299 = arith.constant 8 : i32
      %mul3A_300 = arith.muli %while3A_123, %mul3A_299 : i32
      %add3A_301 = arith.constant 7 : i32
      %add3A_302 = arith.addi %mul3A_300, %add3A_301 : i32
      %dma_start3A_303 = arith.constant 16 : i32
      %dma_start3A_304 = tpu.memref_slice %arg7[%add3A_302, %dma_start3A_303] : memref<48x20xi32, #tpu.memory_space<vmem>> -> memref<1x4xi32, #tpu.memory_space<vmem>>
      %dma_start3A_305 = tpu.memref_squeeze %dma_start3A_304 : memref<1x4xi32, #tpu.memory_space<vmem>> -> memref<4xi32, #tpu.memory_space<vmem>>
      %dma_start3A_306 = arith.constant 0 : i32
      %dma_start3A_307 = arith.constant 0 : i32
      %dma_start3A_308 = tpu.memref_slice %arg5[%dma_start3A_306, %dma_start3A_307] : memref<20480x4096xf32, #tpu.memory_space<hbm>> -> memref<20480x4096xf32, #tpu.memory_space<hbm>>
      tpu.enqueue_indirect_dma source(%arg9 : memref<4x4096xf32, #tpu.memory_space<vmem>>) target(%dma_start3A_308 : memref<20480x4096xf32, #tpu.memory_space<hbm>>) offsets(%dma_start3A_305 : memref<4xi32, #tpu.memory_space<vmem>>) semaphore(%arg13 : memref<!tpu.dma_semaphore, #tpu.memory_space<semaphore_mem>>)
    }
    %while3A_11 = arith.constant 1 : i32
    scf.for %while3A_123 = %while3A_9 to %while3A_5 step %while3A_11  : i32 {
      %gt3A = arith.constant 0 : i32
      %gt3A_124 = arith.cmpi sgt, %while3A_123, %gt3A : i32
      %convert_element_type3A = arith.extui %gt3A_124 : i1 to i32
      %cond3A = arith.constant 0 : i32
      %cond3A_125 = arith.cmpi ne, %convert_element_type3A, %cond3A : i32
      scf.if %cond3A_125 {
        %dma_wait3A_309 = arith.constant 0 : i32
        %dma_wait3A_310 = arith.constant 0 : i32
        %dma_wait3A_311 = tpu.memref_slice %arg7[%dma_wait3A_309, %dma_wait3A_310] : memref<48x20xi32, #tpu.memory_space<vmem>> -> memref<1x16xi32, #tpu.memory_space<vmem>>
        %dma_wait3A_312 = tpu.memref_squeeze %dma_wait3A_311 : memref<1x16xi32, #tpu.memory_space<vmem>> -> memref<16xi32, #tpu.memory_space<vmem>>
        %dma_wait3A_313 = arith.constant 0 : i32
        %dma_wait3A_314 = arith.constant 0 : i32
        %dma_wait3A_315 = tpu.memref_slice %arg5[%dma_wait3A_313, %dma_wait3A_314] : memref<20480x4096xf32, #tpu.memory_space<hbm>> -> memref<20480x4096xf32, #tpu.memory_space<hbm>>
        tpu.wait_indirect_dma semaphore(%arg12 : memref<!tpu.dma_semaphore, #tpu.memory_space<semaphore_mem>>) src(%arg8 : memref<16x4096xf32, #tpu.memory_space<vmem>>) dst(%dma_wait3A_315 : memref<20480x4096xf32, #tpu.memory_space<hbm>>)
        %dma_wait3A_316 = arith.constant 0 : i32
        %dma_wait3A_317 = arith.constant 0 : i32
        %dma_wait3A_318 = tpu.memref_slice %arg7[%dma_wait3A_316, %dma_wait3A_317] : memref<48x20xi32, #tpu.memory_space<vmem>> -> memref<1x16xi32, #tpu.memory_space<vmem>>
        %dma_wait3A_319 = tpu.memref_squeeze %dma_wait3A_318 : memref<1x16xi32, #tpu.memory_space<vmem>> -> memref<16xi32, #tpu.memory_space<vmem>>
        %dma_wait3A_320 = arith.constant 0 : i32
        %dma_wait3A_321 = arith.constant 0 : i32
        %dma_wait3A_322 = tpu.memref_slice %arg5[%dma_wait3A_320, %dma_wait3A_321] : memref<20480x4096xf32, #tpu.memory_space<hbm>> -> memref<20480x4096xf32, #tpu.memory_space<hbm>>
        tpu.wait_indirect_dma semaphore(%arg12 : memref<!tpu.dma_semaphore, #tpu.memory_space<semaphore_mem>>) src(%arg8 : memref<16x4096xf32, #tpu.memory_space<vmem>>) dst(%dma_wait3A_322 : memref<20480x4096xf32, #tpu.memory_space<hbm>>)
        %dma_wait3A_323 = arith.constant 0 : i32
        %dma_wait3A_324 = arith.constant 0 : i32
        %dma_wait3A_325 = tpu.memref_slice %arg7[%dma_wait3A_323, %dma_wait3A_324] : memref<48x20xi32, #tpu.memory_space<vmem>> -> memref<1x16xi32, #tpu.memory_space<vmem>>
        %dma_wait3A_326 = tpu.memref_squeeze %dma_wait3A_325 : memref<1x16xi32, #tpu.memory_space<vmem>> -> memref<16xi32, #tpu.memory_space<vmem>>
        %dma_wait3A_327 = arith.constant 0 : i32
        %dma_wait3A_328 = arith.constant 0 : i32
        %dma_wait3A_329 = tpu.memref_slice %arg5[%dma_wait3A_327, %dma_wait3A_328] : memref<20480x4096xf32, #tpu.memory_space<hbm>> -> memref<20480x4096xf32, #tpu.memory_space<hbm>>
        tpu.wait_indirect_dma semaphore(%arg12 : memref<!tpu.dma_semaphore, #tpu.memory_space<semaphore_mem>>) src(%arg8 : memref<16x4096xf32, #tpu.memory_space<vmem>>) dst(%dma_wait3A_329 : memref<20480x4096xf32, #tpu.memory_space<hbm>>)
        %dma_wait3A_330 = arith.constant 0 : i32
        %dma_wait3A_331 = arith.constant 0 : i32
        %dma_wait3A_332 = tpu.memref_slice %arg7[%dma_wait3A_330, %dma_wait3A_331] : memref<48x20xi32, #tpu.memory_space<vmem>> -> memref<1x16xi32, #tpu.memory_space<vmem>>
        %dma_wait3A_333 = tpu.memref_squeeze %dma_wait3A_332 : memref<1x16xi32, #tpu.memory_space<vmem>> -> memref<16xi32, #tpu.memory_space<vmem>>
        %dma_wait3A_334 = arith.constant 0 : i32
        %dma_wait3A_335 = arith.constant 0 : i32
        %dma_wait3A_336 = tpu.memref_slice %arg5[%dma_wait3A_334, %dma_wait3A_335] : memref<20480x4096xf32, #tpu.memory_space<hbm>> -> memref<20480x4096xf32, #tpu.memory_space<hbm>>
        tpu.wait_indirect_dma semaphore(%arg12 : memref<!tpu.dma_semaphore, #tpu.memory_space<semaphore_mem>>) src(%arg8 : memref<16x4096xf32, #tpu.memory_space<vmem>>) dst(%dma_wait3A_336 : memref<20480x4096xf32, #tpu.memory_space<hbm>>)
        %dma_wait3A_337 = arith.constant 0 : i32
        %dma_wait3A_338 = arith.constant 0 : i32
        %dma_wait3A_339 = tpu.memref_slice %arg7[%dma_wait3A_337, %dma_wait3A_338] : memref<48x20xi32, #tpu.memory_space<vmem>> -> memref<1x16xi32, #tpu.memory_space<vmem>>
        %dma_wait3A_340 = tpu.memref_squeeze %dma_wait3A_339 : memref<1x16xi32, #tpu.memory_space<vmem>> -> memref<16xi32, #tpu.memory_space<vmem>>
        %dma_wait3A_341 = arith.constant 0 : i32
        %dma_wait3A_342 = arith.constant 0 : i32
        %dma_wait3A_343 = tpu.memref_slice %arg5[%dma_wait3A_341, %dma_wait3A_342] : memref<20480x4096xf32, #tpu.memory_space<hbm>> -> memref<20480x4096xf32, #tpu.memory_space<hbm>>
        tpu.wait_indirect_dma semaphore(%arg12 : memref<!tpu.dma_semaphore, #tpu.memory_space<semaphore_mem>>) src(%arg8 : memref<16x4096xf32, #tpu.memory_space<vmem>>) dst(%dma_wait3A_343 : memref<20480x4096xf32, #tpu.memory_space<hbm>>)
        %dma_wait3A_344 = arith.constant 0 : i32
        %dma_wait3A_345 = arith.constant 0 : i32
        %dma_wait3A_346 = tpu.memref_slice %arg7[%dma_wait3A_344, %dma_wait3A_345] : memref<48x20xi32, #tpu.memory_space<vmem>> -> memref<1x16xi32, #tpu.memory_space<vmem>>
        %dma_wait3A_347 = tpu.memref_squeeze %dma_wait3A_346 : memref<1x16xi32, #tpu.memory_space<vmem>> -> memref<16xi32, #tpu.memory_space<vmem>>
        %dma_wait3A_348 = arith.constant 0 : i32
        %dma_wait3A_349 = arith.constant 0 : i32
        %dma_wait3A_350 = tpu.memref_slice %arg5[%dma_wait3A_348, %dma_wait3A_349] : memref<20480x4096xf32, #tpu.memory_space<hbm>> -> memref<20480x4096xf32, #tpu.memory_space<hbm>>
        tpu.wait_indirect_dma semaphore(%arg12 : memref<!tpu.dma_semaphore, #tpu.memory_space<semaphore_mem>>) src(%arg8 : memref<16x4096xf32, #tpu.memory_space<vmem>>) dst(%dma_wait3A_350 : memref<20480x4096xf32, #tpu.memory_space<hbm>>)
        %dma_wait3A_351 = arith.constant 0 : i32
        %dma_wait3A_352 = arith.constant 0 : i32
        %dma_wait3A_353 = tpu.memref_slice %arg7[%dma_wait3A_351, %dma_wait3A_352] : memref<48x20xi32, #tpu.memory_space<vmem>> -> memref<1x16xi32, #tpu.memory_space<vmem>>
        %dma_wait3A_354 = tpu.memref_squeeze %dma_wait3A_353 : memref<1x16xi32, #tpu.memory_space<vmem>> -> memref<16xi32, #tpu.memory_space<vmem>>
        %dma_wait3A_355 = arith.constant 0 : i32
        %dma_wait3A_356 = arith.constant 0 : i32
        %dma_wait3A_357 = tpu.memref_slice %arg5[%dma_wait3A_355, %dma_wait3A_356] : memref<20480x4096xf32, #tpu.memory_space<hbm>> -> memref<20480x4096xf32, #tpu.memory_space<hbm>>
        tpu.wait_indirect_dma semaphore(%arg12 : memref<!tpu.dma_semaphore, #tpu.memory_space<semaphore_mem>>) src(%arg8 : memref<16x4096xf32, #tpu.memory_space<vmem>>) dst(%dma_wait3A_357 : memref<20480x4096xf32, #tpu.memory_space<hbm>>)
        %dma_wait3A_358 = arith.constant 0 : i32
        %dma_wait3A_359 = arith.constant 0 : i32
        %dma_wait3A_360 = tpu.memref_slice %arg7[%dma_wait3A_358, %dma_wait3A_359] : memref<48x20xi32, #tpu.memory_space<vmem>> -> memref<1x16xi32, #tpu.memory_space<vmem>>
        %dma_wait3A_361 = tpu.memref_squeeze %dma_wait3A_360 : memref<1x16xi32, #tpu.memory_space<vmem>> -> memref<16xi32, #tpu.memory_space<vmem>>
        %dma_wait3A_362 = arith.constant 0 : i32
        %dma_wait3A_363 = arith.constant 0 : i32
        %dma_wait3A_364 = tpu.memref_slice %arg5[%dma_wait3A_362, %dma_wait3A_363] : memref<20480x4096xf32, #tpu.memory_space<hbm>> -> memref<20480x4096xf32, #tpu.memory_space<hbm>>
        tpu.wait_indirect_dma semaphore(%arg12 : memref<!tpu.dma_semaphore, #tpu.memory_space<semaphore_mem>>) src(%arg8 : memref<16x4096xf32, #tpu.memory_space<vmem>>) dst(%dma_wait3A_364 : memref<20480x4096xf32, #tpu.memory_space<hbm>>)
        %dma_wait3A_365 = arith.constant 0 : i32
        %dma_wait3A_366 = arith.constant 16 : i32
        %dma_wait3A_367 = tpu.memref_slice %arg7[%dma_wait3A_365, %dma_wait3A_366] : memref<48x20xi32, #tpu.memory_space<vmem>> -> memref<1x4xi32, #tpu.memory_space<vmem>>
        %dma_wait3A_368 = tpu.memref_squeeze %dma_wait3A_367 : memref<1x4xi32, #tpu.memory_space<vmem>> -> memref<4xi32, #tpu.memory_space<vmem>>
        %dma_wait3A_369 = arith.constant 0 : i32
        %dma_wait3A_370 = arith.constant 0 : i32
        %dma_wait3A_371 = tpu.memref_slice %arg5[%dma_wait3A_369, %dma_wait3A_370] : memref<20480x4096xf32, #tpu.memory_space<hbm>> -> memref<20480x4096xf32, #tpu.memory_space<hbm>>
        tpu.wait_indirect_dma semaphore(%arg13 : memref<!tpu.dma_semaphore, #tpu.memory_space<semaphore_mem>>) src(%arg9 : memref<4x4096xf32, #tpu.memory_space<vmem>>) dst(%dma_wait3A_371 : memref<20480x4096xf32, #tpu.memory_space<hbm>>)
        %dma_wait3A_372 = arith.constant 0 : i32
        %dma_wait3A_373 = arith.constant 16 : i32
        %dma_wait3A_374 = tpu.memref_slice %arg7[%dma_wait3A_372, %dma_wait3A_373] : memref<48x20xi32, #tpu.memory_space<vmem>> -> memref<1x4xi32, #tpu.memory_space<vmem>>
        %dma_wait3A_375 = tpu.memref_squeeze %dma_wait3A_374 : memref<1x4xi32, #tpu.memory_space<vmem>> -> memref<4xi32, #tpu.memory_space<vmem>>
        %dma_wait3A_376 = arith.constant 0 : i32
        %dma_wait3A_377 = arith.constant 0 : i32
        %dma_wait3A_378 = tpu.memref_slice %arg5[%dma_wait3A_376, %dma_wait3A_377] : memref<20480x4096xf32, #tpu.memory_space<hbm>> -> memref<20480x4096xf32, #tpu.memory_space<hbm>>
        tpu.wait_indirect_dma semaphore(%arg13 : memref<!tpu.dma_semaphore, #tpu.memory_space<semaphore_mem>>) src(%arg9 : memref<4x4096xf32, #tpu.memory_space<vmem>>) dst(%dma_wait3A_378 : memref<20480x4096xf32, #tpu.memory_space<hbm>>)
        %dma_wait3A_379 = arith.constant 0 : i32
        %dma_wait3A_380 = arith.constant 16 : i32
        %dma_wait3A_381 = tpu.memref_slice %arg7[%dma_wait3A_379, %dma_wait3A_380] : memref<48x20xi32, #tpu.memory_space<vmem>> -> memref<1x4xi32, #tpu.memory_space<vmem>>
        %dma_wait3A_382 = tpu.memref_squeeze %dma_wait3A_381 : memref<1x4xi32, #tpu.memory_space<vmem>> -> memref<4xi32, #tpu.memory_space<vmem>>
        %dma_wait3A_383 = arith.constant 0 : i32
        %dma_wait3A_384 = arith.constant 0 : i32
        %dma_wait3A_385 = tpu.memref_slice %arg5[%dma_wait3A_383, %dma_wait3A_384] : memref<20480x4096xf32, #tpu.memory_space<hbm>> -> memref<20480x4096xf32, #tpu.memory_space<hbm>>
        tpu.wait_indirect_dma semaphore(%arg13 : memref<!tpu.dma_semaphore, #tpu.memory_space<semaphore_mem>>) src(%arg9 : memref<4x4096xf32, #tpu.memory_space<vmem>>) dst(%dma_wait3A_385 : memref<20480x4096xf32, #tpu.memory_space<hbm>>)
        %dma_wait3A_386 = arith.constant 0 : i32
        %dma_wait3A_387 = arith.constant 16 : i32
        %dma_wait3A_388 = tpu.memref_slice %arg7[%dma_wait3A_386, %dma_wait3A_387] : memref<48x20xi32, #tpu.memory_space<vmem>> -> memref<1x4xi32, #tpu.memory_space<vmem>>
        %dma_wait3A_389 = tpu.memref_squeeze %dma_wait3A_388 : memref<1x4xi32, #tpu.memory_space<vmem>> -> memref<4xi32, #tpu.memory_space<vmem>>
        %dma_wait3A_390 = arith.constant 0 : i32
        %dma_wait3A_391 = arith.constant 0 : i32
        %dma_wait3A_392 = tpu.memref_slice %arg5[%dma_wait3A_390, %dma_wait3A_391] : memref<20480x4096xf32, #tpu.memory_space<hbm>> -> memref<20480x4096xf32, #tpu.memory_space<hbm>>
        tpu.wait_indirect_dma semaphore(%arg13 : memref<!tpu.dma_semaphore, #tpu.memory_space<semaphore_mem>>) src(%arg9 : memref<4x4096xf32, #tpu.memory_space<vmem>>) dst(%dma_wait3A_392 : memref<20480x4096xf32, #tpu.memory_space<hbm>>)
        %dma_wait3A_393 = arith.constant 0 : i32
        %dma_wait3A_394 = arith.constant 16 : i32
        %dma_wait3A_395 = tpu.memref_slice %arg7[%dma_wait3A_393, %dma_wait3A_394] : memref<48x20xi32, #tpu.memory_space<vmem>> -> memref<1x4xi32, #tpu.memory_space<vmem>>
        %dma_wait3A_396 = tpu.memref_squeeze %dma_wait3A_395 : memref<1x4xi32, #tpu.memory_space<vmem>> -> memref<4xi32, #tpu.memory_space<vmem>>
        %dma_wait3A_397 = arith.constant 0 : i32
        %dma_wait3A_398 = arith.constant 0 : i32
        %dma_wait3A_399 = tpu.memref_slice %arg5[%dma_wait3A_397, %dma_wait3A_398] : memref<20480x4096xf32, #tpu.memory_space<hbm>> -> memref<20480x4096xf32, #tpu.memory_space<hbm>>
        tpu.wait_indirect_dma semaphore(%arg13 : memref<!tpu.dma_semaphore, #tpu.memory_space<semaphore_mem>>) src(%arg9 : memref<4x4096xf32, #tpu.memory_space<vmem>>) dst(%dma_wait3A_399 : memref<20480x4096xf32, #tpu.memory_space<hbm>>)
        %dma_wait3A_400 = arith.constant 0 : i32
        %dma_wait3A_401 = arith.constant 16 : i32
        %dma_wait3A_402 = tpu.memref_slice %arg7[%dma_wait3A_400, %dma_wait3A_401] : memref<48x20xi32, #tpu.memory_space<vmem>> -> memref<1x4xi32, #tpu.memory_space<vmem>>
        %dma_wait3A_403 = tpu.memref_squeeze %dma_wait3A_402 : memref<1x4xi32, #tpu.memory_space<vmem>> -> memref<4xi32, #tpu.memory_space<vmem>>
        %dma_wait3A_404 = arith.constant 0 : i32
        %dma_wait3A_405 = arith.constant 0 : i32
        %dma_wait3A_406 = tpu.memref_slice %arg5[%dma_wait3A_404, %dma_wait3A_405] : memref<20480x4096xf32, #tpu.memory_space<hbm>> -> memref<20480x4096xf32, #tpu.memory_space<hbm>>
        tpu.wait_indirect_dma semaphore(%arg13 : memref<!tpu.dma_semaphore, #tpu.memory_space<semaphore_mem>>) src(%arg9 : memref<4x4096xf32, #tpu.memory_space<vmem>>) dst(%dma_wait3A_406 : memref<20480x4096xf32, #tpu.memory_space<hbm>>)
        %dma_wait3A_407 = arith.constant 0 : i32
        %dma_wait3A_408 = arith.constant 16 : i32
        %dma_wait3A_409 = tpu.memref_slice %arg7[%dma_wait3A_407, %dma_wait3A_408] : memref<48x20xi32, #tpu.memory_space<vmem>> -> memref<1x4xi32, #tpu.memory_space<vmem>>
        %dma_wait3A_410 = tpu.memref_squeeze %dma_wait3A_409 : memref<1x4xi32, #tpu.memory_space<vmem>> -> memref<4xi32, #tpu.memory_space<vmem>>
        %dma_wait3A_411 = arith.constant 0 : i32
        %dma_wait3A_412 = arith.constant 0 : i32
        %dma_wait3A_413 = tpu.memref_slice %arg5[%dma_wait3A_411, %dma_wait3A_412] : memref<20480x4096xf32, #tpu.memory_space<hbm>> -> memref<20480x4096xf32, #tpu.memory_space<hbm>>
        tpu.wait_indirect_dma semaphore(%arg13 : memref<!tpu.dma_semaphore, #tpu.memory_space<semaphore_mem>>) src(%arg9 : memref<4x4096xf32, #tpu.memory_space<vmem>>) dst(%dma_wait3A_413 : memref<20480x4096xf32, #tpu.memory_space<hbm>>)
        %dma_wait3A_414 = arith.constant 0 : i32
        %dma_wait3A_415 = arith.constant 16 : i32
        %dma_wait3A_416 = tpu.memref_slice %arg7[%dma_wait3A_414, %dma_wait3A_415] : memref<48x20xi32, #tpu.memory_space<vmem>> -> memref<1x4xi32, #tpu.memory_space<vmem>>
        %dma_wait3A_417 = tpu.memref_squeeze %dma_wait3A_416 : memref<1x4xi32, #tpu.memory_space<vmem>> -> memref<4xi32, #tpu.memory_space<vmem>>
        %dma_wait3A_418 = arith.constant 0 : i32
        %dma_wait3A_419 = arith.constant 0 : i32
        %dma_wait3A_420 = tpu.memref_slice %arg5[%dma_wait3A_418, %dma_wait3A_419] : memref<20480x4096xf32, #tpu.memory_space<hbm>> -> memref<20480x4096xf32, #tpu.memory_space<hbm>>
        tpu.wait_indirect_dma semaphore(%arg13 : memref<!tpu.dma_semaphore, #tpu.memory_space<semaphore_mem>>) src(%arg9 : memref<4x4096xf32, #tpu.memory_space<vmem>>) dst(%dma_wait3A_420 : memref<20480x4096xf32, #tpu.memory_space<hbm>>)
      } else {
      }
      %dma_start3A = arith.constant 0 : i32
      %dma_start3A_126 = tpu.memref_slice %arg6[%while3A_123, %dma_start3A] : memref<6x20xi32, #tpu.memory_space<vmem>> -> memref<1x16xi32, #tpu.memory_space<vmem>>
      %dma_start3A_127 = tpu.memref_squeeze %dma_start3A_126 : memref<1x16xi32, #tpu.memory_space<vmem>> -> memref<16xi32, #tpu.memory_space<vmem>>
      %dma_start3A_128 = arith.constant 0 : i32
      %dma_start3A_129 = arith.constant 0 : i32
      %dma_start3A_130 = tpu.memref_slice %arg4[%dma_start3A_128, %dma_start3A_129] : memref<240x4096xf32, #tpu.memory_space<hbm>> -> memref<240x4096xf32, #tpu.memory_space<hbm>>
      tpu.enqueue_indirect_dma source(%dma_start3A_130 : memref<240x4096xf32, #tpu.memory_space<hbm>>) target(%arg8 : memref<16x4096xf32, #tpu.memory_space<vmem>>) offsets(%dma_start3A_127 : memref<16xi32, #tpu.memory_space<vmem>>) semaphore(%arg10 : memref<!tpu.dma_semaphore, #tpu.memory_space<semaphore_mem>>)
      %dma_start3A_131 = arith.constant 16 : i32
      %dma_start3A_132 = tpu.memref_slice %arg6[%while3A_123, %dma_start3A_131] : memref<6x20xi32, #tpu.memory_space<vmem>> -> memref<1x4xi32, #tpu.memory_space<vmem>>
      %dma_start3A_133 = tpu.memref_squeeze %dma_start3A_132 : memref<1x4xi32, #tpu.memory_space<vmem>> -> memref<4xi32, #tpu.memory_space<vmem>>
      %dma_start3A_134 = arith.constant 0 : i32
      %dma_start3A_135 = arith.constant 0 : i32
      %dma_start3A_136 = tpu.memref_slice %arg4[%dma_start3A_134, %dma_start3A_135] : memref<240x4096xf32, #tpu.memory_space<hbm>> -> memref<240x4096xf32, #tpu.memory_space<hbm>>
      tpu.enqueue_indirect_dma source(%dma_start3A_136 : memref<240x4096xf32, #tpu.memory_space<hbm>>) target(%arg9 : memref<4x4096xf32, #tpu.memory_space<vmem>>) offsets(%dma_start3A_133 : memref<4xi32, #tpu.memory_space<vmem>>) semaphore(%arg11 : memref<!tpu.dma_semaphore, #tpu.memory_space<semaphore_mem>>)
      %dma_wait3A_137 = arith.constant 0 : i32
      %dma_wait3A_138 = tpu.memref_slice %arg6[%while3A_123, %dma_wait3A_137] : memref<6x20xi32, #tpu.memory_space<vmem>> -> memref<1x16xi32, #tpu.memory_space<vmem>>
      %dma_wait3A_139 = tpu.memref_squeeze %dma_wait3A_138 : memref<1x16xi32, #tpu.memory_space<vmem>> -> memref<16xi32, #tpu.memory_space<vmem>>
      %dma_wait3A_140 = arith.constant 0 : i32
      %dma_wait3A_141 = arith.constant 0 : i32
      %dma_wait3A_142 = tpu.memref_slice %arg4[%dma_wait3A_140, %dma_wait3A_141] : memref<240x4096xf32, #tpu.memory_space<hbm>> -> memref<240x4096xf32, #tpu.memory_space<hbm>>
      tpu.wait_indirect_dma semaphore(%arg10 : memref<!tpu.dma_semaphore, #tpu.memory_space<semaphore_mem>>) src(%dma_wait3A_142 : memref<240x4096xf32, #tpu.memory_space<hbm>>) dst(%arg8 : memref<16x4096xf32, #tpu.memory_space<vmem>>)
      %dma_wait3A_143 = arith.constant 16 : i32
      %dma_wait3A_144 = tpu.memref_slice %arg6[%while3A_123, %dma_wait3A_143] : memref<6x20xi32, #tpu.memory_space<vmem>> -> memref<1x4xi32, #tpu.memory_space<vmem>>
      %dma_wait3A_145 = tpu.memref_squeeze %dma_wait3A_144 : memref<1x4xi32, #tpu.memory_space<vmem>> -> memref<4xi32, #tpu.memory_space<vmem>>
      %dma_wait3A_146 = arith.constant 0 : i32
      %dma_wait3A_147 = arith.constant 0 : i32
      %dma_wait3A_148 = tpu.memref_slice %arg4[%dma_wait3A_146, %dma_wait3A_147] : memref<240x4096xf32, #tpu.memory_space<hbm>> -> memref<240x4096xf32, #tpu.memory_space<hbm>>
      tpu.wait_indirect_dma semaphore(%arg11 : memref<!tpu.dma_semaphore, #tpu.memory_space<semaphore_mem>>) src(%dma_wait3A_148 : memref<240x4096xf32, #tpu.memory_space<hbm>>) dst(%arg9 : memref<4x4096xf32, #tpu.memory_space<vmem>>)
      %mul3A_149 = arith.constant 8 : i32
      %mul3A_150 = arith.muli %while3A_123, %mul3A_149 : i32
      %add3A_151 = arith.constant 0 : i32
      %add3A_152 = arith.addi %mul3A_150, %add3A_151 : i32
      %dma_start3A_153 = arith.constant 0 : i32
      %dma_start3A_154 = tpu.memref_slice %arg7[%add3A_152, %dma_start3A_153] : memref<48x20xi32, #tpu.memory_space<vmem>> -> memref<1x16xi32, #tpu.memory_space<vmem>>
      %dma_start3A_155 = tpu.memref_squeeze %dma_start3A_154 : memref<1x16xi32, #tpu.memory_space<vmem>> -> memref<16xi32, #tpu.memory_space<vmem>>
      %dma_start3A_156 = arith.constant 0 : i32
      %dma_start3A_157 = arith.constant 0 : i32
      %dma_start3A_158 = tpu.memref_slice %arg5[%dma_start3A_156, %dma_start3A_157] : memref<20480x4096xf32, #tpu.memory_space<hbm>> -> memref<20480x4096xf32, #tpu.memory_space<hbm>>
      tpu.enqueue_indirect_dma source(%arg8 : memref<16x4096xf32, #tpu.memory_space<vmem>>) target(%dma_start3A_158 : memref<20480x4096xf32, #tpu.memory_space<hbm>>) offsets(%dma_start3A_155 : memref<16xi32, #tpu.memory_space<vmem>>) semaphore(%arg12 : memref<!tpu.dma_semaphore, #tpu.memory_space<semaphore_mem>>)
      %mul3A_159 = arith.constant 8 : i32
      %mul3A_160 = arith.muli %while3A_123, %mul3A_159 : i32
      %add3A_161 = arith.constant 0 : i32
      %add3A_162 = arith.addi %mul3A_160, %add3A_161 : i32
      %dma_start3A_163 = arith.constant 16 : i32
      %dma_start3A_164 = tpu.memref_slice %arg7[%add3A_162, %dma_start3A_163] : memref<48x20xi32, #tpu.memory_space<vmem>> -> memref<1x4xi32, #tpu.memory_space<vmem>>
      %dma_start3A_165 = tpu.memref_squeeze %dma_start3A_164 : memref<1x4xi32, #tpu.memory_space<vmem>> -> memref<4xi32, #tpu.memory_space<vmem>>
      %dma_start3A_166 = arith.constant 0 : i32
      %dma_start3A_167 = arith.constant 0 : i32
      %dma_start3A_168 = tpu.memref_slice %arg5[%dma_start3A_166, %dma_start3A_167] : memref<20480x4096xf32, #tpu.memory_space<hbm>> -> memref<20480x4096xf32, #tpu.memory_space<hbm>>
      tpu.enqueue_indirect_dma source(%arg9 : memref<4x4096xf32, #tpu.memory_space<vmem>>) target(%dma_start3A_168 : memref<20480x4096xf32, #tpu.memory_space<hbm>>) offsets(%dma_start3A_165 : memref<4xi32, #tpu.memory_space<vmem>>) semaphore(%arg13 : memref<!tpu.dma_semaphore, #tpu.memory_space<semaphore_mem>>)
      %mul3A_169 = arith.constant 8 : i32
      %mul3A_170 = arith.muli %while3A_123, %mul3A_169 : i32
      %add3A_171 = arith.constant 1 : i32
      %add3A_172 = arith.addi %mul3A_170, %add3A_171 : i32
      %dma_start3A_173 = arith.constant 0 : i32
      %dma_start3A_174 = tpu.memref_slice %arg7[%add3A_172, %dma_start3A_173] : memref<48x20xi32, #tpu.memory_space<vmem>> -> memref<1x16xi32, #tpu.memory_space<vmem>>
      %dma_start3A_175 = tpu.memref_squeeze %dma_start3A_174 : memref<1x16xi32, #tpu.memory_space<vmem>> -> memref<16xi32, #tpu.memory_space<vmem>>
      %dma_start3A_176 = arith.constant 0 : i32
      %dma_start3A_177 = arith.constant 0 : i32
      %dma_start3A_178 = tpu.memref_slice %arg5[%dma_start3A_176, %dma_start3A_177] : memref<20480x4096xf32, #tpu.memory_space<hbm>> -> memref<20480x4096xf32, #tpu.memory_space<hbm>>
      tpu.enqueue_indirect_dma source(%arg8 : memref<16x4096xf32, #tpu.memory_space<vmem>>) target(%dma_start3A_178 : memref<20480x4096xf32, #tpu.memory_space<hbm>>) offsets(%dma_start3A_175 : memref<16xi32, #tpu.memory_space<vmem>>) semaphore(%arg12 : memref<!tpu.dma_semaphore, #tpu.memory_space<semaphore_mem>>)
      %mul3A_179 = arith.constant 8 : i32
      %mul3A_180 = arith.muli %while3A_123, %mul3A_179 : i32
      %add3A_181 = arith.constant 1 : i32
      %add3A_182 = arith.addi %mul3A_180, %add3A_181 : i32
      %dma_start3A_183 = arith.constant 16 : i32
      %dma_start3A_184 = tpu.memref_slice %arg7[%add3A_182, %dma_start3A_183] : memref<48x20xi32, #tpu.memory_space<vmem>> -> memref<1x4xi32, #tpu.memory_space<vmem>>
      %dma_start3A_185 = tpu.memref_squeeze %dma_start3A_184 : memref<1x4xi32, #tpu.memory_space<vmem>> -> memref<4xi32, #tpu.memory_space<vmem>>
      %dma_start3A_186 = arith.constant 0 : i32
      %dma_start3A_187 = arith.constant 0 : i32
      %dma_start3A_188 = tpu.memref_slice %arg5[%dma_start3A_186, %dma_start3A_187] : memref<20480x4096xf32, #tpu.memory_space<hbm>> -> memref<20480x4096xf32, #tpu.memory_space<hbm>>
      tpu.enqueue_indirect_dma source(%arg9 : memref<4x4096xf32, #tpu.memory_space<vmem>>) target(%dma_start3A_188 : memref<20480x4096xf32, #tpu.memory_space<hbm>>) offsets(%dma_start3A_185 : memref<4xi32, #tpu.memory_space<vmem>>) semaphore(%arg13 : memref<!tpu.dma_semaphore, #tpu.memory_space<semaphore_mem>>)
      %mul3A_189 = arith.constant 8 : i32
      %mul3A_190 = arith.muli %while3A_123, %mul3A_189 : i32
      %add3A_191 = arith.constant 2 : i32
      %add3A_192 = arith.addi %mul3A_190, %add3A_191 : i32
      %dma_start3A_193 = arith.constant 0 : i32
      %dma_start3A_194 = tpu.memref_slice %arg7[%add3A_192, %dma_start3A_193] : memref<48x20xi32, #tpu.memory_space<vmem>> -> memref<1x16xi32, #tpu.memory_space<vmem>>
      %dma_start3A_195 = tpu.memref_squeeze %dma_start3A_194 : memref<1x16xi32, #tpu.memory_space<vmem>> -> memref<16xi32, #tpu.memory_space<vmem>>
      %dma_start3A_196 = arith.constant 0 : i32
      %dma_start3A_197 = arith.constant 0 : i32
      %dma_start3A_198 = tpu.memref_slice %arg5[%dma_start3A_196, %dma_start3A_197] : memref<20480x4096xf32, #tpu.memory_space<hbm>> -> memref<20480x4096xf32, #tpu.memory_space<hbm>>
      tpu.enqueue_indirect_dma source(%arg8 : memref<16x4096xf32, #tpu.memory_space<vmem>>) target(%dma_start3A_198 : memref<20480x4096xf32, #tpu.memory_space<hbm>>) offsets(%dma_start3A_195 : memref<16xi32, #tpu.memory_space<vmem>>) semaphore(%arg12 : memref<!tpu.dma_semaphore, #tpu.memory_space<semaphore_mem>>)
      %mul3A_199 = arith.constant 8 : i32
      %mul3A_200 = arith.muli %while3A_123, %mul3A_199 : i32
      %add3A_201 = arith.constant 2 : i32
      %add3A_202 = arith.addi %mul3A_200, %add3A_201 : i32
      %dma_start3A_203 = arith.constant 16 : i32
      %dma_start3A_204 = tpu.memref_slice %arg7[%add3A_202, %dma_start3A_203] : memref<48x20xi32, #tpu.memory_space<vmem>> -> memref<1x4xi32, #tpu.memory_space<vmem>>
      %dma_start3A_205 = tpu.memref_squeeze %dma_start3A_204 : memref<1x4xi32, #tpu.memory_space<vmem>> -> memref<4xi32, #tpu.memory_space<vmem>>
      %dma_start3A_206 = arith.constant 0 : i32
      %dma_start3A_207 = arith.constant 0 : i32
      %dma_start3A_208 = tpu.memref_slice %arg5[%dma_start3A_206, %dma_start3A_207] : memref<20480x4096xf32, #tpu.memory_space<hbm>> -> memref<20480x4096xf32, #tpu.memory_space<hbm>>
      tpu.enqueue_indirect_dma source(%arg9 : memref<4x4096xf32, #tpu.memory_space<vmem>>) target(%dma_start3A_208 : memref<20480x4096xf32, #tpu.memory_space<hbm>>) offsets(%dma_start3A_205 : memref<4xi32, #tpu.memory_space<vmem>>) semaphore(%arg13 : memref<!tpu.dma_semaphore, #tpu.memory_space<semaphore_mem>>)
      %mul3A_209 = arith.constant 8 : i32
      %mul3A_210 = arith.muli %while3A_123, %mul3A_209 : i32
      %add3A_211 = arith.constant 3 : i32
      %add3A_212 = arith.addi %mul3A_210, %add3A_211 : i32
      %dma_start3A_213 = arith.constant 0 : i32
      %dma_start3A_214 = tpu.memref_slice %arg7[%add3A_212, %dma_start3A_213] : memref<48x20xi32, #tpu.memory_space<vmem>> -> memref<1x16xi32, #tpu.memory_space<vmem>>
      %dma_start3A_215 = tpu.memref_squeeze %dma_start3A_214 : memref<1x16xi32, #tpu.memory_space<vmem>> -> memref<16xi32, #tpu.memory_space<vmem>>
      %dma_start3A_216 = arith.constant 0 : i32
      %dma_start3A_217 = arith.constant 0 : i32
      %dma_start3A_218 = tpu.memref_slice %arg5[%dma_start3A_216, %dma_start3A_217] : memref<20480x4096xf32, #tpu.memory_space<hbm>> -> memref<20480x4096xf32, #tpu.memory_space<hbm>>
      tpu.enqueue_indirect_dma source(%arg8 : memref<16x4096xf32, #tpu.memory_space<vmem>>) target(%dma_start3A_218 : memref<20480x4096xf32, #tpu.memory_space<hbm>>) offsets(%dma_start3A_215 : memref<16xi32, #tpu.memory_space<vmem>>) semaphore(%arg12 : memref<!tpu.dma_semaphore, #tpu.memory_space<semaphore_mem>>)
      %mul3A_219 = arith.constant 8 : i32
      %mul3A_220 = arith.muli %while3A_123, %mul3A_219 : i32
      %add3A_221 = arith.constant 3 : i32
      %add3A_222 = arith.addi %mul3A_220, %add3A_221 : i32
      %dma_start3A_223 = arith.constant 16 : i32
      %dma_start3A_224 = tpu.memref_slice %arg7[%add3A_222, %dma_start3A_223] : memref<48x20xi32, #tpu.memory_space<vmem>> -> memref<1x4xi32, #tpu.memory_space<vmem>>
      %dma_start3A_225 = tpu.memref_squeeze %dma_start3A_224 : memref<1x4xi32, #tpu.memory_space<vmem>> -> memref<4xi32, #tpu.memory_space<vmem>>
      %dma_start3A_226 = arith.constant 0 : i32
      %dma_start3A_227 = arith.constant 0 : i32
      %dma_start3A_228 = tpu.memref_slice %arg5[%dma_start3A_226, %dma_start3A_227] : memref<20480x4096xf32, #tpu.memory_space<hbm>> -> memref<20480x4096xf32, #tpu.memory_space<hbm>>
      tpu.enqueue_indirect_dma source(%arg9 : memref<4x4096xf32, #tpu.memory_space<vmem>>) target(%dma_start3A_228 : memref<20480x4096xf32, #tpu.memory_space<hbm>>) offsets(%dma_start3A_225 : memref<4xi32, #tpu.memory_space<vmem>>) semaphore(%arg13 : memref<!tpu.dma_semaphore, #tpu.memory_space<semaphore_mem>>)
      %mul3A_229 = arith.constant 8 : i32
      %mul3A_230 = arith.muli %while3A_123, %mul3A_229 : i32
      %add3A_231 = arith.constant 4 : i32
      %add3A_232 = arith.addi %mul3A_230, %add3A_231 : i32
      %dma_start3A_233 = arith.constant 0 : i32
      %dma_start3A_234 = tpu.memref_slice %arg7[%add3A_232, %dma_start3A_233] : memref<48x20xi32, #tpu.memory_space<vmem>> -> memref<1x16xi32, #tpu.memory_space<vmem>>
      %dma_start3A_235 = tpu.memref_squeeze %dma_start3A_234 : memref<1x16xi32, #tpu.memory_space<vmem>> -> memref<16xi32, #tpu.memory_space<vmem>>
      %dma_start3A_236 = arith.constant 0 : i32
      %dma_start3A_237 = arith.constant 0 : i32
      %dma_start3A_238 = tpu.memref_slice %arg5[%dma_start3A_236, %dma_start3A_237] : memref<20480x4096xf32, #tpu.memory_space<hbm>> -> memref<20480x4096xf32, #tpu.memory_space<hbm>>
      tpu.enqueue_indirect_dma source(%arg8 : memref<16x4096xf32, #tpu.memory_space<vmem>>) target(%dma_start3A_238 : memref<20480x4096xf32, #tpu.memory_space<hbm>>) offsets(%dma_start3A_235 : memref<16xi32, #tpu.memory_space<vmem>>) semaphore(%arg12 : memref<!tpu.dma_semaphore, #tpu.memory_space<semaphore_mem>>)
      %mul3A_239 = arith.constant 8 : i32
      %mul3A_240 = arith.muli %while3A_123, %mul3A_239 : i32
      %add3A_241 = arith.constant 4 : i32
      %add3A_242 = arith.addi %mul3A_240, %add3A_241 : i32
      %dma_start3A_243 = arith.constant 16 : i32
      %dma_start3A_244 = tpu.memref_slice %arg7[%add3A_242, %dma_start3A_243] : memref<48x20xi32, #tpu.memory_space<vmem>> -> memref<1x4xi32, #tpu.memory_space<vmem>>
      %dma_start3A_245 = tpu.memref_squeeze %dma_start3A_244 : memref<1x4xi32, #tpu.memory_space<vmem>> -> memref<4xi32, #tpu.memory_space<vmem>>
      %dma_start3A_246 = arith.constant 0 : i32
      %dma_start3A_247 = arith.constant 0 : i32
      %dma_start3A_248 = tpu.memref_slice %arg5[%dma_start3A_246, %dma_start3A_247] : memref<20480x4096xf32, #tpu.memory_space<hbm>> -> memref<20480x4096xf32, #tpu.memory_space<hbm>>
      tpu.enqueue_indirect_dma source(%arg9 : memref<4x4096xf32, #tpu.memory_space<vmem>>) target(%dma_start3A_248 : memref<20480x4096xf32, #tpu.memory_space<hbm>>) offsets(%dma_start3A_245 : memref<4xi32, #tpu.memory_space<vmem>>) semaphore(%arg13 : memref<!tpu.dma_semaphore, #tpu.memory_space<semaphore_mem>>)
      %mul3A_249 = arith.constant 8 : i32
      %mul3A_250 = arith.muli %while3A_123, %mul3A_249 : i32
      %add3A_251 = arith.constant 5 : i32
      %add3A_252 = arith.addi %mul3A_250, %add3A_251 : i32
      %dma_start3A_253 = arith.constant 0 : i32
      %dma_start3A_254 = tpu.memref_slice %arg7[%add3A_252, %dma_start3A_253] : memref<48x20xi32, #tpu.memory_space<vmem>> -> memref<1x16xi32, #tpu.memory_space<vmem>>
      %dma_start3A_255 = tpu.memref_squeeze %dma_start3A_254 : memref<1x16xi32, #tpu.memory_space<vmem>> -> memref<16xi32, #tpu.memory_space<vmem>>
      %dma_start3A_256 = arith.constant 0 : i32
      %dma_start3A_257 = arith.constant 0 : i32
      %dma_start3A_258 = tpu.memref_slice %arg5[%dma_start3A_256, %dma_start3A_257] : memref<20480x4096xf32, #tpu.memory_space<hbm>> -> memref<20480x4096xf32, #tpu.memory_space<hbm>>
      tpu.enqueue_indirect_dma source(%arg8 : memref<16x4096xf32, #tpu.memory_space<vmem>>) target(%dma_start3A_258 : memref<20480x4096xf32, #tpu.memory_space<hbm>>) offsets(%dma_start3A_255 : memref<16xi32, #tpu.memory_space<vmem>>) semaphore(%arg12 : memref<!tpu.dma_semaphore, #tpu.memory_space<semaphore_mem>>)
      %mul3A_259 = arith.constant 8 : i32
      %mul3A_260 = arith.muli %while3A_123, %mul3A_259 : i32
      %add3A_261 = arith.constant 5 : i32
      %add3A_262 = arith.addi %mul3A_260, %add3A_261 : i32
      %dma_start3A_263 = arith.constant 16 : i32
      %dma_start3A_264 = tpu.memref_slice %arg7[%add3A_262, %dma_start3A_263] : memref<48x20xi32, #tpu.memory_space<vmem>> -> memref<1x4xi32, #tpu.memory_space<vmem>>
      %dma_start3A_265 = tpu.memref_squeeze %dma_start3A_264 : memref<1x4xi32, #tpu.memory_space<vmem>> -> memref<4xi32, #tpu.memory_space<vmem>>
      %dma_start3A_266 = arith.constant 0 : i32
      %dma_start3A_267 = arith.constant 0 : i32
      %dma_start3A_268 = tpu.memref_slice %arg5[%dma_start3A_266, %dma_start3A_267] : memref<20480x4096xf32, #tpu.memory_space<hbm>> -> memref<20480x4096xf32, #tpu.memory_space<hbm>>
      tpu.enqueue_indirect_dma source(%arg9 : memref<4x4096xf32, #tpu.memory_space<vmem>>) target(%dma_start3A_268 : memref<20480x4096xf32, #tpu.memory_space<hbm>>) offsets(%dma_start3A_265 : memref<4xi32, #tpu.memory_space<vmem>>) semaphore(%arg13 : memref<!tpu.dma_semaphore, #tpu.memory_space<semaphore_mem>>)
      %mul3A_269 = arith.constant 8 : i32
      %mul3A_270 = arith.muli %while3A_123, %mul3A_269 : i32
      %add3A_271 = arith.constant 6 : i32
      %add3A_272 = arith.addi %mul3A_270, %add3A_271 : i32
      %dma_start3A_273 = arith.constant 0 : i32
      %dma_start3A_274 = tpu.memref_slice %arg7[%add3A_272, %dma_start3A_273] : memref<48x20xi32, #tpu.memory_space<vmem>> -> memref<1x16xi32, #tpu.memory_space<vmem>>
      %dma_start3A_275 = tpu.memref_squeeze %dma_start3A_274 : memref<1x16xi32, #tpu.memory_space<vmem>> -> memref<16xi32, #tpu.memory_space<vmem>>
      %dma_start3A_276 = arith.constant 0 : i32
      %dma_start3A_277 = arith.constant 0 : i32
      %dma_start3A_278 = tpu.memref_slice %arg5[%dma_start3A_276, %dma_start3A_277] : memref<20480x4096xf32, #tpu.memory_space<hbm>> -> memref<20480x4096xf32, #tpu.memory_space<hbm>>
      tpu.enqueue_indirect_dma source(%arg8 : memref<16x4096xf32, #tpu.memory_space<vmem>>) target(%dma_start3A_278 : memref<20480x4096xf32, #tpu.memory_space<hbm>>) offsets(%dma_start3A_275 : memref<16xi32, #tpu.memory_space<vmem>>) semaphore(%arg12 : memref<!tpu.dma_semaphore, #tpu.memory_space<semaphore_mem>>)
      %mul3A_279 = arith.constant 8 : i32
      %mul3A_280 = arith.muli %while3A_123, %mul3A_279 : i32
      %add3A_281 = arith.constant 6 : i32
      %add3A_282 = arith.addi %mul3A_280, %add3A_281 : i32
      %dma_start3A_283 = arith.constant 16 : i32
      %dma_start3A_284 = tpu.memref_slice %arg7[%add3A_282, %dma_start3A_283] : memref<48x20xi32, #tpu.memory_space<vmem>> -> memref<1x4xi32, #tpu.memory_space<vmem>>
      %dma_start3A_285 = tpu.memref_squeeze %dma_start3A_284 : memref<1x4xi32, #tpu.memory_space<vmem>> -> memref<4xi32, #tpu.memory_space<vmem>>
      %dma_start3A_286 = arith.constant 0 : i32
      %dma_start3A_287 = arith.constant 0 : i32
      %dma_start3A_288 = tpu.memref_slice %arg5[%dma_start3A_286, %dma_start3A_287] : memref<20480x4096xf32, #tpu.memory_space<hbm>> -> memref<20480x4096xf32, #tpu.memory_space<hbm>>
      tpu.enqueue_indirect_dma source(%arg9 : memref<4x4096xf32, #tpu.memory_space<vmem>>) target(%dma_start3A_288 : memref<20480x4096xf32, #tpu.memory_space<hbm>>) offsets(%dma_start3A_285 : memref<4xi32, #tpu.memory_space<vmem>>) semaphore(%arg13 : memref<!tpu.dma_semaphore, #tpu.memory_space<semaphore_mem>>)
      %mul3A_289 = arith.constant 8 : i32
      %mul3A_290 = arith.muli %while3A_123, %mul3A_289 : i32
      %add3A_291 = arith.constant 7 : i32
      %add3A_292 = arith.addi %mul3A_290, %add3A_291 : i32
      %dma_start3A_293 = arith.constant 0 : i32
      %dma_start3A_294 = tpu.memref_slice %arg7[%add3A_292, %dma_start3A_293] : memref<48x20xi32, #tpu.memory_space<vmem>> -> memref<1x16xi32, #tpu.memory_space<vmem>>
      %dma_start3A_295 = tpu.memref_squeeze %dma_start3A_294 : memref<1x16xi32, #tpu.memory_space<vmem>> -> memref<16xi32, #tpu.memory_space<vmem>>
      %dma_start3A_296 = arith.constant 0 : i32
      %dma_start3A_297 = arith.constant 0 : i32
      %dma_start3A_298 = tpu.memref_slice %arg5[%dma_start3A_296, %dma_start3A_297] : memref<20480x4096xf32, #tpu.memory_space<hbm>> -> memref<20480x4096xf32, #tpu.memory_space<hbm>>
      tpu.enqueue_indirect_dma source(%arg8 : memref<16x4096xf32, #tpu.memory_space<vmem>>) target(%dma_start3A_298 : memref<20480x4096xf32, #tpu.memory_space<hbm>>) offsets(%dma_start3A_295 : memref<16xi32, #tpu.memory_space<vmem>>) semaphore(%arg12 : memref<!tpu.dma_semaphore, #tpu.memory_space<semaphore_mem>>)
      %mul3A_299 = arith.constant 8 : i32
      %mul3A_300 = arith.muli %while3A_123, %mul3A_299 : i32
      %add3A_301 = arith.constant 7 : i32
      %add3A_302 = arith.addi %mul3A_300, %add3A_301 : i32
      %dma_start3A_303 = arith.constant 16 : i32
      %dma_start3A_304 = tpu.memref_slice %arg7[%add3A_302, %dma_start3A_303] : memref<48x20xi32, #tpu.memory_space<vmem>> -> memref<1x4xi32, #tpu.memory_space<vmem>>
      %dma_start3A_305 = tpu.memref_squeeze %dma_start3A_304 : memref<1x4xi32, #tpu.memory_space<vmem>> -> memref<4xi32, #tpu.memory_space<vmem>>
      %dma_start3A_306 = arith.constant 0 : i32
      %dma_start3A_307 = arith.constant 0 : i32
      %dma_start3A_308 = tpu.memref_slice %arg5[%dma_start3A_306, %dma_start3A_307] : memref<20480x4096xf32, #tpu.memory_space<hbm>> -> memref<20480x4096xf32, #tpu.memory_space<hbm>>
      tpu.enqueue_indirect_dma source(%arg9 : memref<4x4096xf32, #tpu.memory_space<vmem>>) target(%dma_start3A_308 : memref<20480x4096xf32, #tpu.memory_space<hbm>>) offsets(%dma_start3A_305 : memref<4xi32, #tpu.memory_space<vmem>>) semaphore(%arg13 : memref<!tpu.dma_semaphore, #tpu.memory_space<semaphore_mem>>)
    }
    %dma_wait3A = arith.constant 0 : i32
    %dma_wait3A_12 = arith.constant 0 : i32
    %dma_wait3A_13 = tpu.memref_slice %arg7[%dma_wait3A, %dma_wait3A_12] : memref<48x20xi32, #tpu.memory_space<vmem>> -> memref<1x16xi32, #tpu.memory_space<vmem>>
    %dma_wait3A_14 = tpu.memref_squeeze %dma_wait3A_13 : memref<1x16xi32, #tpu.memory_space<vmem>> -> memref<16xi32, #tpu.memory_space<vmem>>
    %dma_wait3A_15 = arith.constant 0 : i32
    %dma_wait3A_16 = arith.constant 0 : i32
    %dma_wait3A_17 = tpu.memref_slice %arg5[%dma_wait3A_15, %dma_wait3A_16] : memref<20480x4096xf32, #tpu.memory_space<hbm>> -> memref<20480x4096xf32, #tpu.memory_space<hbm>>
    tpu.wait_indirect_dma semaphore(%arg12 : memref<!tpu.dma_semaphore, #tpu.memory_space<semaphore_mem>>) src(%arg8 : memref<16x4096xf32, #tpu.memory_space<vmem>>) dst(%dma_wait3A_17 : memref<20480x4096xf32, #tpu.memory_space<hbm>>)
    %dma_wait3A_18 = arith.constant 0 : i32
    %dma_wait3A_19 = arith.constant 0 : i32
    %dma_wait3A_20 = tpu.memref_slice %arg7[%dma_wait3A_18, %dma_wait3A_19] : memref<48x20xi32, #tpu.memory_space<vmem>> -> memref<1x16xi32, #tpu.memory_space<vmem>>
    %dma_wait3A_21 = tpu.memref_squeeze %dma_wait3A_20 : memref<1x16xi32, #tpu.memory_space<vmem>> -> memref<16xi32, #tpu.memory_space<vmem>>
    %dma_wait3A_22 = arith.constant 0 : i32
    %dma_wait3A_23 = arith.constant 0 : i32
    %dma_wait3A_24 = tpu.memref_slice %arg5[%dma_wait3A_22, %dma_wait3A_23] : memref<20480x4096xf32, #tpu.memory_space<hbm>> -> memref<20480x4096xf32, #tpu.memory_space<hbm>>
    tpu.wait_indirect_dma semaphore(%arg12 : memref<!tpu.dma_semaphore, #tpu.memory_space<semaphore_mem>>) src(%arg8 : memref<16x4096xf32, #tpu.memory_space<vmem>>) dst(%dma_wait3A_24 : memref<20480x4096xf32, #tpu.memory_space<hbm>>)
    %dma_wait3A_25 = arith.constant 0 : i32
    %dma_wait3A_26 = arith.constant 0 : i32
    %dma_wait3A_27 = tpu.memref_slice %arg7[%dma_wait3A_25, %dma_wait3A_26] : memref<48x20xi32, #tpu.memory_space<vmem>> -> memref<1x16xi32, #tpu.memory_space<vmem>>
    %dma_wait3A_28 = tpu.memref_squeeze %dma_wait3A_27 : memref<1x16xi32, #tpu.memory_space<vmem>> -> memref<16xi32, #tpu.memory_space<vmem>>
    %dma_wait3A_29 = arith.constant 0 : i32
    %dma_wait3A_30 = arith.constant 0 : i32
    %dma_wait3A_31 = tpu.memref_slice %arg5[%dma_wait3A_29, %dma_wait3A_30] : memref<20480x4096xf32, #tpu.memory_space<hbm>> -> memref<20480x4096xf32, #tpu.memory_space<hbm>>
    tpu.wait_indirect_dma semaphore(%arg12 : memref<!tpu.dma_semaphore, #tpu.memory_space<semaphore_mem>>) src(%arg8 : memref<16x4096xf32, #tpu.memory_space<vmem>>) dst(%dma_wait3A_31 : memref<20480x4096xf32, #tpu.memory_space<hbm>>)
    %dma_wait3A_32 = arith.constant 0 : i32
    %dma_wait3A_33 = arith.constant 0 : i32
    %dma_wait3A_34 = tpu.memref_slice %arg7[%dma_wait3A_32, %dma_wait3A_33] : memref<48x20xi32, #tpu.memory_space<vmem>> -> memref<1x16xi32, #tpu.memory_space<vmem>>
    %dma_wait3A_35 = tpu.memref_squeeze %dma_wait3A_34 : memref<1x16xi32, #tpu.memory_space<vmem>> -> memref<16xi32, #tpu.memory_space<vmem>>
    %dma_wait3A_36 = arith.constant 0 : i32
    %dma_wait3A_37 = arith.constant 0 : i32
    %dma_wait3A_38 = tpu.memref_slice %arg5[%dma_wait3A_36, %dma_wait3A_37] : memref<20480x4096xf32, #tpu.memory_space<hbm>> -> memref<20480x4096xf32, #tpu.memory_space<hbm>>
    tpu.wait_indirect_dma semaphore(%arg12 : memref<!tpu.dma_semaphore, #tpu.memory_space<semaphore_mem>>) src(%arg8 : memref<16x4096xf32, #tpu.memory_space<vmem>>) dst(%dma_wait3A_38 : memref<20480x4096xf32, #tpu.memory_space<hbm>>)
    %dma_wait3A_39 = arith.constant 0 : i32
    %dma_wait3A_40 = arith.constant 0 : i32
    %dma_wait3A_41 = tpu.memref_slice %arg7[%dma_wait3A_39, %dma_wait3A_40] : memref<48x20xi32, #tpu.memory_space<vmem>> -> memref<1x16xi32, #tpu.memory_space<vmem>>
    %dma_wait3A_42 = tpu.memref_squeeze %dma_wait3A_41 : memref<1x16xi32, #tpu.memory_space<vmem>> -> memref<16xi32, #tpu.memory_space<vmem>>
    %dma_wait3A_43 = arith.constant 0 : i32
    %dma_wait3A_44 = arith.constant 0 : i32
    %dma_wait3A_45 = tpu.memref_slice %arg5[%dma_wait3A_43, %dma_wait3A_44] : memref<20480x4096xf32, #tpu.memory_space<hbm>> -> memref<20480x4096xf32, #tpu.memory_space<hbm>>
    tpu.wait_indirect_dma semaphore(%arg12 : memref<!tpu.dma_semaphore, #tpu.memory_space<semaphore_mem>>) src(%arg8 : memref<16x4096xf32, #tpu.memory_space<vmem>>) dst(%dma_wait3A_45 : memref<20480x4096xf32, #tpu.memory_space<hbm>>)
    %dma_wait3A_46 = arith.constant 0 : i32
    %dma_wait3A_47 = arith.constant 0 : i32
    %dma_wait3A_48 = tpu.memref_slice %arg7[%dma_wait3A_46, %dma_wait3A_47] : memref<48x20xi32, #tpu.memory_space<vmem>> -> memref<1x16xi32, #tpu.memory_space<vmem>>
    %dma_wait3A_49 = tpu.memref_squeeze %dma_wait3A_48 : memref<1x16xi32, #tpu.memory_space<vmem>> -> memref<16xi32, #tpu.memory_space<vmem>>
    %dma_wait3A_50 = arith.constant 0 : i32
    %dma_wait3A_51 = arith.constant 0 : i32
    %dma_wait3A_52 = tpu.memref_slice %arg5[%dma_wait3A_50, %dma_wait3A_51] : memref<20480x4096xf32, #tpu.memory_space<hbm>> -> memref<20480x4096xf32, #tpu.memory_space<hbm>>
    tpu.wait_indirect_dma semaphore(%arg12 : memref<!tpu.dma_semaphore, #tpu.memory_space<semaphore_mem>>) src(%arg8 : memref<16x4096xf32, #tpu.memory_space<vmem>>) dst(%dma_wait3A_52 : memref<20480x4096xf32, #tpu.memory_space<hbm>>)
    %dma_wait3A_53 = arith.constant 0 : i32
    %dma_wait3A_54 = arith.constant 0 : i32
    %dma_wait3A_55 = tpu.memref_slice %arg7[%dma_wait3A_53, %dma_wait3A_54] : memref<48x20xi32, #tpu.memory_space<vmem>> -> memref<1x16xi32, #tpu.memory_space<vmem>>
    %dma_wait3A_56 = tpu.memref_squeeze %dma_wait3A_55 : memref<1x16xi32, #tpu.memory_space<vmem>> -> memref<16xi32, #tpu.memory_space<vmem>>
    %dma_wait3A_57 = arith.constant 0 : i32
    %dma_wait3A_58 = arith.constant 0 : i32
    %dma_wait3A_59 = tpu.memref_slice %arg5[%dma_wait3A_57, %dma_wait3A_58] : memref<20480x4096xf32, #tpu.memory_space<hbm>> -> memref<20480x4096xf32, #tpu.memory_space<hbm>>
    tpu.wait_indirect_dma semaphore(%arg12 : memref<!tpu.dma_semaphore, #tpu.memory_space<semaphore_mem>>) src(%arg8 : memref<16x4096xf32, #tpu.memory_space<vmem>>) dst(%dma_wait3A_59 : memref<20480x4096xf32, #tpu.memory_space<hbm>>)
    %dma_wait3A_60 = arith.constant 0 : i32
    %dma_wait3A_61 = arith.constant 0 : i32
    %dma_wait3A_62 = tpu.memref_slice %arg7[%dma_wait3A_60, %dma_wait3A_61] : memref<48x20xi32, #tpu.memory_space<vmem>> -> memref<1x16xi32, #tpu.memory_space<vmem>>
    %dma_wait3A_63 = tpu.memref_squeeze %dma_wait3A_62 : memref<1x16xi32, #tpu.memory_space<vmem>> -> memref<16xi32, #tpu.memory_space<vmem>>
    %dma_wait3A_64 = arith.constant 0 : i32
    %dma_wait3A_65 = arith.constant 0 : i32
    %dma_wait3A_66 = tpu.memref_slice %arg5[%dma_wait3A_64, %dma_wait3A_65] : memref<20480x4096xf32, #tpu.memory_space<hbm>> -> memref<20480x4096xf32, #tpu.memory_space<hbm>>
    tpu.wait_indirect_dma semaphore(%arg12 : memref<!tpu.dma_semaphore, #tpu.memory_space<semaphore_mem>>) src(%arg8 : memref<16x4096xf32, #tpu.memory_space<vmem>>) dst(%dma_wait3A_66 : memref<20480x4096xf32, #tpu.memory_space<hbm>>)
    %dma_wait3A_67 = arith.constant 0 : i32
    %dma_wait3A_68 = arith.constant 16 : i32
    %dma_wait3A_69 = tpu.memref_slice %arg7[%dma_wait3A_67, %dma_wait3A_68] : memref<48x20xi32, #tpu.memory_space<vmem>> -> memref<1x4xi32, #tpu.memory_space<vmem>>
    %dma_wait3A_70 = tpu.memref_squeeze %dma_wait3A_69 : memref<1x4xi32, #tpu.memory_space<vmem>> -> memref<4xi32, #tpu.memory_space<vmem>>
    %dma_wait3A_71 = arith.constant 0 : i32
    %dma_wait3A_72 = arith.constant 0 : i32
    %dma_wait3A_73 = tpu.memref_slice %arg5[%dma_wait3A_71, %dma_wait3A_72] : memref<20480x4096xf32, #tpu.memory_space<hbm>> -> memref<20480x4096xf32, #tpu.memory_space<hbm>>
    tpu.wait_indirect_dma semaphore(%arg13 : memref<!tpu.dma_semaphore, #tpu.memory_space<semaphore_mem>>) src(%arg9 : memref<4x4096xf32, #tpu.memory_space<vmem>>) dst(%dma_wait3A_73 : memref<20480x4096xf32, #tpu.memory_space<hbm>>)
    %dma_wait3A_74 = arith.constant 0 : i32
    %dma_wait3A_75 = arith.constant 16 : i32
    %dma_wait3A_76 = tpu.memref_slice %arg7[%dma_wait3A_74, %dma_wait3A_75] : memref<48x20xi32, #tpu.memory_space<vmem>> -> memref<1x4xi32, #tpu.memory_space<vmem>>
    %dma_wait3A_77 = tpu.memref_squeeze %dma_wait3A_76 : memref<1x4xi32, #tpu.memory_space<vmem>> -> memref<4xi32, #tpu.memory_space<vmem>>
    %dma_wait3A_78 = arith.constant 0 : i32
    %dma_wait3A_79 = arith.constant 0 : i32
    %dma_wait3A_80 = tpu.memref_slice %arg5[%dma_wait3A_78, %dma_wait3A_79] : memref<20480x4096xf32, #tpu.memory_space<hbm>> -> memref<20480x4096xf32, #tpu.memory_space<hbm>>
    tpu.wait_indirect_dma semaphore(%arg13 : memref<!tpu.dma_semaphore, #tpu.memory_space<semaphore_mem>>) src(%arg9 : memref<4x4096xf32, #tpu.memory_space<vmem>>) dst(%dma_wait3A_80 : memref<20480x4096xf32, #tpu.memory_space<hbm>>)
    %dma_wait3A_81 = arith.constant 0 : i32
    %dma_wait3A_82 = arith.constant 16 : i32
    %dma_wait3A_83 = tpu.memref_slice %arg7[%dma_wait3A_81, %dma_wait3A_82] : memref<48x20xi32, #tpu.memory_space<vmem>> -> memref<1x4xi32, #tpu.memory_space<vmem>>
    %dma_wait3A_84 = tpu.memref_squeeze %dma_wait3A_83 : memref<1x4xi32, #tpu.memory_space<vmem>> -> memref<4xi32, #tpu.memory_space<vmem>>
    %dma_wait3A_85 = arith.constant 0 : i32
    %dma_wait3A_86 = arith.constant 0 : i32
    %dma_wait3A_87 = tpu.memref_slice %arg5[%dma_wait3A_85, %dma_wait3A_86] : memref<20480x4096xf32, #tpu.memory_space<hbm>> -> memref<20480x4096xf32, #tpu.memory_space<hbm>>
    tpu.wait_indirect_dma semaphore(%arg13 : memref<!tpu.dma_semaphore, #tpu.memory_space<semaphore_mem>>) src(%arg9 : memref<4x4096xf32, #tpu.memory_space<vmem>>) dst(%dma_wait3A_87 : memref<20480x4096xf32, #tpu.memory_space<hbm>>)
    %dma_wait3A_88 = arith.constant 0 : i32
    %dma_wait3A_89 = arith.constant 16 : i32
    %dma_wait3A_90 = tpu.memref_slice %arg7[%dma_wait3A_88, %dma_wait3A_89] : memref<48x20xi32, #tpu.memory_space<vmem>> -> memref<1x4xi32, #tpu.memory_space<vmem>>
    %dma_wait3A_91 = tpu.memref_squeeze %dma_wait3A_90 : memref<1x4xi32, #tpu.memory_space<vmem>> -> memref<4xi32, #tpu.memory_space<vmem>>
    %dma_wait3A_92 = arith.constant 0 : i32
    %dma_wait3A_93 = arith.constant 0 : i32
    %dma_wait3A_94 = tpu.memref_slice %arg5[%dma_wait3A_92, %dma_wait3A_93] : memref<20480x4096xf32, #tpu.memory_space<hbm>> -> memref<20480x4096xf32, #tpu.memory_space<hbm>>
    tpu.wait_indirect_dma semaphore(%arg13 : memref<!tpu.dma_semaphore, #tpu.memory_space<semaphore_mem>>) src(%arg9 : memref<4x4096xf32, #tpu.memory_space<vmem>>) dst(%dma_wait3A_94 : memref<20480x4096xf32, #tpu.memory_space<hbm>>)
    %dma_wait3A_95 = arith.constant 0 : i32
    %dma_wait3A_96 = arith.constant 16 : i32
    %dma_wait3A_97 = tpu.memref_slice %arg7[%dma_wait3A_95, %dma_wait3A_96] : memref<48x20xi32, #tpu.memory_space<vmem>> -> memref<1x4xi32, #tpu.memory_space<vmem>>
    %dma_wait3A_98 = tpu.memref_squeeze %dma_wait3A_97 : memref<1x4xi32, #tpu.memory_space<vmem>> -> memref<4xi32, #tpu.memory_space<vmem>>
    %dma_wait3A_99 = arith.constant 0 : i32
    %dma_wait3A_100 = arith.constant 0 : i32
    %dma_wait3A_101 = tpu.memref_slice %arg5[%dma_wait3A_99, %dma_wait3A_100] : memref<20480x4096xf32, #tpu.memory_space<hbm>> -> memref<20480x4096xf32, #tpu.memory_space<hbm>>
    tpu.wait_indirect_dma semaphore(%arg13 : memref<!tpu.dma_semaphore, #tpu.memory_space<semaphore_mem>>) src(%arg9 : memref<4x4096xf32, #tpu.memory_space<vmem>>) dst(%dma_wait3A_101 : memref<20480x4096xf32, #tpu.memory_space<hbm>>)
    %dma_wait3A_102 = arith.constant 0 : i32
    %dma_wait3A_103 = arith.constant 16 : i32
    %dma_wait3A_104 = tpu.memref_slice %arg7[%dma_wait3A_102, %dma_wait3A_103] : memref<48x20xi32, #tpu.memory_space<vmem>> -> memref<1x4xi32, #tpu.memory_space<vmem>>
    %dma_wait3A_105 = tpu.memref_squeeze %dma_wait3A_104 : memref<1x4xi32, #tpu.memory_space<vmem>> -> memref<4xi32, #tpu.memory_space<vmem>>
    %dma_wait3A_106 = arith.constant 0 : i32
    %dma_wait3A_107 = arith.constant 0 : i32
    %dma_wait3A_108 = tpu.memref_slice %arg5[%dma_wait3A_106, %dma_wait3A_107] : memref<20480x4096xf32, #tpu.memory_space<hbm>> -> memref<20480x4096xf32, #tpu.memory_space<hbm>>
    tpu.wait_indirect_dma semaphore(%arg13 : memref<!tpu.dma_semaphore, #tpu.memory_space<semaphore_mem>>) src(%arg9 : memref<4x4096xf32, #tpu.memory_space<vmem>>) dst(%dma_wait3A_108 : memref<20480x4096xf32, #tpu.memory_space<hbm>>)
    %dma_wait3A_109 = arith.constant 0 : i32
    %dma_wait3A_110 = arith.constant 16 : i32
    %dma_wait3A_111 = tpu.memref_slice %arg7[%dma_wait3A_109, %dma_wait3A_110] : memref<48x20xi32, #tpu.memory_space<vmem>> -> memref<1x4xi32, #tpu.memory_space<vmem>>
    %dma_wait3A_112 = tpu.memref_squeeze %dma_wait3A_111 : memref<1x4xi32, #tpu.memory_space<vmem>> -> memref<4xi32, #tpu.memory_space<vmem>>
    %dma_wait3A_113 = arith.constant 0 : i32
    %dma_wait3A_114 = arith.constant 0 : i32
    %dma_wait3A_115 = tpu.memref_slice %arg5[%dma_wait3A_113, %dma_wait3A_114] : memref<20480x4096xf32, #tpu.memory_space<hbm>> -> memref<20480x4096xf32, #tpu.memory_space<hbm>>
    tpu.wait_indirect_dma semaphore(%arg13 : memref<!tpu.dma_semaphore, #tpu.memory_space<semaphore_mem>>) src(%arg9 : memref<4x4096xf32, #tpu.memory_space<vmem>>) dst(%dma_wait3A_115 : memref<20480x4096xf32, #tpu.memory_space<hbm>>)
    %dma_wait3A_116 = arith.constant 0 : i32
    %dma_wait3A_117 = arith.constant 16 : i32
    %dma_wait3A_118 = tpu.memref_slice %arg7[%dma_wait3A_116, %dma_wait3A_117] : memref<48x20xi32, #tpu.memory_space<vmem>> -> memref<1x4xi32, #tpu.memory_space<vmem>>
    %dma_wait3A_119 = tpu.memref_squeeze %dma_wait3A_118 : memref<1x4xi32, #tpu.memory_space<vmem>> -> memref<4xi32, #tpu.memory_space<vmem>>
    %dma_wait3A_120 = arith.constant 0 : i32
    %dma_wait3A_121 = arith.constant 0 : i32
    %dma_wait3A_122 = tpu.memref_slice %arg5[%dma_wait3A_120, %dma_wait3A_121] : memref<20480x4096xf32, #tpu.memory_space<hbm>> -> memref<20480x4096xf32, #tpu.memory_space<hbm>>
    tpu.wait_indirect_dma semaphore(%arg13 : memref<!tpu.dma_semaphore, #tpu.memory_space<semaphore_mem>>) src(%arg9 : memref<4x4096xf32, #tpu.memory_space<vmem>>) dst(%dma_wait3A_122 : memref<20480x4096xf32, #tpu.memory_space<hbm>>)
    return
  }
}

</mosaic_0001>

<sc_bundles>
// kernel: gather_offload_async_start
scs
__scs_entry_jumppad:
0x0: {  	(pc) =	sbr.rel $0x88, $3  }
0x1: {  	(tag) =	ssettag $0x0;
	lr =	simm.s32 $0x1  }
0x2: {  	[smem:$0x3F9F] =	sst lr;
	_ =	strace $0xD0000000  }
0x3: {  	_ = 	snop  }
0x4: {  	_ = 	snop  }
0x5: {  	_ = 	snop  }
0x6: {  	_ = 	snop  }
0x7: {  	_ = 	snop  }
__scs_overlays_trampoline_lowered:
0x8: {  	[smem:$0x3FAE] =	sst s0  }
0x9: {  	[smem:$0x3FAF] =	sst s1  }
0xa: {  	[smem:$0x3FB0] =	sst s2  }
0xb: {  	[smem:$0x3FB1] =	sst s3  }
0xc: {  	[smem:$0x3FB2] =	sst s4  }
0xd: {  	[smem:$0x3FB3] =	sst s5  }
0xe: {  	[smem:$0x3FB4] =	sst s6  }
0xf: {  	[smem:$0x3FB5] =	sst s7  }
0x10: {  	[smem:$0x3FB6] =	sst s8  }
0x11: {  	[smem:$0x3FB7] =	sst s9;
	s0 =	simm.s32 @!p0 $0x0  }
0x12: {  	s1 =	sld [smem:$0x3F9D];
	s0 =	simm.s32 @p0 $0x1  }
0x13: {  	[smem:$0x3FB8] =	sst s0;
	s0 =	simm.s32 @!p1 $0x0  }
0x14: {  	s2 =	sld [smem:$0x3F9C];
	s0 =	simm.s32 @p1 $0x1  }
0x15: {  	[smem:$0x3FB9] =	sst s0;
	s0 =	simm.s32 @!p2 $0x0  }
0x16: {  	s3 =	sld [smem:$0x3FDB];
	s0 =	simm.s32 @p2 $0x1  }
0x17: {  	s4 =	simm.s32 $0x1BF5;
	[smem:$0x3FBB] =	sst s0  }
0x18: {  	s0 =	sld [smem:$0x3F9E];
	_ =	swait.ge [sflag:s4], $0x0  }
0x19: {  	s7 =	sld [smem:$0x3F9F]  }
0x1a: {  	s8 =	sadd.s32 $0xFFFFE003, lr  }
0x1b: {  	s9 =	sadd.s32 $0xFFFFFEF7, lr;
	s5 =	simm.s32 $0xFFFFFFFF;
	p2 =	slt.u32 s8, $0xFFFFF086  }
0x1c: {  	p1 =	slt.u32 s9, $0xF7A;
	s5 =	simm.s32 @!p2 $0x0  }
0x1d: {  	s5 =	simm.s32 @p1 $0x1;
	p0 =	seq.s32 s7, s2  }
0x1e: {  	s7 =	smul.u32 @!p0 $0xF7A, s2;
	p2 =	seq.s32 @!p0 s5, $0x0  }
0x1f: {  	s9 =	smul.u32 $0xF7A, s1;
	s8 =	simm.s32 @!p0 $0x1BF5;
	p2 =	por !p2, p0  }
0x20: {  	[sflag:s8] =	ssyncset.s32 @!p0 $0xFFFFF086;
	s6 =	sadd.s32 @!p0 s3, s7;
	s7 =	simm.s32 @!p0 $0x108  }
0x21: {  	s3 =	sadd.s32 s3, s9;
	s6 =	sadd.s32 @!p0 $0x88, s6;
	s7 =	simm.s32 @p2 $0x1082  }
0x22: {  	[simem:s7], [sflag:s8] =	dma.local @!p0 [hbm:s6], $0xF7A  }
0x23: {  	s9 =	sor.u32 $0xD0000000, s2;
	s6 =	simm.s32 $0x108;
	_ =	swait.ge @!p0 [sflag:s8], $0x0  }
0x24: {  	s3 =	sadd.s32 $0x88, s3;
	s6 =	simm.s32 @!p1 $0x1082;
	[sflag:s4] =	ssyncset.s32 $0xFFFFF086  }
0x25: {  	[simem:s6], [sflag:s4] =	dma.local [hbm:s3], $0xF7A  }
0x26: {  	[smem:$0x3F9F] =	sst s1;
	(tag) =	ssettag s2;
	_ =	strace s9  }
0x27: {  	s1 =	sld [smem:$0x3FAF]  }
0x28: {  	s2 =	sld [smem:$0x3FB0]  }
0x29: {  	s4 =	sld [smem:$0x3FB2]  }
0x2a: {  	p0 =	seq.s32 s5, $0x0;
	s5 =	sld [smem:$0x3FB3]  }
0x2b: {  	s6 =	sld [smem:$0x3FB4]  }
0x2c: {  	s7 =	sld [smem:$0x3FB5]  }
0x2d: {  	s3 =	simm.s32 $0x108;
	s8 =	sld [smem:$0x3FB6]  }
0x2e: {  	s3 =	simm.s32 @!p0 $0x1082;
	s9 =	sld [smem:$0x3FB7]  }
0x2f: {  	lr =	sadd.s32 s0, s3;
	s0 =	sld [smem:$0x3FAE]  }
0x30: {  	s3 =	sld [smem:$0x3FB1]  }
0x31: {  	[smem:$0x3FBA] =	sst s10  }
0x32: {  	s10 =	sld [smem:$0x3FB8];
	_ =	sdelay $0x3  }
0x33: {  	p0 =	seq.s32 s10, $0x1;
	s10 =	sld [smem:$0x3FBA];
	_ =	sdelay $0x3  }
0x34: {  	[smem:$0x3FBA] =	sst s10  }
0x35: {  	s10 =	sld [smem:$0x3FB9];
	_ =	sdelay $0x3  }
0x36: {  	p1 =	seq.s32 s10, $0x1;
	s10 =	sld [smem:$0x3FBA];
	_ =	sdelay $0x3  }
0x37: {  	[smem:$0x3FBA] =	sst s10  }
0x38: {  	s10 =	sld [smem:$0x3FBB]  }
0x39: {  	_ = 	snop;
	(pc) =	sbr.ind lr, $3  }
0x3a: {  	_ = 	snop  }
0x3b: {  	_ = 	snop  }
0x3c: {  	p2 =	seq.s32 s10, $0x1;
	s10 =	sld [smem:$0x3FBA]  }
0x3d: {  	_ =	shalt  }
0x3e: {  	_ =	shalt  }
0x3f: {  	_ =	shalt  }
0x40: {  	_ =	shalt  }
0x41: {  	_ =	shalt  }
0x42: {  	_ =	shalt  }
0x43: {  	_ =	shalt  }
0x44: {  	_ =	shalt  }
0x45: {  	_ =	shalt  }
0x46: {  	_ =	shalt  }
0x47: {  	_ =	shalt  }
0x48: {  	_ =	shalt  }
0x49: {  	_ =	shalt  }
0x4a: {  	_ =	shalt  }
0x4b: {  	_ =	shalt  }
0x4c: {  	_ =	shalt  }
0x4d: {  	_ =	shalt  }
0x4e: {  	_ =	shalt  }
0x4f: {  	_ =	shalt  }
0x50: {  	_ =	shalt  }
0x51: {  	_ =	shalt  }
0x52: {  	_ =	shalt  }
0x53: {  	_ =	shalt  }
0x54: {  	_ =	shalt  }
0x55: {  	_ =	shalt  }
0x56: {  	_ =	shalt  }
0x57: {  	_ =	shalt  }
0x58: {  	_ =	shalt  }
0x59: {  	_ =	shalt  }
0x5a: {  	_ =	shalt  }
0x5b: {  	_ =	shalt  }
0x5c: {  	_ =	shalt  }
0x5d: {  	_ =	shalt  }
0x5e: {  	_ =	shalt  }
0x5f: {  	_ =	shalt  }
0x60: {  	_ =	shalt  }
0x61: {  	_ =	shalt  }
0x62: {  	_ =	shalt  }
0x63: {  	_ =	shalt  }
0x64: {  	_ =	shalt  }
0x65: {  	_ =	shalt  }
0x66: {  	_ =	shalt  }
0x67: {  	_ =	shalt  }
0x68: {  	_ =	shalt  }
0x69: {  	_ =	shalt  }
0x6a: {  	_ =	shalt  }
0x6b: {  	_ =	shalt  }
0x6c: {  	_ =	shalt  }
0x6d: {  	_ =	shalt  }
0x6e: {  	_ =	shalt  }
0x6f: {  	_ =	shalt  }
0x70: {  	_ =	shalt  }
0x71: {  	_ =	shalt  }
0x72: {  	_ =	shalt  }
0x73: {  	_ =	shalt  }
0x74: {  	_ =	shalt  }
0x75: {  	_ =	shalt  }
0x76: {  	_ =	shalt  }
0x77: {  	_ =	shalt  }
0x78: {  	_ =	shalt  }
0x79: {  	_ =	shalt  }
0x7a: {  	_ =	shalt  }
0x7b: {  	_ =	shalt  }
0x7c: {  	_ =	shalt  }
0x7d: {  	_ =	shalt  }
0x7e: {  	_ =	shalt  }
0x7f: {  	_ =	shalt  }
0x80: {  	_ =	shalt  }
0x81: {  	_ =	shalt  }
0x82: {  	_ =	shalt  }
0x83: {  	_ =	shalt  }
0x84: {  	_ =	shalt  }
0x85: {  	_ =	shalt  }
0x86: {  	_ =	shalt  }
0x87: {  	_ =	shalt  }
.Lfunc_end0:
.L_simem_size_0:
called_computation.1_lowered:
.L_overlay_start_0:
0x88: {  	s2 =	sld [smem:$0x3FD9]  }
0x89: {  	s3 =	sld [smem:$0x3FFE];
	_ =	sdelay $0x1  }
0x8a: {  	s1 =	srdreg.scid  }
0x8b: {  	s0 =	sand.u32 $0x1, s1  }
0x8c: {  	s17 =	sshll.u32 s0, $0xA;
	s2 =	sadd.s32 s3, s2  }
0x8d: {  	s2 =	sadd.s32 s2, s17  }
0x8e: {  	[smem:$0x3FC6] =	sst s2  }
0x8f: {  	_ = 	snop  }
0x90: {  	s2 =	sld [smem:$0x3FD0];
	(tm) =	ssettm $0x1  }
0x91: {  	s18 =	sld [smem:$0x3FFB];
	_ =	sdelay $0x3  }
0x92: {  	_ =	strace s18  }
0x93: {  	s3 =	sld [smem:$0x3FFC];
	_ =	sdelay $0x3  }
0x94: {  	_ =	strace s3  }
0x95: {  	s3 =	sld [smem:$0x3FFD];
	_ =	sdelay $0x3  }
0x96: {  	_ =	strace s3  }
0x97: {  	_ =	strace $0x8FFFFFFF  }
0x98: {  	s19 =	sld [smem:$0x3FDB];
	_ =	sdelay $0x1  }
0x99: {  	s4 =	simm.s32 $_scs_section_size  }
0x9a: {  	s5 =	simm.s32 $_size__tile_overlayer_lowered;
	s6 =	simm.s32 $_tile_overlayer_lowered  }
0x9b: {  	s22 =	simm.s32 $0x1BFF;
	s21 =	sshll.u32 s6, $0x1;
	s3 =	sadd.s32 s4, s19  }
0x9c: {  	s7 =	simm.s32 $0x0;
	s20 =	sshll.u32 s5, $0x1;
	s5 =	sadd.s32 s21, s3  }
0x9d: {  	[timem:s7], [sflag:s22] =	dma.local [hbm:s5], s20  }
0x9e: {  	_ =	swait.ge [sflag:s22], s20  }
0x9f: {  	s4 =	ssub.s32 $0x0, s20;
	[sflag:s22] =	ssyncset.done $0x0  }
0xa0: {  	[sflag:s22] =	ssyncadd.s32 s4;
	_ =	sdelay $0x1  }
0xa1: {  	s23 =	simm.s32 $0x1B8B  }
0xa2: {  	_ =	swait.ge [sflag:s23], $0x1  }
0xa3: {  	[sflag:s23] =	ssyncset.done $0x0  }
0xa4: {  	s25 =	simm.s32 $0x1B8E;
	s24 =	sld [smem:$0x3FFE];
	[sflag:s23] =	ssyncadd.s32 $0xFFFFFFFF  }
0xa5: {  	s26 =	simm.s32 $execute0_lowered;
	[smem:$0x3FD2] =	sst s25  }
0xa6: {  	s5 =	sshll.u32 s26, $0x1;
	_ =	strace $0x80000049;
	[dreg:$0x1] =	wrdreg $0xFFFFFFFF  }
0xa7: {  	s28 =	simm.s32 $_size_execute0_lowered;
	s3 =	sadd.s32 s3, s5;
	[dreg:$0x0] =	wrdreg $0x0  }
0xa8: {  	s5 =	sshll.u32 s28, $0x1;
	[dreg:$0x2] =	wrdreg s3  }
0xa9: {  	[dreg:$0x3] =	wrdreg s5  }
0xaa: {  	[dreg:$0x4] =	wrdreg $0xC0  }
0xab: {  	_ =	task [dreg:s7], $0x5FFFF  }
0xac: {  	[dreg:$0x1] =	wrdreg $0xFFFFFFFF  }
0xad: {  	[dreg:$0x0] =	wrdreg $0x60  }
0xae: {  	[dreg:$0x2] =	wrdreg s24  }
0xaf: {  	[dreg:$0x3] =	wrdreg s2  }
0xb0: {  	[dreg:$0x4] =	wrdreg $0x9  }
0xb1: {  	_ =	task.clear_ibuf [dreg:s7], $0x5FFFF;
	_ =	strace $0x90000049  }
0xb2: {  	s29 =	simm.s32 $0x9;
	_ =	strace $0x8000004B  }
0xb3: {  	_ =	swait.ge [sflag:s29], $0x1  }
0xb4: {  	[sflag:s29] =	ssyncadd.s32 $0xFFFFFFFF  }
0xb5: {  	_ =	strace $0x9000004B  }
0xb6: {  	_ =	sfence  }
0xb7: {  	s30 =	sld [smem:$0x0];
	_ =	sdelay $0x2  }
0xb8: {  	s31 =	sshll.u32 s1, $0xD;
	s1 =	sshrl.u32 s1, $0x2  }
0xb9: {  	s3 =	sand.u32 $0x4000, s31;
	s1 =	sadd.s32 s1, s30  }
0xba: {  	s0 =	sor.u32 s3, s0;
	s1 =	sshll.u32 s1, $0x11  }
0xbb: {  	s0 =	sor.u32 s1, s0  }
0xbc: {  	s0 =	sadd.s32 $0x8F2B, s0  }
0xbd: {  	[sflag:s0] =	ssyncadd.remote.s32 $0x1  }
0xbe: {  	_ =	sfence.sel $0xFFFF  }
0xbf: {  	[dreg:$0x0] =	wrdreg $0xFFFFFFFF;
	(pc) =	sbr.abs _section_cstart, $3  }
0xc0: {  	[dreg:$0x1] =	wrdreg $0xFFFFFFFF  }
0xc1: {  	_ =	task.clear_ibuf [dreg:s7], $0x2FFFF;
	_ =	strace $0x9FFFFFFF  }
0xc2: {  	(tm) =	ssettm $0x7FFFFFFF  }
0xc3: {  	_ =	shalt  }
tec
execute0_lowered:
.L_overlay_start_1:
0x0: {  	(tag) =	ssettag $0x1  }
0x1: {  	s1 =	srdreg.scid  }
0x2: {  	s0 =	stileid.u32;
	s2 =	rddreg [dreg:$0x0];
	s1 =	sshll.u32 s1, $0x5  }
0x3: {  	s3 =	rddreg [dreg:$0x1];
	s4 =	sshll.u32 s0, $0x6;
	s1 =	sand.u32 $0x20, s1  }
0x4: {  	s6 =	simm.s32 $0x1;
	s30 =	simm.s32 $0x2;
	s4 =	sor.u32 s4, s1  }
0x5: {  	s31 =	simm.s32 $0x3;
	s11 =	simm.s32 $0x0;
	s5 =	ssub.s32 $0x500, s4  }
0x6: {  	s8 =	simm.s32 $0x0;
	s9 =	simm.s32 $0x0;
	s7 =	sand.u32 $0x3E0, s5  }
0x7: {  	s1 =	rddreg [dreg:$0x2];
	_ =	strace $0x8000004A;
	p0 =	sne.s32 s7, $0x0  }
0x8: {  	[sflag:s6] =	ssyncpa.u1 $0x0;
	s5 =	sshrl.u32 s5, $0xA;
	s6 =	simm.s32 @!p0 $0x0  }
0x9: {  	s10 =	smov.u32 s4;
	[sflag:s30] =	ssyncpa.u1 $0x0;
	s5 =	sadd.s32 s6, s5  }
0xa: {  	[sflag:s31] =	ssyncpa.u1 $0x0;
	s6 =	sadd.s32 $0x400, s2;
	s7 =	sadd.s32 $0x1, s5  }
.LBB2_1:
0xb: {  	p0 =	sge.u32 s9, s5  }
0xc: {  	s31 =	sadd.s32 $0xFFFFFFFF, s9;
	s12 =	sxor.u32 @!p0 $0xFFFFFFFF, s8;
	s13 =	sshrl.u32 @!p0 s10, $0x3  }
0xd: {  	s14 =	sand.u32 @!p0 $0x7, s10;
	s12 =	sand.u32 @!p0 $0x20, s12;
	s13 =	sadd.s32 @!p0 s3, s13  }
0xe: {  	[tilespmem:s12], [sflag:$0x2] =	stream.linear.gather @!p0 [hbm4b:s13+s14], $0x20, $0x38;
	[tilespmem:$0x80] =	vst v63  }
0xf: {  	p0 =	sge.u32 s31, s5  }
0x10: {  	s12 =	simm.s32 @!p0 $0x2  }
0x11: {  	_ =	swait.ge @!p0 [sflag:s12], $0x20  }
0x12: {  	[sflag:s12] =	ssyncset.done @!p0 $0x0  }
0x13: {  	[sflag:s12] =	ssyncadd.s32 @!p0 $0xFFFFFFE0;
	s12 =	sand.u32 @!p0 $0x20, s8  }
0x14: {  	(ifvalue) =	ssetifvalue @!p0 $0x7FFFFFFF;
	v0 =	vld.msk @!p0 [tilespmem:s12+$0x0 ss:$0x1], $0xffff;
	_ =	sdelay $0x4  }
0x15: {  	vm0 =	vgt.s32 @!p0 v0, $0x0  }
0x16: {  	v0 =	vnsel @!p0 vm0, $0x0, v0  }
0x17: {  	v0 =	vmin.u32 @!p0 v0, $0x3FF;
	_ =	sdelay $0x2  }
0x18: {  	s14 =	simm.s32 @!p0 $0x0  }
0x19: {  	s13 =	sor.u32 @!p0 $0x40, s12;
	(ifvalue) =	ssetifvalue @!p0 $0x7FFFFFFF;
	s15 =	sor.u32 @!p0 $0x10, s12;
	vm0 =	vmmov @!p0 $0xffff  }
0x1a: {  	[tilespmem:s13], [sflag:$0x1] =	stream.indirect_vreg.gather @!p0 [hbm4b:s6+s14], $0x1, v0, vm0, $0x4038;
	[tilespmem:$0x80] =	vst v63  }
0x1b: {  	v0 =	vld.msk @!p0 [tilespmem:s15+$0x0 ss:$0x1], $0xffff;
	_ =	sdelay $0x4  }
0x1c: {  	vm1 =	vgt.s32 @!p0 v0, $0x0  }
0x1d: {  	v0 =	vnsel @!p0 vm1, $0x0, v0  }
0x1e: {  	v0 =	vmin.u32 @!p0 v0, $0x3FF;
	_ =	sdelay $0x3  }
0x1f: {  	s12 =	sor.u32 @!p0 $0x50, s12;
	(ifvalue) =	ssetifvalue @!p0 $0x7FFFFFFF  }
0x20: {  	[tilespmem:s12], [sflag:$0x1] =	stream.indirect_vreg.gather @!p0 [hbm4b:s6+s14], $0x1, v0, vm0, $0x4038;
	[tilespmem:$0x80] =	vst v63  }
0x21: {  	s12 =	simm.s32 @!p0 $0x1  }
0x22: {  	_ =	swait.ge @!p0 [sflag:s12], $0x20  }
0x23: {  	s14 =	sshrl.u32 @!p0 s11, $0x3;
	[sflag:s12] =	ssyncset.done @!p0 $0x0  }
0x24: {  	s11 =	sand.u32 @!p0 $0x7, s11;
	[sflag:s12] =	ssyncadd.s32 @!p0 $0xFFFFFFE0;
	s12 =	sadd.s32 @!p0 s2, s14  }
0x25: {  	[hbm4b:s12+s11] =	stream.linear.scatter @!p0 [tilespmem:s13], [sflag:$0x3], $0x20, $0x38;
	[tilespmem:$0x80] =	vst v63  }
0x26: {  	s13 =	sadd.s32 $0x400, s10  }
0x27: {  	p1 =	sgt.s32 s13, $0x4FF  }
0x28: {  	s13 =	smov.u32 @p1 s4;
	p1 =	sne.s32 s9, s7  }
.Ltmp0:
0x29: {  	p0 =	slt.u32 s9, $0x2;
	(pc) =	sbr.rel @p1 .LBB2_1-.Ltmp0, $4  }
0x2a: {  	s12 =	simm.s32 @!p0 $0x3  }
0x2b: {  	_ =	swait.ge @!p0 [sflag:s12], $0x20  }
0x2c: {  	s8 =	sadd.s32 $0x20, s8;
	s11 =	smov.u32 s10;
	[sflag:s12] =	ssyncset.done @!p0 $0x0  }
0x2d: {  	s9 =	sadd.s32 $0x1, s9;
	s10 =	smov.u32 s13;
	[sflag:s12] =	ssyncadd.s32 @!p0 $0xFFFFFFE0  }
0x2e: {  	_ =	sfence.sel $0x180000  }
0x2f: {  	s2 =	simm.s32 $0x2;
	[bflag:$0x0] =	sbarrier.arrive $0xFFFF  }
0x30: {  	s30 =	simm.s32 $0x3;
	[sflag:s2] =	ssyncpa.u1 $0x1  }
0x31: {  	s31 =	simm.s32 $0x1;
	[sflag:s30] =	ssyncpa.u1 $0x1  }
0x32: {  	[sflag:s31] =	ssyncpa.u1 $0x1  }
0x33: {  	p0 =	sne.s32 s0, $0x0;
	_ =	strace $0x9000004A  }
0x34: {  	s0 =	sadd.s32 @!p0 $0x100000, s1;
	[bflag:$0x2] =	sbarrier.arrive $0xFFFF  }
0x35: {  	[sflag:s0] =	ssyncadd.tile.s32 @!p0 $0x1;
	_ =	shalt  }
.Lfunc_end2:
_tile_overlayer_lowered:
.L_overlay_start_2:
0x36: {  	(tag) =	ssettag $0x2  }
0x37: {  	s0 =	rddreg [dreg:$0x0];
	s2 =	stileid.u32  }
0x38: {  	s1 =	rddreg [dreg:$0x1];
	p0 =	sne.s32 s2, $0x0  }
0x39: {  	s3 =	rddreg [dreg:$0x2];
	[bflag:$0x3] =	sbarrier.arrive $0xFFFF;
	s2 =	simm.s32 @!p0 $0x1C01  }
0x3a: {  	[timem:s3], [sflag:s2] =	dma.local @!p0 [hbm:s0], s1  }
0x3b: {  	s0 =	simm.s32 @!p0 $0x1  }
0x3c: {  	_ =	swait.ge @!p0 [sflag:s0], s1  }
0x3d: {  	s1 =	ssub.s32 @!p0 $0x0, s1;
	[sflag:s0] =	ssyncset.done @!p0 $0x0  }
0x3e: {  	[sflag:s0] =	ssyncadd.s32 @!p0 s1  }
0x3f: {  	[bflag:$0x3] =	sbarrier.arrive $0xFFFF  }
0x40: {  	_ =	shalt  }

// kernel: kernel.3.cloned.1.call-start
scs
__scs_entry_jumppad:
0x0: {  	(pc) =	sbr.rel $0x88, $3  }
0x1: {  	(tag) =	ssettag $0x0;
	lr =	simm.s32 $0x1  }
0x2: {  	[smem:$0x3F9F] =	sst lr;
	_ =	strace $0xD0000000  }
0x3: {  	_ = 	snop  }
0x4: {  	_ = 	snop  }
0x5: {  	_ = 	snop  }
0x6: {  	_ = 	snop  }
0x7: {  	_ = 	snop  }
__scs_overlays_trampoline_lowered:
0x8: {  	[smem:$0x3FAE] =	sst s0  }
0x9: {  	[smem:$0x3FAF] =	sst s1  }
0xa: {  	[smem:$0x3FB0] =	sst s2  }
0xb: {  	[smem:$0x3FB1] =	sst s3  }
0xc: {  	[smem:$0x3FB2] =	sst s4  }
0xd: {  	[smem:$0x3FB3] =	sst s5  }
0xe: {  	[smem:$0x3FB4] =	sst s6  }
0xf: {  	[smem:$0x3FB5] =	sst s7  }
0x10: {  	[smem:$0x3FB6] =	sst s8  }
0x11: {  	[smem:$0x3FB7] =	sst s9;
	s0 =	simm.s32 @!p0 $0x0  }
0x12: {  	s1 =	sld [smem:$0x3F9D];
	s0 =	simm.s32 @p0 $0x1  }
0x13: {  	[smem:$0x3FB8] =	sst s0;
	s0 =	simm.s32 @!p1 $0x0  }
0x14: {  	s2 =	sld [smem:$0x3F9C];
	s0 =	simm.s32 @p1 $0x1  }
0x15: {  	[smem:$0x3FB9] =	sst s0;
	s0 =	simm.s32 @!p2 $0x0  }
0x16: {  	s3 =	sld [smem:$0x3FDB];
	s0 =	simm.s32 @p2 $0x1  }
0x17: {  	s4 =	simm.s32 $0x1BF5;
	[smem:$0x3FBB] =	sst s0  }
0x18: {  	s0 =	sld [smem:$0x3F9E];
	_ =	swait.ge [sflag:s4], $0x0  }
0x19: {  	s7 =	sld [smem:$0x3F9F]  }
0x1a: {  	s8 =	sadd.s32 $0xFFFFE003, lr  }
0x1b: {  	s9 =	sadd.s32 $0xFFFFFEF7, lr;
	s5 =	simm.s32 $0xFFFFFFFF;
	p2 =	slt.u32 s8, $0xFFFFF086  }
0x1c: {  	p1 =	slt.u32 s9, $0xF7A;
	s5 =	simm.s32 @!p2 $0x0  }
0x1d: {  	s5 =	simm.s32 @p1 $0x1;
	p0 =	seq.s32 s7, s2  }
0x1e: {  	s7 =	smul.u32 @!p0 $0xF7A, s2;
	p2 =	seq.s32 @!p0 s5, $0x0  }
0x1f: {  	s9 =	smul.u32 $0xF7A, s1;
	s8 =	simm.s32 @!p0 $0x1BF5;
	p2 =	por !p2, p0  }
0x20: {  	[sflag:s8] =	ssyncset.s32 @!p0 $0xFFFFF086;
	s6 =	sadd.s32 @!p0 s3, s7;
	s7 =	simm.s32 @!p0 $0x108  }
0x21: {  	s3 =	sadd.s32 s3, s9;
	s6 =	sadd.s32 @!p0 $0x88, s6;
	s7 =	simm.s32 @p2 $0x1082  }
0x22: {  	[simem:s7], [sflag:s8] =	dma.local @!p0 [hbm:s6], $0xF7A  }
0x23: {  	s9 =	sor.u32 $0xD0000000, s2;
	s6 =	simm.s32 $0x108;
	_ =	swait.ge @!p0 [sflag:s8], $0x0  }
0x24: {  	s3 =	sadd.s32 $0x88, s3;
	s6 =	simm.s32 @!p1 $0x1082;
	[sflag:s4] =	ssyncset.s32 $0xFFFFF086  }
0x25: {  	[simem:s6], [sflag:s4] =	dma.local [hbm:s3], $0xF7A  }
0x26: {  	[smem:$0x3F9F] =	sst s1;
	(tag) =	ssettag s2;
	_ =	strace s9  }
0x27: {  	s1 =	sld [smem:$0x3FAF]  }
0x28: {  	s2 =	sld [smem:$0x3FB0]  }
0x29: {  	s4 =	sld [smem:$0x3FB2]  }
0x2a: {  	p0 =	seq.s32 s5, $0x0;
	s5 =	sld [smem:$0x3FB3]  }
0x2b: {  	s6 =	sld [smem:$0x3FB4]  }
0x2c: {  	s7 =	sld [smem:$0x3FB5]  }
0x2d: {  	s3 =	simm.s32 $0x108;
	s8 =	sld [smem:$0x3FB6]  }
0x2e: {  	s3 =	simm.s32 @!p0 $0x1082;
	s9 =	sld [smem:$0x3FB7]  }
0x2f: {  	lr =	sadd.s32 s0, s3;
	s0 =	sld [smem:$0x3FAE]  }
0x30: {  	s3 =	sld [smem:$0x3FB1]  }
0x31: {  	[smem:$0x3FBA] =	sst s10  }
0x32: {  	s10 =	sld [smem:$0x3FB8];
	_ =	sdelay $0x3  }
0x33: {  	p0 =	seq.s32 s10, $0x1;
	s10 =	sld [smem:$0x3FBA];
	_ =	sdelay $0x3  }
0x34: {  	[smem:$0x3FBA] =	sst s10  }
0x35: {  	s10 =	sld [smem:$0x3FB9];
	_ =	sdelay $0x3  }
0x36: {  	p1 =	seq.s32 s10, $0x1;
	s10 =	sld [smem:$0x3FBA];
	_ =	sdelay $0x3  }
0x37: {  	[smem:$0x3FBA] =	sst s10  }
0x38: {  	s10 =	sld [smem:$0x3FBB]  }
0x39: {  	_ = 	snop;
	(pc) =	sbr.ind lr, $3  }
0x3a: {  	_ = 	snop  }
0x3b: {  	_ = 	snop  }
0x3c: {  	p2 =	seq.s32 s10, $0x1;
	s10 =	sld [smem:$0x3FBA]  }
0x3d: {  	_ =	shalt  }
0x3e: {  	_ =	shalt  }
0x3f: {  	_ =	shalt  }
0x40: {  	_ =	shalt  }
0x41: {  	_ =	shalt  }
0x42: {  	_ =	shalt  }
0x43: {  	_ =	shalt  }
0x44: {  	_ =	shalt  }
0x45: {  	_ =	shalt  }
0x46: {  	_ =	shalt  }
0x47: {  	_ =	shalt  }
0x48: {  	_ =	shalt  }
0x49: {  	_ =	shalt  }
0x4a: {  	_ =	shalt  }
0x4b: {  	_ =	shalt  }
0x4c: {  	_ =	shalt  }
0x4d: {  	_ =	shalt  }
0x4e: {  	_ =	shalt  }
0x4f: {  	_ =	shalt  }
0x50: {  	_ =	shalt  }
0x51: {  	_ =	shalt  }
0x52: {  	_ =	shalt  }
0x53: {  	_ =	shalt  }
0x54: {  	_ =	shalt  }
0x55: {  	_ =	shalt  }
0x56: {  	_ =	shalt  }
0x57: {  	_ =	shalt  }
0x58: {  	_ =	shalt  }
0x59: {  	_ =	shalt  }
0x5a: {  	_ =	shalt  }
0x5b: {  	_ =	shalt  }
0x5c: {  	_ =	shalt  }
0x5d: {  	_ =	shalt  }
0x5e: {  	_ =	shalt  }
0x5f: {  	_ =	shalt  }
0x60: {  	_ =	shalt  }
0x61: {  	_ =	shalt  }
0x62: {  	_ =	shalt  }
0x63: {  	_ =	shalt  }
0x64: {  	_ =	shalt  }
0x65: {  	_ =	shalt  }
0x66: {  	_ =	shalt  }
0x67: {  	_ =	shalt  }
0x68: {  	_ =	shalt  }
0x69: {  	_ =	shalt  }
0x6a: {  	_ =	shalt  }
0x6b: {  	_ =	shalt  }
0x6c: {  	_ =	shalt  }
0x6d: {  	_ =	shalt  }
0x6e: {  	_ =	shalt  }
0x6f: {  	_ =	shalt  }
0x70: {  	_ =	shalt  }
0x71: {  	_ =	shalt  }
0x72: {  	_ =	shalt  }
0x73: {  	_ =	shalt  }
0x74: {  	_ =	shalt  }
0x75: {  	_ =	shalt  }
0x76: {  	_ =	shalt  }
0x77: {  	_ =	shalt  }
0x78: {  	_ =	shalt  }
0x79: {  	_ =	shalt  }
0x7a: {  	_ =	shalt  }
0x7b: {  	_ =	shalt  }
0x7c: {  	_ =	shalt  }
0x7d: {  	_ =	shalt  }
0x7e: {  	_ =	shalt  }
0x7f: {  	_ =	shalt  }
0x80: {  	_ =	shalt  }
0x81: {  	_ =	shalt  }
0x82: {  	_ =	shalt  }
0x83: {  	_ =	shalt  }
0x84: {  	_ =	shalt  }
0x85: {  	_ =	shalt  }
0x86: {  	_ =	shalt  }
0x87: {  	_ =	shalt  }
.Lfunc_end0:
.L_simem_size_0:
called_computation.2_lowered:
.L_overlay_start_0:
0x88: {  	s2 =	sld [smem:$0x3FD9]  }
0x89: {  	s3 =	sld [smem:$0x3FFE];
	_ =	sdelay $0x1  }
0x8a: {  	s1 =	srdreg.scid  }
0x8b: {  	s0 =	sand.u32 $0x1, s1  }
0x8c: {  	s17 =	sshll.u32 s0, $0xA;
	s2 =	sadd.s32 s3, s2  }
0x8d: {  	s2 =	sadd.s32 s2, s17  }
0x8e: {  	[smem:$0x3FC6] =	sst s2  }
0x8f: {  	_ = 	snop  }
0x90: {  	s2 =	sld [smem:$0x3FD0];
	(tm) =	ssettm $0x1  }
0x91: {  	s18 =	sld [smem:$0x3FFB];
	_ =	sdelay $0x3  }
0x92: {  	_ =	strace s18  }
0x93: {  	s3 =	sld [smem:$0x3FFC];
	_ =	sdelay $0x3  }
0x94: {  	_ =	strace s3  }
0x95: {  	s3 =	sld [smem:$0x3FFD];
	_ =	sdelay $0x3  }
0x96: {  	_ =	strace s3  }
0x97: {  	_ =	strace $0x8FFFFFFF  }
0x98: {  	s19 =	sld [smem:$0x3FDB];
	_ =	sdelay $0x1  }
0x99: {  	s4 =	simm.s32 $_scs_section_size  }
0x9a: {  	s5 =	simm.s32 $_size__tile_overlayer_lowered;
	s6 =	simm.s32 $_tile_overlayer_lowered  }
0x9b: {  	s22 =	simm.s32 $0x1BFF;
	s21 =	sshll.u32 s6, $0x1;
	s3 =	sadd.s32 s4, s19  }
0x9c: {  	s7 =	simm.s32 $0x0;
	s20 =	sshll.u32 s5, $0x1;
	s5 =	sadd.s32 s21, s3  }
0x9d: {  	[timem:s7], [sflag:s22] =	dma.local [hbm:s5], s20  }
0x9e: {  	_ =	swait.ge [sflag:s22], s20  }
0x9f: {  	s4 =	ssub.s32 $0x0, s20;
	[sflag:s22] =	ssyncset.done $0x0  }
0xa0: {  	[sflag:s22] =	ssyncadd.s32 s4;
	_ =	sdelay $0x1  }
0xa1: {  	s23 =	simm.s32 $0x1B8B  }
0xa2: {  	_ =	swait.ge [sflag:s23], $0x1  }
0xa3: {  	[sflag:s23] =	ssyncset.done $0x0  }
0xa4: {  	s25 =	simm.s32 $0x1B8E;
	s24 =	sld [smem:$0x3FFE];
	[sflag:s23] =	ssyncadd.s32 $0xFFFFFFFF  }
0xa5: {  	s26 =	simm.s32 $execute0_lowered;
	[smem:$0x3FD2] =	sst s25  }
0xa6: {  	s5 =	sshll.u32 s26, $0x1;
	_ =	strace $0x8000004C;
	[dreg:$0x1] =	wrdreg $0xFFFFFFFF  }
0xa7: {  	s28 =	simm.s32 $_size_execute0_lowered;
	s3 =	sadd.s32 s3, s5;
	[dreg:$0x0] =	wrdreg $0x0  }
0xa8: {  	s5 =	sshll.u32 s28, $0x1;
	[dreg:$0x2] =	wrdreg s3  }
0xa9: {  	[dreg:$0x3] =	wrdreg s5  }
0xaa: {  	[dreg:$0x4] =	wrdreg $0xC0  }
0xab: {  	_ =	task [dreg:s7], $0x5FFFF  }
0xac: {  	[dreg:$0x1] =	wrdreg $0xFFFFFFFF  }
0xad: {  	[dreg:$0x0] =	wrdreg $0x60  }
0xae: {  	[dreg:$0x2] =	wrdreg s24  }
0xaf: {  	[dreg:$0x3] =	wrdreg s2  }
0xb0: {  	[dreg:$0x4] =	wrdreg $0x9  }
0xb1: {  	_ =	task.clear_ibuf [dreg:s7], $0x5FFFF;
	_ =	strace $0x9000004C  }
0xb2: {  	s29 =	simm.s32 $0x9;
	_ =	strace $0x8000004E  }
0xb3: {  	_ =	swait.ge [sflag:s29], $0x1  }
0xb4: {  	[sflag:s29] =	ssyncadd.s32 $0xFFFFFFFF  }
0xb5: {  	_ =	strace $0x9000004E  }
0xb6: {  	_ =	sfence  }
0xb7: {  	s30 =	sld [smem:$0x0];
	_ =	sdelay $0x2  }
0xb8: {  	s31 =	sshll.u32 s1, $0xD;
	s1 =	sshrl.u32 s1, $0x2  }
0xb9: {  	s3 =	sand.u32 $0x4000, s31;
	s1 =	sadd.s32 s1, s30  }
0xba: {  	s0 =	sor.u32 s3, s0;
	s1 =	sshll.u32 s1, $0x11  }
0xbb: {  	s0 =	sor.u32 s1, s0  }
0xbc: {  	s0 =	sadd.s32 $0x8F2B, s0  }
0xbd: {  	[sflag:s0] =	ssyncadd.remote.s32 $0x1  }
0xbe: {  	_ =	sfence.sel $0xFFFF  }
0xbf: {  	[dreg:$0x0] =	wrdreg $0xFFFFFFFF;
	(pc) =	sbr.abs _section_cstart, $3  }
0xc0: {  	[dreg:$0x1] =	wrdreg $0xFFFFFFFF  }
0xc1: {  	_ =	task.clear_ibuf [dreg:s7], $0x2FFFF;
	_ =	strace $0x9FFFFFFF  }
0xc2: {  	(tm) =	ssettm $0x7FFFFFFF  }
0xc3: {  	_ =	shalt  }
tec
execute0_lowered:
.L_overlay_start_1:
0x0: {  	(tag) =	ssettag $0x1  }
0x1: {  	s0 =	rddreg [dreg:$0x0];
	s3 =	stileid.u32  }
0x2: {  	s2 =	rddreg [dreg:$0x1];
	s4 =	sshll.u32 s3, $0x1;
	s3 =	simm.s32 $0x0  }
0x3: {  	s8 =	sadd.s32 $0x800, s0;
	[smem:$0x7FF] =	sst s3  }
0x4: {  	s12 =	sadd.s32 $0x900, s0;
	_ =	strace $0x8000004D;
	[dreg:$0x4] =	wrdreg s8  }
0x5: {  	s13 =	sadd.s32 $0xA00, s0;
	[dreg:$0x7] =	wrdreg s12  }
0x6: {  	s14 =	sadd.s32 $0xB00, s0;
	[dreg:$0x8] =	wrdreg s13  }
0x7: {  	s1 =	srdreg.scid;
	s15 =	sadd.s32 $0xC00, s0;
	[dreg:$0x9] =	wrdreg s14  }
0x8: {  	s1 =	sand.u32 $0x1, s1;
	s16 =	sadd.s32 $0xD00, s0;
	[dreg:$0xa] =	wrdreg s15  }
0x9: {  	s17 =	sadd.s32 $0xE00, s0;
	s18 =	sadd.s32 $0xF00, s0;
	[dreg:$0xb] =	wrdreg s16  }
0xa: {  	s19 =	sadd.s32 $0x1000, s0;
	s20 =	sadd.s32 $0x1100, s0;
	[dreg:$0xc] =	wrdreg s17  }
0xb: {  	s21 =	sadd.s32 $0x1200, s0;
	s22 =	sadd.s32 $0x1300, s0;
	[dreg:$0xd] =	wrdreg s18  }
0xc: {  	s23 =	sadd.s32 $0x1400, s0;
	s24 =	sadd.s32 $0x1500, s0;
	[dreg:$0xe] =	wrdreg s19  }
0xd: {  	s25 =	sadd.s32 $0x1600, s0;
	s30 =	sadd.s32 $0x200, s2;
	[dreg:$0xf] =	wrdreg s20  }
0xe: {  	s28 =	sadd.s32 $0x500, s2;
	s29 =	sadd.s32 $0x600, s2;
	[dreg:$0x10] =	wrdreg s21  }
0xf: {  	s31 =	sadd.s32 $0x800, s2;
	s9 =	sadd.s32 $0xF00, s2;
	[dreg:$0x11] =	wrdreg s22  }
0x10: {  	s4 =	sor.u32 s1, s4;
	s6 =	ssub.s32 $0x2, s1;
	[dreg:$0x12] =	wrdreg s23  }
0x11: {  	p0 =	seq.s32 s1, $0x0;
	s1 =	simm.s32 $0x800;
	[dreg:$0x13] =	wrdreg s24  }
0x12: {  	s5 =	smul.u32 $0x300, s4;
	s4 =	sshll.u32 s4, $0x7;
	[dreg:$0x14] =	wrdreg s25  }
0x13: {  	s7 =	sshrl.u32 s6, $0x1;
	s1 =	simm.s32 @!p0 $0xC00;
	[dreg:$0x1c] =	wrdreg s28  }
0x14: {  	s12 =	sadd.s32 $0x300, s2;
	s16 =	sadd.s32 $0xB00, s2;
	[dreg:$0x3] =	wrdreg s1  }
0x15: {  	s14 =	sadd.s32 $0x700, s2;
	s19 =	sadd.s32 $0x900, s2;
	[dreg:$0x19] =	wrdreg s16  }
0x16: {  	s15 =	sadd.s32 $0xD00, s2;
	s4 =	sadd.s32 s4, s0;
	[dreg:$0x1a] =	wrdreg s19  }
0x17: {  	s6 =	ssub.s32 s6, s7;
	[dreg:$0x1b] =	wrdreg s14;
	s10 =	sadd.s32 $0x1E800, s4  }
0x18: {  	s5 =	sadd.s32 s5, s0;
	s0 =	sadd.s32 $0x1700, s0;
	[dreg:$0x5] =	wrdreg s10  }
0x19: {  	v3 =	vlaneseq.u32;
	s8 =	simm.s32 $0x0;
	s26 =	smax.u32 s6, $0x1;
	[dreg:$0x15] =	wrdreg s0  }
0x1a: {  	vm0 =	vmmov $0xffff;
	v0 =	vand.u32 $0x7, v3;
	s7 =	sadd.s32 $0xE00, s2;
	s11 =	sadd.s32 $0x1F800, s5;
	[dreg:$0x16] =	wrdreg s26  }
0x1b: {  	v1 =	vshrl.u32 v3, $0x3;
	v4 =	vshrl.u32 v3, $0x2;
	v2 =	vor.u32 $0x8, v3;
	s6 =	sadd.s32 $0xC00, s2;
	s10 =	sadd.s32 $0x100, s2;
	[dreg:$0x6] =	wrdreg s11  }
0x1c: {  	v3 =	vand.u32 $0x3, v3;
	v1 =	vmul.u32 $0x8, v1;
	v4 =	vmul.u32 $0x8, v4;
	s26 =	sadd.s32 $0x400, s2;
	s0 =	sadd.s32 $0xA00, s2;
	[dreg:$0x18] =	wrdreg s10  }
.LBB2_1:
0x1d: {  	[dreg:$0x17] =	wrdreg s8  }
0x1e: {  	s11 =	rddreg [dreg:$0x5];
	s18 =	simm.s32 $0x5  }
0x1f: {  	[tilespmem:s3], [sflag:$0x5] =	stream.linear.gather [hbm4b:s11+s3], $0x300, $0x38;
	[tilespmem:$0x15C00] =	vst v63  }
0x20: {  	_ =	swait.ge [sflag:s18], $0x300  }
0x21: {  	[sflag:s18] =	ssyncset.done $0x0  }
0x22: {  	s20 =	simm.s32 $0x400;
	s28 =	rddreg [dreg:$0x6];
	[sflag:s18] =	ssyncadd.s32 $0xFFFFFD00  }
0x23: {  	[tilespmem:s20], [sflag:$0x5] =	stream.linear.gather [hbm4b:s28+s3], $0x1800, $0x38;
	[tilespmem:$0x15C00] =	vst v63  }
0x24: {  	_ =	swait.ge [sflag:s18], $0x1800  }
0x25: {  	[sflag:s18] =	ssyncset.done $0x0  }
0x26: {  	s8 =	simm.s32 $0x0;
	[sflag:s18] =	ssyncadd.s32 $0xFFFFE800;
	s18 =	simm.s32 $0x600  }
.LBB2_2:
0x27: {  	p0 =	seq.s32 s8, $0x0  }
0x28: {  	[dreg:$0x1d] =	wrdreg s8;
	s11 =	simm.s32 @!p0 $0x3  }
0x29: {  	_ =	swait.ge @!p0 [sflag:s11], $0x10000  }
0x2a: {  	[sflag:s11] =	ssyncset.done @!p0 $0x0  }
0x2b: {  	[sflag:s11] =	ssyncadd.s32 @!p0 $0xFFFF0000  }
0x2c: {  	_ =	swait.ge @!p0 [sflag:s11], $0x10000  }
0x2d: {  	[sflag:s11] =	ssyncset.done @!p0 $0x0  }
0x2e: {  	[sflag:s11] =	ssyncadd.s32 @!p0 $0xFFFF0000  }
0x2f: {  	_ =	swait.ge @!p0 [sflag:s11], $0x10000  }
0x30: {  	[sflag:s11] =	ssyncset.done @!p0 $0x0  }
0x31: {  	[sflag:s11] =	ssyncadd.s32 @!p0 $0xFFFF0000  }
0x32: {  	_ =	swait.ge @!p0 [sflag:s11], $0x10000  }
0x33: {  	[sflag:s11] =	ssyncset.done @!p0 $0x0  }
0x34: {  	[sflag:s11] =	ssyncadd.s32 @!p0 $0xFFFF0000  }
0x35: {  	_ =	swait.ge @!p0 [sflag:s11], $0x10000  }
0x36: {  	[sflag:s11] =	ssyncset.done @!p0 $0x0  }
0x37: {  	[sflag:s11] =	ssyncadd.s32 @!p0 $0xFFFF0000  }
0x38: {  	_ =	swait.ge @!p0 [sflag:s11], $0x10000  }
0x39: {  	[sflag:s11] =	ssyncset.done @!p0 $0x0  }
0x3a: {  	[sflag:s11] =	ssyncadd.s32 @!p0 $0xFFFF0000  }
0x3b: {  	_ =	swait.ge @!p0 [sflag:s11], $0x10000  }
0x3c: {  	[sflag:s11] =	ssyncset.done @!p0 $0x0  }
0x3d: {  	[sflag:s11] =	ssyncadd.s32 @!p0 $0xFFFF0000  }
0x3e: {  	_ =	swait.ge @!p0 [sflag:s11], $0x10000  }
0x3f: {  	[sflag:s11] =	ssyncset.done @!p0 $0x0  }
0x40: {  	[sflag:s11] =	ssyncadd.s32 @!p0 $0xFFFF0000;
	s11 =	simm.s32 @!p0 $0x4  }
0x41: {  	_ =	swait.ge @!p0 [sflag:s11], $0x4000  }
0x42: {  	[sflag:s11] =	ssyncset.done @!p0 $0x0  }
0x43: {  	[sflag:s11] =	ssyncadd.s32 @!p0 $0xFFFFC000  }
0x44: {  	_ =	swait.ge @!p0 [sflag:s11], $0x4000  }
0x45: {  	[sflag:s11] =	ssyncset.done @!p0 $0x0  }
0x46: {  	[sflag:s11] =	ssyncadd.s32 @!p0 $0xFFFFC000  }
0x47: {  	_ =	swait.ge @!p0 [sflag:s11], $0x4000  }
0x48: {  	[sflag:s11] =	ssyncset.done @!p0 $0x0  }
0x49: {  	[sflag:s11] =	ssyncadd.s32 @!p0 $0xFFFFC000  }
0x4a: {  	_ =	swait.ge @!p0 [sflag:s11], $0x4000  }
0x4b: {  	[sflag:s11] =	ssyncset.done @!p0 $0x0  }
0x4c: {  	[sflag:s11] =	ssyncadd.s32 @!p0 $0xFFFFC000  }
0x4d: {  	_ =	swait.ge @!p0 [sflag:s11], $0x4000  }
0x4e: {  	[sflag:s11] =	ssyncset.done @!p0 $0x0  }
0x4f: {  	[sflag:s11] =	ssyncadd.s32 @!p0 $0xFFFFC000  }
0x50: {  	_ =	swait.ge @!p0 [sflag:s11], $0x4000  }
0x51: {  	[sflag:s11] =	ssyncset.done @!p0 $0x0  }
0x52: {  	[sflag:s11] =	ssyncadd.s32 @!p0 $0xFFFFC000  }
0x53: {  	_ =	swait.ge @!p0 [sflag:s11], $0x4000  }
0x54: {  	[sflag:s11] =	ssyncset.done @!p0 $0x0  }
0x55: {  	[sflag:s11] =	ssyncadd.s32 @!p0 $0xFFFFC000  }
0x56: {  	_ =	swait.ge @!p0 [sflag:s11], $0x4000  }
0x57: {  	[sflag:s11] =	ssyncset.done @!p0 $0x0  }
0x58: {  	[sflag:s11] =	ssyncadd.s32 @!p0 $0xFFFFC000;
	s11 =	sshra.s32 s8, $0x2  }
0x59: {  	v5 =	vld [tilespmem:s11+$0x0];
	_ =	sdelay $0x4  }
0x5a: {  	v6 =	vshll.u32 v5, $0x5  }
0x5b: {  	v5 =	vand.u32 $0x7, v5;
	v6 =	vand.u32 $0xFFFFFF00, v6  }
0x5c: {  	v5 =	vor.u32 v5, v6  }
0x5d: {  	v6 =	vperm.xlane v5, v0;
	_ =	sdelay $0x1  }
0x5e: {  	v6 =	vadd.s32 v1, v6;
	_ =	sdelay $0x3  }
0x5f: {  	s1 =	simm.s32 $0x1C00;
	s10 =	rddreg [dreg:$0x4]  }
0x60: {  	[tilespmem:s1], [sflag:$0x1] =	stream.indirect_vreg.gather [hbm4b:s10+s3], $0x80, v6, vm0, $0xb8;
	[tilespmem:$0x15C00] =	vst v63  }
0x61: {  	s28 =	smov.u32 s12;
	s22 =	simm.s32 $0x2400;
	s12 =	rddreg [dreg:$0x7]  }
0x62: {  	[tilespmem:s22], [sflag:$0x1] =	stream.indirect_vreg.gather [hbm4b:s12+s3], $0x80, v6, vm0, $0xb8;
	[tilespmem:$0x15C00] =	vst v63  }
0x63: {  	s23 =	simm.s32 $0x2C00;
	s14 =	rddreg [dreg:$0x8]  }
0x64: {  	[tilespmem:s23], [sflag:$0x1] =	stream.indirect_vreg.gather [hbm4b:s14+s3], $0x80, v6, vm0, $0xb8;
	[tilespmem:$0x15C00] =	vst v63  }
0x65: {  	s24 =	simm.s32 $0x3400;
	s16 =	rddreg [dreg:$0x9]  }
0x66: {  	[tilespmem:s24], [sflag:$0x1] =	stream.indirect_vreg.gather [hbm4b:s16+s3], $0x80, v6, vm0, $0xb8;
	[tilespmem:$0x15C00] =	vst v63  }
0x67: {  	s25 =	simm.s32 $0x3C00;
	s4 =	simm.s32 $0x4400;
	s13 =	rddreg [dreg:$0xa]  }
0x68: {  	[tilespmem:s25], [sflag:$0x1] =	stream.indirect_vreg.gather [hbm4b:s13+s3], $0x80, v6, vm0, $0xb8;
	[tilespmem:$0x15C00] =	vst v63  }
0x69: {  	s23 =	smov.u32 s9;
	s9 =	smov.u32 s15;
	s15 =	rddreg [dreg:$0xb]  }
0x6a: {  	[tilespmem:s4], [sflag:$0x1] =	stream.indirect_vreg.gather [hbm4b:s15+s3], $0x80, v6, vm0, $0xb8;
	[tilespmem:$0x15C00] =	vst v63  }
0x6b: {  	s5 =	simm.s32 $0x4C00;
	s17 =	rddreg [dreg:$0xc]  }
0x6c: {  	[tilespmem:s5], [sflag:$0x1] =	stream.indirect_vreg.gather [hbm4b:s17+s3], $0x80, v6, vm0, $0xb8;
	[tilespmem:$0x15C00] =	vst v63  }
0x6d: {  	s19 =	rddreg [dreg:$0xd];
	s8 =	simm.s32 $0x5400  }
0x6e: {  	[tilespmem:s8], [sflag:$0x1] =	stream.indirect_vreg.gather [hbm4b:s19+s3], $0x80, v6, vm0, $0xb8;
	[tilespmem:$0x15C00] =	vst v63  }
0x6f: {  	s20 =	simm.s32 $0x5C00;
	s21 =	rddreg [dreg:$0xe]  }
0x70: {  	[tilespmem:s20], [sflag:$0x1] =	stream.indirect_vreg.gather [hbm4b:s21+s3], $0x80, v6, vm0, $0xb8;
	[tilespmem:$0x15C00] =	vst v63  }
0x71: {  	s22 =	simm.s32 $0x6400;
	s4 =	rddreg [dreg:$0xf]  }
0x72: {  	[tilespmem:s22], [sflag:$0x1] =	stream.indirect_vreg.gather [hbm4b:s4+s3], $0x80, v6, vm0, $0xb8;
	[tilespmem:$0x15C00] =	vst v63  }
0x73: {  	s24 =	simm.s32 $0x6C00;
	s8 =	rddreg [dreg:$0x10]  }
0x74: {  	[tilespmem:s24], [sflag:$0x1] =	stream.indirect_vreg.gather [hbm4b:s8+s3], $0x80, v6, vm0, $0xb8;
	[tilespmem:$0x15C00] =	vst v63  }
0x75: {  	s25 =	simm.s32 $0x7400;
	s20 =	rddreg [dreg:$0x11]  }
0x76: {  	[tilespmem:s25], [sflag:$0x1] =	stream.indirect_vreg.gather [hbm4b:s20+s3], $0x80, v6, vm0, $0xb8;
	[tilespmem:$0x15C00] =	vst v63  }
0x77: {  	s22 =	smov.u32 s2;
	s2 =	simm.s32 $0x7C00;
	s24 =	rddreg [dreg:$0x12]  }
0x78: {  	[tilespmem:s2], [sflag:$0x1] =	stream.indirect_vreg.gather [hbm4b:s24+s3], $0x80, v6, vm0, $0xb8;
	[tilespmem:$0x15C00] =	vst v63  }
0x79: {  	v5 =	vperm.xlane v5, v2;
	s5 =	simm.s32 $0x8400;
	s25 =	rddreg [dreg:$0x13]  }
0x7a: {  	[tilespmem:s5], [sflag:$0x1] =	stream.indirect_vreg.gather [hbm4b:s25+s3], $0x80, v6, vm0, $0xb8;
	[tilespmem:$0x15C00] =	vst v63  }
0x7b: {  	v5 =	vadd.s32 v1, v5;
	s2 =	simm.s32 $0x8C00;
	s5 =	rddreg [dreg:$0x14]  }
0x7c: {  	[tilespmem:s2], [sflag:$0x1] =	stream.indirect_vreg.gather [hbm4b:s5+s3], $0x80, v6, vm0, $0xb8;
	[tilespmem:$0x15C00] =	vst v63  }
0x7d: {  	s1 =	rddreg [dreg:$0x15];
	s2 =	simm.s32 $0x9400  }
0x7e: {  	[tilespmem:s2], [sflag:$0x1] =	stream.indirect_vreg.gather [hbm4b:s1+s3], $0x80, v6, vm0, $0xb8;
	[tilespmem:$0x15C00] =	vst v63  }
0x7f: {  	s2 =	simm.s32 $0x9C00  }
0x80: {  	[tilespmem:s2], [sflag:$0x1] =	stream.indirect_vreg.gather [hbm4b:s10+s3], $0x80, v5, vm0, $0xb8;
	[tilespmem:$0x15C00] =	vst v63  }
0x81: {  	s2 =	simm.s32 $0xA400  }
0x82: {  	[tilespmem:s2], [sflag:$0x1] =	stream.indirect_vreg.gather [hbm4b:s12+s3], $0x80, v5, vm0, $0xb8;
	[tilespmem:$0x15C00] =	vst v63  }
0x83: {  	s12 =	smov.u32 s28;
	s28 =	simm.s32 $0xAC00  }
0x84: {  	[tilespmem:s28], [sflag:$0x1] =	stream.indirect_vreg.gather [hbm4b:s14+s3], $0x80, v5, vm0, $0xb8;
	[tilespmem:$0x15C00] =	vst v63  }
0x85: {  	s28 =	simm.s32 $0xB400  }
0x86: {  	[tilespmem:s28], [sflag:$0x1] =	stream.indirect_vreg.gather [hbm4b:s16+s3], $0x80, v5, vm0, $0xb8;
	[tilespmem:$0x15C00] =	vst v63  }
0x87: {  	s28 =	simm.s32 $0xBC00  }
0x88: {  	[tilespmem:s28], [sflag:$0x1] =	stream.indirect_vreg.gather [hbm4b:s13+s3], $0x80, v5, vm0, $0xb8;
	[tilespmem:$0x15C00] =	vst v63  }
0x89: {  	s2 =	simm.s32 $0xC400  }
0x8a: {  	[tilespmem:s2], [sflag:$0x1] =	stream.indirect_vreg.gather [hbm4b:s15+s3], $0x80, v5, vm0, $0xb8;
	[tilespmem:$0x15C00] =	vst v63  }
0x8b: {  	s16 =	simm.s32 $0xCC00  }
0x8c: {  	[tilespmem:s16], [sflag:$0x1] =	stream.indirect_vreg.gather [hbm4b:s17+s3], $0x80, v5, vm0, $0xb8;
	[tilespmem:$0x15C00] =	vst v63  }
0x8d: {  	s15 =	smov.u32 s9;
	s9 =	smov.u32 s23;
	s23 =	simm.s32 $0xD400  }
0x8e: {  	[tilespmem:s23], [sflag:$0x1] =	stream.indirect_vreg.gather [hbm4b:s19+s3], $0x80, v5, vm0, $0xb8;
	[tilespmem:$0x15C00] =	vst v63  }
0x8f: {  	s28 =	simm.s32 $0xDC00  }
0x90: {  	[tilespmem:s28], [sflag:$0x1] =	stream.indirect_vreg.gather [hbm4b:s21+s3], $0x80, v5, vm0, $0xb8;
	[tilespmem:$0x15C00] =	vst v63  }
0x91: {  	s2 =	simm.s32 $0xE400  }
0x92: {  	[tilespmem:s2], [sflag:$0x1] =	stream.indirect_vreg.gather [hbm4b:s4+s3], $0x80, v5, vm0, $0xb8;
	[tilespmem:$0x15C00] =	vst v63  }
0x93: {  	s16 =	simm.s32 $0xEC00  }
0x94: {  	[tilespmem:s16], [sflag:$0x1] =	stream.indirect_vreg.gather [hbm4b:s8+s3], $0x80, v5, vm0, $0xb8;
	[tilespmem:$0x15C00] =	vst v63  }
0x95: {  	s19 =	simm.s32 $0xF400  }
0x96: {  	[tilespmem:s19], [sflag:$0x1] =	stream.indirect_vreg.gather [hbm4b:s20+s3], $0x80, v5, vm0, $0xb8;
	[tilespmem:$0x15C00] =	vst v63  }
0x97: {  	s20 =	simm.s32 $0xFC00  }
0x98: {  	[tilespmem:s20], [sflag:$0x1] =	stream.indirect_vreg.gather [hbm4b:s24+s3], $0x80, v5, vm0, $0xb8;
	[tilespmem:$0x15C00] =	vst v63  }
0x99: {  	s2 =	simm.s32 $0x10400  }
0x9a: {  	[tilespmem:s2], [sflag:$0x1] =	stream.indirect_vreg.gather [hbm4b:s25+s3], $0x80, v5, vm0, $0xb8;
	[tilespmem:$0x15C00] =	vst v63  }
0x9b: {  	s16 =	simm.s32 $0x10C00  }
0x9c: {  	[tilespmem:s16], [sflag:$0x1] =	stream.indirect_vreg.gather [hbm4b:s5+s3], $0x80, v5, vm0, $0xb8;
	[tilespmem:$0x15C00] =	vst v63  }
0x9d: {  	s19 =	simm.s32 $0x11400  }
0x9e: {  	[tilespmem:s19], [sflag:$0x1] =	stream.indirect_vreg.gather [hbm4b:s1+s3], $0x80, v5, vm0, $0xb8;
	[tilespmem:$0x15C00] =	vst v63  }
0x9f: {  	v5 =	vld.msk [tilespmem:s11+$0x10], $0xf;
	_ =	sdelay $0x4  }
0xa0: {  	v6 =	vshll.u32 v5, $0x5  }
0xa1: {  	v5 =	vand.u32 $0x7, v5;
	v6 =	vand.u32 $0xFFFFFF00, v6  }
0xa2: {  	v5 =	vor.u32 v5, v6  }
0xa3: {  	v5 =	vperm.xlane v5, v3;
	_ =	sdelay $0x1  }
0xa4: {  	v5 =	vadd.s32 v4, v5;
	_ =	sdelay $0x3  }
0xa5: {  	s25 =	simm.s32 $0x11C00  }
0xa6: {  	[tilespmem:s25], [sflag:$0x2] =	stream.indirect_vreg.gather [hbm4b:s10+s3], $0x80, v5, vm0, $0xb8;
	[tilespmem:$0x15C00] =	vst v63  }
0xa7: {  	s2 =	simm.s32 $0x12400  }
0xa8: {  	[tilespmem:s2], [sflag:$0x2] =	stream.indirect_vreg.gather [hbm4b:s14+s3], $0x80, v5, vm0, $0xb8;
	[tilespmem:$0x15C00] =	vst v63  }
0xa9: {  	s4 =	simm.s32 $0x12C00  }
0xaa: {  	[tilespmem:s4], [sflag:$0x2] =	stream.indirect_vreg.gather [hbm4b:s13+s3], $0x80, v5, vm0, $0xb8;
	[tilespmem:$0x15C00] =	vst v63  }
0xab: {  	s16 =	rddreg [dreg:$0x19];
	s11 =	simm.s32 $0x13400  }
0xac: {  	[tilespmem:s11], [sflag:$0x2] =	stream.indirect_vreg.gather [hbm4b:s17+s3], $0x80, v5, vm0, $0xb8;
	[tilespmem:$0x15C00] =	vst v63  }
0xad: {  	s19 =	rddreg [dreg:$0x1a];
	s13 =	simm.s32 $0x13C00  }
0xae: {  	[tilespmem:s13], [sflag:$0x2] =	stream.indirect_vreg.gather [hbm4b:s21+s3], $0x80, v5, vm0, $0xb8;
	[tilespmem:$0x15C00] =	vst v63  }
0xaf: {  	s1 =	rddreg [dreg:$0x1c];
	s17 =	simm.s32 $0x14400  }
0xb0: {  	[tilespmem:s17], [sflag:$0x2] =	stream.indirect_vreg.gather [hbm4b:s8+s3], $0x80, v5, vm0, $0xb8;
	[tilespmem:$0x15C00] =	vst v63  }
0xb1: {  	s10 =	rddreg [dreg:$0x18];
	s21 =	simm.s32 $0x14C00  }
0xb2: {  	[tilespmem:s21], [sflag:$0x2] =	stream.indirect_vreg.gather [hbm4b:s24+s3], $0x80, v5, vm0, $0xb8;
	[tilespmem:$0x15C00] =	vst v63  }
0xb3: {  	s25 =	simm.s32 $0x15400;
	s14 =	rddreg [dreg:$0x1b];
	s11 =	simm.s32 $0x1  }
0xb4: {  	[tilespmem:s25], [sflag:$0x2] =	stream.indirect_vreg.gather [hbm4b:s5+s3], $0x80, v5, vm0, $0xb8;
	[tilespmem:$0x15C00] =	vst v63  }
0xb5: {  	s8 =	rddreg [dreg:$0x1d];
	_ =	swait.ge [sflag:s11], $0x10000  }
0xb6: {  	[sflag:s11] =	ssyncset.done $0x0  }
0xb7: {  	s13 =	simm.s32 $0x2;
	[sflag:s11] =	ssyncadd.s32 $0xFFFF0000  }
0xb8: {  	_ =	swait.ge [sflag:s13], $0x4000  }
0xb9: {  	[sflag:s13] =	ssyncset.done $0x0  }
0xba: {  	[sflag:s13] =	ssyncadd.s32 $0xFFFFC000  }
0xbb: {  	v5 =	vld [tilespmem:s18+$0xFFFFFE00];
	_ =	sdelay $0x4  }
0xbc: {  	v6 =	vshll.u32 v5, $0x5  }
0xbd: {  	v5 =	vand.u32 $0x7, v5;
	v6 =	vand.u32 $0xFFFFFF00, v6  }
0xbe: {  	v5 =	vor.u32 v5, v6  }
0xbf: {  	v6 =	vperm.xlane v5, v0;
	_ =	sdelay $0x1  }
0xc0: {  	v6 =	vadd.s32 v1, v6;
	_ =	sdelay $0x3  }
0xc1: {  	s17 =	simm.s32 $0x1C00  }
0xc2: {  	[hbm4b:s22+s3] =	stream.indirect_vreg.scatter [tilespmem:s17], [sflag:$0x3], $0x80, v6, vm0, $0xb8;
	[tilespmem:$0x15C00] =	vst v63  }
0xc3: {  	s17 =	simm.s32 $0x2400  }
0xc4: {  	[hbm4b:s10+s3] =	stream.indirect_vreg.scatter [tilespmem:s17], [sflag:$0x3], $0x80, v6, vm0, $0xb8;
	[tilespmem:$0x15C00] =	vst v63  }
0xc5: {  	s5 =	simm.s32 $0x2C00  }
0xc6: {  	[hbm4b:s30+s3] =	stream.indirect_vreg.scatter [tilespmem:s5], [sflag:$0x3], $0x80, v6, vm0, $0xb8;
	[tilespmem:$0x15C00] =	vst v63  }
0xc7: {  	s11 =	simm.s32 $0x3400  }
0xc8: {  	[hbm4b:s12+s3] =	stream.indirect_vreg.scatter [tilespmem:s11], [sflag:$0x3], $0x80, v6, vm0, $0xb8;
	[tilespmem:$0x15C00] =	vst v63  }
0xc9: {  	s4 =	simm.s32 $0x3C00  }
0xca: {  	[hbm4b:s26+s3] =	stream.indirect_vreg.scatter [tilespmem:s4], [sflag:$0x3], $0x80, v6, vm0, $0xb8;
	[tilespmem:$0x15C00] =	vst v63  }
0xcb: {  	s21 =	simm.s32 $0x4400  }
0xcc: {  	[hbm4b:s1+s3] =	stream.indirect_vreg.scatter [tilespmem:s21], [sflag:$0x3], $0x80, v6, vm0, $0xb8;
	[tilespmem:$0x15C00] =	vst v63  }
0xcd: {  	s24 =	simm.s32 $0x4C00  }
0xce: {  	[hbm4b:s29+s3] =	stream.indirect_vreg.scatter [tilespmem:s24], [sflag:$0x3], $0x80, v6, vm0, $0xb8;
	[tilespmem:$0x15C00] =	vst v63  }
0xcf: {  	s25 =	simm.s32 $0x5400  }
0xd0: {  	[hbm4b:s14+s3] =	stream.indirect_vreg.scatter [tilespmem:s25], [sflag:$0x3], $0x80, v6, vm0, $0xb8;
	[tilespmem:$0x15C00] =	vst v63  }
0xd1: {  	s21 =	simm.s32 $0x5C00  }
0xd2: {  	[hbm4b:s31+s3] =	stream.indirect_vreg.scatter [tilespmem:s21], [sflag:$0x3], $0x80, v6, vm0, $0xb8;
	[tilespmem:$0x15C00] =	vst v63  }
0xd3: {  	s24 =	simm.s32 $0x6400  }
0xd4: {  	[hbm4b:s19+s3] =	stream.indirect_vreg.scatter [tilespmem:s24], [sflag:$0x3], $0x80, v6, vm0, $0xb8;
	[tilespmem:$0x15C00] =	vst v63  }
0xd5: {  	s25 =	simm.s32 $0x6C00  }
0xd6: {  	[hbm4b:s0+s3] =	stream.indirect_vreg.scatter [tilespmem:s25], [sflag:$0x3], $0x80, v6, vm0, $0xb8;
	[tilespmem:$0x15C00] =	vst v63  }
0xd7: {  	s21 =	simm.s32 $0x7400  }
0xd8: {  	[hbm4b:s16+s3] =	stream.indirect_vreg.scatter [tilespmem:s21], [sflag:$0x3], $0x80, v6, vm0, $0xb8;
	[tilespmem:$0x15C00] =	vst v63  }
0xd9: {  	s24 =	simm.s32 $0x7C00  }
0xda: {  	[hbm4b:s6+s3] =	stream.indirect_vreg.scatter [tilespmem:s24], [sflag:$0x3], $0x80, v6, vm0, $0xb8;
	[tilespmem:$0x15C00] =	vst v63  }
0xdb: {  	v5 =	vperm.xlane v5, v2;
	s25 =	simm.s32 $0x8400  }
0xdc: {  	[hbm4b:s15+s3] =	stream.indirect_vreg.scatter [tilespmem:s25], [sflag:$0x3], $0x80, v6, vm0, $0xb8;
	[tilespmem:$0x15C00] =	vst v63  }
0xdd: {  	v5 =	vadd.s32 v1, v5;
	s21 =	simm.s32 $0x8C00  }
0xde: {  	[hbm4b:s7+s3] =	stream.indirect_vreg.scatter [tilespmem:s21], [sflag:$0x3], $0x80, v6, vm0, $0xb8;
	[tilespmem:$0x15C00] =	vst v63  }
0xdf: {  	s24 =	simm.s32 $0x9400  }
0xe0: {  	[hbm4b:s9+s3] =	stream.indirect_vreg.scatter [tilespmem:s24], [sflag:$0x3], $0x80, v6, vm0, $0xb8;
	[tilespmem:$0x15C00] =	vst v63  }
0xe1: {  	s25 =	simm.s32 $0x9C00  }
0xe2: {  	[hbm4b:s22+s3] =	stream.indirect_vreg.scatter [tilespmem:s25], [sflag:$0x3], $0x80, v5, vm0, $0xb8;
	[tilespmem:$0x15C00] =	vst v63  }
0xe3: {  	s21 =	simm.s32 $0xA400  }
0xe4: {  	[hbm4b:s10+s3] =	stream.indirect_vreg.scatter [tilespmem:s21], [sflag:$0x3], $0x80, v5, vm0, $0xb8;
	[tilespmem:$0x15C00] =	vst v63  }
0xe5: {  	s24 =	simm.s32 $0xAC00  }
0xe6: {  	[hbm4b:s30+s3] =	stream.indirect_vreg.scatter [tilespmem:s24], [sflag:$0x3], $0x80, v5, vm0, $0xb8;
	[tilespmem:$0x15C00] =	vst v63  }
0xe7: {  	s25 =	simm.s32 $0xB400  }
0xe8: {  	[hbm4b:s12+s3] =	stream.indirect_vreg.scatter [tilespmem:s25], [sflag:$0x3], $0x80, v5, vm0, $0xb8;
	[tilespmem:$0x15C00] =	vst v63  }
0xe9: {  	s21 =	simm.s32 $0xBC00  }
0xea: {  	[hbm4b:s26+s3] =	stream.indirect_vreg.scatter [tilespmem:s21], [sflag:$0x3], $0x80, v5, vm0, $0xb8;
	[tilespmem:$0x15C00] =	vst v63  }
0xeb: {  	s24 =	simm.s32 $0xC400  }
0xec: {  	[hbm4b:s1+s3] =	stream.indirect_vreg.scatter [tilespmem:s24], [sflag:$0x3], $0x80, v5, vm0, $0xb8;
	[tilespmem:$0x15C00] =	vst v63  }
0xed: {  	s25 =	simm.s32 $0xCC00  }
0xee: {  	[hbm4b:s29+s3] =	stream.indirect_vreg.scatter [tilespmem:s25], [sflag:$0x3], $0x80, v5, vm0, $0xb8;
	[tilespmem:$0x15C00] =	vst v63  }
0xef: {  	s21 =	simm.s32 $0xD400  }
0xf0: {  	[hbm4b:s14+s3] =	stream.indirect_vreg.scatter [tilespmem:s21], [sflag:$0x3], $0x80, v5, vm0, $0xb8;
	[tilespmem:$0x15C00] =	vst v63  }
0xf1: {  	s24 =	simm.s32 $0xDC00  }
0xf2: {  	[hbm4b:s31+s3] =	stream.indirect_vreg.scatter [tilespmem:s24], [sflag:$0x3], $0x80, v5, vm0, $0xb8;
	[tilespmem:$0x15C00] =	vst v63  }
0xf3: {  	s25 =	simm.s32 $0xE400  }
0xf4: {  	[hbm4b:s19+s3] =	stream.indirect_vreg.scatter [tilespmem:s25], [sflag:$0x3], $0x80, v5, vm0, $0xb8;
	[tilespmem:$0x15C00] =	vst v63  }
0xf5: {  	s23 =	simm.s32 $0xEC00  }
0xf6: {  	[hbm4b:s0+s3] =	stream.indirect_vreg.scatter [tilespmem:s23], [sflag:$0x3], $0x80, v5, vm0, $0xb8;
	[tilespmem:$0x15C00] =	vst v63  }
0xf7: {  	s28 =	simm.s32 $0xF400  }
0xf8: {  	[hbm4b:s16+s3] =	stream.indirect_vreg.scatter [tilespmem:s28], [sflag:$0x3], $0x80, v5, vm0, $0xb8;
	[tilespmem:$0x15C00] =	vst v63  }
0xf9: {  	s25 =	simm.s32 $0xFC00  }
0xfa: {  	[hbm4b:s6+s3] =	stream.indirect_vreg.scatter [tilespmem:s25], [sflag:$0x3], $0x80, v5, vm0, $0xb8;
	[tilespmem:$0x15C00] =	vst v63  }
0xfb: {  	s20 =	simm.s32 $0x10400  }
0xfc: {  	[hbm4b:s15+s3] =	stream.indirect_vreg.scatter [tilespmem:s20], [sflag:$0x3], $0x80, v5, vm0, $0xb8;
	[tilespmem:$0x15C00] =	vst v63  }
0xfd: {  	s24 =	simm.s32 $0x10C00  }
0xfe: {  	[hbm4b:s7+s3] =	stream.indirect_vreg.scatter [tilespmem:s24], [sflag:$0x3], $0x80, v5, vm0, $0xb8;
	[tilespmem:$0x15C00] =	vst v63  }
0xff: {  	s23 =	simm.s32 $0x11400  }
0x100: {  	[hbm4b:s9+s3] =	stream.indirect_vreg.scatter [tilespmem:s23], [sflag:$0x3], $0x80, v5, vm0, $0xb8;
	[tilespmem:$0x15C00] =	vst v63  }
0x101: {  	v5 =	vld.msk [tilespmem:s18+$0xFFFFFE10], $0xf;
	_ =	sdelay $0x4  }
0x102: {  	v6 =	vshll.u32 v5, $0x5  }
0x103: {  	v5 =	vand.u32 $0x7, v5;
	v6 =	vand.u32 $0xFFFFFF00, v6  }
0x104: {  	v5 =	vor.u32 v5, v6  }
0x105: {  	v5 =	vperm.xlane v5, v3;
	_ =	sdelay $0x1  }
0x106: {  	v5 =	vadd.s32 v4, v5;
	_ =	sdelay $0x3  }
0x107: {  	s21 =	simm.s32 $0x11C00  }
0x108: {  	[hbm4b:s22+s3] =	stream.indirect_vreg.scatter [tilespmem:s21], [sflag:$0x4], $0x80, v5, vm0, $0xb8;
	[tilespmem:$0x15C00] =	vst v63  }
0x109: {  	s28 =	simm.s32 $0x12400  }
0x10a: {  	[hbm4b:s30+s3] =	stream.indirect_vreg.scatter [tilespmem:s28], [sflag:$0x4], $0x80, v5, vm0, $0xb8;
	[tilespmem:$0x15C00] =	vst v63  }
0x10b: {  	s2 =	smov.u32 s22;
	s22 =	simm.s32 $0x12C00  }
0x10c: {  	[hbm4b:s26+s3] =	stream.indirect_vreg.scatter [tilespmem:s22], [sflag:$0x4], $0x80, v5, vm0, $0xb8;
	[tilespmem:$0x15C00] =	vst v63  }
0x10d: {  	s20 =	simm.s32 $0x13400  }
0x10e: {  	[hbm4b:s29+s3] =	stream.indirect_vreg.scatter [tilespmem:s20], [sflag:$0x4], $0x80, v5, vm0, $0xb8;
	[tilespmem:$0x15C00] =	vst v63  }
0x10f: {  	s21 =	simm.s32 $0x13C00  }
0x110: {  	[hbm4b:s31+s3] =	stream.indirect_vreg.scatter [tilespmem:s21], [sflag:$0x4], $0x80, v5, vm0, $0xb8;
	[tilespmem:$0x15C00] =	vst v63  }
0x111: {  	s22 =	simm.s32 $0x14400  }
0x112: {  	[hbm4b:s0+s3] =	stream.indirect_vreg.scatter [tilespmem:s22], [sflag:$0x4], $0x80, v5, vm0, $0xb8;
	[tilespmem:$0x15C00] =	vst v63  }
0x113: {  	s13 =	simm.s32 $0x14C00  }
0x114: {  	[hbm4b:s6+s3] =	stream.indirect_vreg.scatter [tilespmem:s13], [sflag:$0x4], $0x80, v5, vm0, $0xb8;
	[tilespmem:$0x15C00] =	vst v63  }
0x115: {  	s13 =	simm.s32 $0x15400  }
0x116: {  	[hbm4b:s7+s3] =	stream.indirect_vreg.scatter [tilespmem:s13], [sflag:$0x4], $0x80, v5, vm0, $0xb8;
	[tilespmem:$0x15C00] =	vst v63  }
0x117: {  	v5 =	vld [tilespmem:s18+$0xFFFFFE80];
	_ =	sdelay $0x4  }
0x118: {  	v6 =	vshll.u32 v5, $0x5  }
0x119: {  	v5 =	vand.u32 $0x7, v5;
	v6 =	vand.u32 $0xFFFFFF00, v6  }
0x11a: {  	v5 =	vor.u32 v5, v6  }
0x11b: {  	v6 =	vperm.xlane v5, v0;
	_ =	sdelay $0x1  }
0x11c: {  	v6 =	vadd.s32 v1, v6;
	_ =	sdelay $0x3  }
0x11d: {  	s13 =	simm.s32 $0x1C00  }
0x11e: {  	[hbm4b:s2+s3] =	stream.indirect_vreg.scatter [tilespmem:s13], [sflag:$0x3], $0x80, v6, vm0, $0xb8;
	[tilespmem:$0x15C00] =	vst v63  }
0x11f: {  	_ = 	snop  }
0x120: {  	[hbm4b:s10+s3] =	stream.indirect_vreg.scatter [tilespmem:s17], [sflag:$0x3], $0x80, v6, vm0, $0xb8;
	[tilespmem:$0x15C00] =	vst v63  }
0x121: {  	_ = 	snop  }
0x122: {  	[hbm4b:s30+s3] =	stream.indirect_vreg.scatter [tilespmem:s5], [sflag:$0x3], $0x80, v6, vm0, $0xb8;
	[tilespmem:$0x15C00] =	vst v63  }
0x123: {  	_ = 	snop  }
0x124: {  	[hbm4b:s12+s3] =	stream.indirect_vreg.scatter [tilespmem:s11], [sflag:$0x3], $0x80, v6, vm0, $0xb8;
	[tilespmem:$0x15C00] =	vst v63  }
0x125: {  	_ = 	snop  }
0x126: {  	[hbm4b:s26+s3] =	stream.indirect_vreg.scatter [tilespmem:s4], [sflag:$0x3], $0x80, v6, vm0, $0xb8;
	[tilespmem:$0x15C00] =	vst v63  }
0x127: {  	s5 =	simm.s32 $0x4400  }
0x128: {  	[hbm4b:s1+s3] =	stream.indirect_vreg.scatter [tilespmem:s5], [sflag:$0x3], $0x80, v6, vm0, $0xb8;
	[tilespmem:$0x15C00] =	vst v63  }
0x129: {  	s11 =	simm.s32 $0x4C00  }
0x12a: {  	[hbm4b:s29+s3] =	stream.indirect_vreg.scatter [tilespmem:s11], [sflag:$0x3], $0x80, v6, vm0, $0xb8;
	[tilespmem:$0x15C00] =	vst v63  }
0x12b: {  	s13 =	simm.s32 $0x5400  }
0x12c: {  	[hbm4b:s14+s3] =	stream.indirect_vreg.scatter [tilespmem:s13], [sflag:$0x3], $0x80, v6, vm0, $0xb8;
	[tilespmem:$0x15C00] =	vst v63  }
0x12d: {  	s17 =	simm.s32 $0x5C00  }
0x12e: {  	[hbm4b:s31+s3] =	stream.indirect_vreg.scatter [tilespmem:s17], [sflag:$0x3], $0x80, v6, vm0, $0xb8;
	[tilespmem:$0x15C00] =	vst v63  }
0x12f: {  	s5 =	simm.s32 $0x6400  }
0x130: {  	[hbm4b:s19+s3] =	stream.indirect_vreg.scatter [tilespmem:s5], [sflag:$0x3], $0x80, v6, vm0, $0xb8;
	[tilespmem:$0x15C00] =	vst v63  }
0x131: {  	s11 =	simm.s32 $0x6C00  }
0x132: {  	[hbm4b:s0+s3] =	stream.indirect_vreg.scatter [tilespmem:s11], [sflag:$0x3], $0x80, v6, vm0, $0xb8;
	[tilespmem:$0x15C00] =	vst v63  }
0x133: {  	s13 =	simm.s32 $0x7400  }
0x134: {  	[hbm4b:s16+s3] =	stream.indirect_vreg.scatter [tilespmem:s13], [sflag:$0x3], $0x80, v6, vm0, $0xb8;
	[tilespmem:$0x15C00] =	vst v63  }
0x135: {  	s17 =	simm.s32 $0x7C00  }
0x136: {  	[hbm4b:s6+s3] =	stream.indirect_vreg.scatter [tilespmem:s17], [sflag:$0x3], $0x80, v6, vm0, $0xb8;
	[tilespmem:$0x15C00] =	vst v63  }
0x137: {  	v5 =	vperm.xlane v5, v2;
	s5 =	simm.s32 $0x8400  }
0x138: {  	[hbm4b:s15+s3] =	stream.indirect_vreg.scatter [tilespmem:s5], [sflag:$0x3], $0x80, v6, vm0, $0xb8;
	[tilespmem:$0x15C00] =	vst v63  }
0x139: {  	v5 =	vadd.s32 v1, v5;
	s11 =	simm.s32 $0x8C00  }
0x13a: {  	[hbm4b:s7+s3] =	stream.indirect_vreg.scatter [tilespmem:s11], [sflag:$0x3], $0x80, v6, vm0, $0xb8;
	[tilespmem:$0x15C00] =	vst v63  }
0x13b: {  	s13 =	simm.s32 $0x9400  }
0x13c: {  	[hbm4b:s9+s3] =	stream.indirect_vreg.scatter [tilespmem:s13], [sflag:$0x3], $0x80, v6, vm0, $0xb8;
	[tilespmem:$0x15C00] =	vst v63  }
0x13d: {  	s17 =	simm.s32 $0x9C00  }
0x13e: {  	[hbm4b:s2+s3] =	stream.indirect_vreg.scatter [tilespmem:s17], [sflag:$0x3], $0x80, v5, vm0, $0xb8;
	[tilespmem:$0x15C00] =	vst v63  }
0x13f: {  	s5 =	simm.s32 $0xA400  }
0x140: {  	[hbm4b:s10+s3] =	stream.indirect_vreg.scatter [tilespmem:s5], [sflag:$0x3], $0x80, v5, vm0, $0xb8;
	[tilespmem:$0x15C00] =	vst v63  }
0x141: {  	s11 =	simm.s32 $0xAC00  }
0x142: {  	[hbm4b:s30+s3] =	stream.indirect_vreg.scatter [tilespmem:s11], [sflag:$0x3], $0x80, v5, vm0, $0xb8;
	[tilespmem:$0x15C00] =	vst v63  }
0x143: {  	s13 =	simm.s32 $0xB400  }
0x144: {  	[hbm4b:s12+s3] =	stream.indirect_vreg.scatter [tilespmem:s13], [sflag:$0x3], $0x80, v5, vm0, $0xb8;
	[tilespmem:$0x15C00] =	vst v63  }
0x145: {  	s17 =	simm.s32 $0xBC00  }
0x146: {  	[hbm4b:s26+s3] =	stream.indirect_vreg.scatter [tilespmem:s17], [sflag:$0x3], $0x80, v5, vm0, $0xb8;
	[tilespmem:$0x15C00] =	vst v63  }
0x147: {  	s5 =	simm.s32 $0xC400  }
0x148: {  	[hbm4b:s1+s3] =	stream.indirect_vreg.scatter [tilespmem:s5], [sflag:$0x3], $0x80, v5, vm0, $0xb8;
	[tilespmem:$0x15C00] =	vst v63  }
0x149: {  	s11 =	simm.s32 $0xCC00  }
0x14a: {  	[hbm4b:s29+s3] =	stream.indirect_vreg.scatter [tilespmem:s11], [sflag:$0x3], $0x80, v5, vm0, $0xb8;
	[tilespmem:$0x15C00] =	vst v63  }
0x14b: {  	s13 =	simm.s32 $0xD400  }
0x14c: {  	[hbm4b:s14+s3] =	stream.indirect_vreg.scatter [tilespmem:s13], [sflag:$0x3], $0x80, v5, vm0, $0xb8;
	[tilespmem:$0x15C00] =	vst v63  }
0x14d: {  	s17 =	simm.s32 $0xDC00  }
0x14e: {  	[hbm4b:s31+s3] =	stream.indirect_vreg.scatter [tilespmem:s17], [sflag:$0x3], $0x80, v5, vm0, $0xb8;
	[tilespmem:$0x15C00] =	vst v63  }
0x14f: {  	s5 =	simm.s32 $0xE400  }
0x150: {  	[hbm4b:s19+s3] =	stream.indirect_vreg.scatter [tilespmem:s5], [sflag:$0x3], $0x80, v5, vm0, $0xb8;
	[tilespmem:$0x15C00] =	vst v63  }
0x151: {  	s11 =	simm.s32 $0xEC00  }
0x152: {  	[hbm4b:s0+s3] =	stream.indirect_vreg.scatter [tilespmem:s11], [sflag:$0x3], $0x80, v5, vm0, $0xb8;
	[tilespmem:$0x15C00] =	vst v63  }
0x153: {  	s13 =	simm.s32 $0xF400  }
0x154: {  	[hbm4b:s16+s3] =	stream.indirect_vreg.scatter [tilespmem:s13], [sflag:$0x3], $0x80, v5, vm0, $0xb8;
	[tilespmem:$0x15C00] =	vst v63  }
0x155: {  	_ = 	snop  }
0x156: {  	[hbm4b:s6+s3] =	stream.indirect_vreg.scatter [tilespmem:s25], [sflag:$0x3], $0x80, v5, vm0, $0xb8;
	[tilespmem:$0x15C00] =	vst v63  }
0x157: {  	s17 =	simm.s32 $0x10400  }
0x158: {  	[hbm4b:s15+s3] =	stream.indirect_vreg.scatter [tilespmem:s17], [sflag:$0x3], $0x80, v5, vm0, $0xb8;
	[tilespmem:$0x15C00] =	vst v63  }
0x159: {  	_ = 	snop  }
0x15a: {  	[hbm4b:s7+s3] =	stream.indirect_vreg.scatter [tilespmem:s24], [sflag:$0x3], $0x80, v5, vm0, $0xb8;
	[tilespmem:$0x15C00] =	vst v63  }
0x15b: {  	_ = 	snop  }
0x15c: {  	[hbm4b:s9+s3] =	stream.indirect_vreg.scatter [tilespmem:s23], [sflag:$0x3], $0x80, v5, vm0, $0xb8;
	[tilespmem:$0x15C00] =	vst v63  }
0x15d: {  	v5 =	vld.msk [tilespmem:s18+$0xFFFFFE90], $0xf;
	_ =	sdelay $0x4  }
0x15e: {  	v6 =	vshll.u32 v5, $0x5  }
0x15f: {  	v5 =	vand.u32 $0x7, v5;
	v6 =	vand.u32 $0xFFFFFF00, v6  }
0x160: {  	v5 =	vor.u32 v5, v6  }
0x161: {  	v5 =	vperm.xlane v5, v3;
	_ =	sdelay $0x1  }
0x162: {  	v5 =	vadd.s32 v4, v5;
	_ =	sdelay $0x3  }
0x163: {  	s23 =	simm.s32 $0x11C00  }
0x164: {  	[hbm4b:s2+s3] =	stream.indirect_vreg.scatter [tilespmem:s23], [sflag:$0x4], $0x80, v5, vm0, $0xb8;
	[tilespmem:$0x15C00] =	vst v63  }
0x165: {  	_ = 	snop  }
0x166: {  	[hbm4b:s30+s3] =	stream.indirect_vreg.scatter [tilespmem:s28], [sflag:$0x4], $0x80, v5, vm0, $0xb8;
	[tilespmem:$0x15C00] =	vst v63  }
0x167: {  	s24 =	simm.s32 $0x12C00  }
0x168: {  	[hbm4b:s26+s3] =	stream.indirect_vreg.scatter [tilespmem:s24], [sflag:$0x4], $0x80, v5, vm0, $0xb8;
	[tilespmem:$0x15C00] =	vst v63  }
0x169: {  	_ = 	snop  }
0x16a: {  	[hbm4b:s29+s3] =	stream.indirect_vreg.scatter [tilespmem:s20], [sflag:$0x4], $0x80, v5, vm0, $0xb8;
	[tilespmem:$0x15C00] =	vst v63  }
0x16b: {  	_ = 	snop  }
0x16c: {  	[hbm4b:s31+s3] =	stream.indirect_vreg.scatter [tilespmem:s21], [sflag:$0x4], $0x80, v5, vm0, $0xb8;
	[tilespmem:$0x15C00] =	vst v63  }
0x16d: {  	_ = 	snop  }
0x16e: {  	[hbm4b:s0+s3] =	stream.indirect_vreg.scatter [tilespmem:s22], [sflag:$0x4], $0x80, v5, vm0, $0xb8;
	[tilespmem:$0x15C00] =	vst v63  }
0x16f: {  	s28 =	simm.s32 $0x14C00  }
0x170: {  	[hbm4b:s6+s3] =	stream.indirect_vreg.scatter [tilespmem:s28], [sflag:$0x4], $0x80, v5, vm0, $0xb8;
	[tilespmem:$0x15C00] =	vst v63  }
0x171: {  	s5 =	simm.s32 $0x15400  }
0x172: {  	[hbm4b:s7+s3] =	stream.indirect_vreg.scatter [tilespmem:s5], [sflag:$0x4], $0x80, v5, vm0, $0xb8;
	[tilespmem:$0x15C00] =	vst v63  }
0x173: {  	v5 =	vld [tilespmem:s18+$0xFFFFFF00];
	_ =	sdelay $0x4  }
0x174: {  	v6 =	vshll.u32 v5, $0x5  }
0x175: {  	v5 =	vand.u32 $0x7, v5;
	v6 =	vand.u32 $0xFFFFFF00, v6  }
0x176: {  	v5 =	vor.u32 v5, v6  }
0x177: {  	v6 =	vperm.xlane v5, v0;
	_ =	sdelay $0x1  }
0x178: {  	v6 =	vadd.s32 v1, v6;
	_ =	sdelay $0x3  }
0x179: {  	s5 =	simm.s32 $0x1C00  }
0x17a: {  	[hbm4b:s2+s3] =	stream.indirect_vreg.scatter [tilespmem:s5], [sflag:$0x3], $0x80, v6, vm0, $0xb8;
	[tilespmem:$0x15C00] =	vst v63  }
0x17b: {  	s20 =	simm.s32 $0x2400  }
0x17c: {  	[hbm4b:s10+s3] =	stream.indirect_vreg.scatter [tilespmem:s20], [sflag:$0x3], $0x80, v6, vm0, $0xb8;
	[tilespmem:$0x15C00] =	vst v63  }
0x17d: {  	s22 =	simm.s32 $0x2C00  }
0x17e: {  	[hbm4b:s30+s3] =	stream.indirect_vreg.scatter [tilespmem:s22], [sflag:$0x3], $0x80, v6, vm0, $0xb8;
	[tilespmem:$0x15C00] =	vst v63  }
0x17f: {  	s28 =	simm.s32 $0x3400  }
0x180: {  	[hbm4b:s12+s3] =	stream.indirect_vreg.scatter [tilespmem:s28], [sflag:$0x3], $0x80, v6, vm0, $0xb8;
	[tilespmem:$0x15C00] =	vst v63  }
0x181: {  	s20 =	simm.s32 $0x3C00  }
0x182: {  	[hbm4b:s26+s3] =	stream.indirect_vreg.scatter [tilespmem:s20], [sflag:$0x3], $0x80, v6, vm0, $0xb8;
	[tilespmem:$0x15C00] =	vst v63  }
0x183: {  	s22 =	simm.s32 $0x4400  }
0x184: {  	[hbm4b:s1+s3] =	stream.indirect_vreg.scatter [tilespmem:s22], [sflag:$0x3], $0x80, v6, vm0, $0xb8;
	[tilespmem:$0x15C00] =	vst v63  }
0x185: {  	s28 =	simm.s32 $0x4C00  }
0x186: {  	[hbm4b:s29+s3] =	stream.indirect_vreg.scatter [tilespmem:s28], [sflag:$0x3], $0x80, v6, vm0, $0xb8;
	[tilespmem:$0x15C00] =	vst v63  }
0x187: {  	s20 =	simm.s32 $0x5400  }
0x188: {  	[hbm4b:s14+s3] =	stream.indirect_vreg.scatter [tilespmem:s20], [sflag:$0x3], $0x80, v6, vm0, $0xb8;
	[tilespmem:$0x15C00] =	vst v63  }
0x189: {  	s22 =	simm.s32 $0x5C00  }
0x18a: {  	[hbm4b:s31+s3] =	stream.indirect_vreg.scatter [tilespmem:s22], [sflag:$0x3], $0x80, v6, vm0, $0xb8;
	[tilespmem:$0x15C00] =	vst v63  }
0x18b: {  	s28 =	simm.s32 $0x6400  }
0x18c: {  	[hbm4b:s19+s3] =	stream.indirect_vreg.scatter [tilespmem:s28], [sflag:$0x3], $0x80, v6, vm0, $0xb8;
	[tilespmem:$0x15C00] =	vst v63  }
0x18d: {  	s20 =	simm.s32 $0x6C00  }
0x18e: {  	[hbm4b:s0+s3] =	stream.indirect_vreg.scatter [tilespmem:s20], [sflag:$0x3], $0x80, v6, vm0, $0xb8;
	[tilespmem:$0x15C00] =	vst v63  }
0x18f: {  	s22 =	simm.s32 $0x7400  }
0x190: {  	[hbm4b:s16+s3] =	stream.indirect_vreg.scatter [tilespmem:s22], [sflag:$0x3], $0x80, v6, vm0, $0xb8;
	[tilespmem:$0x15C00] =	vst v63  }
0x191: {  	s28 =	simm.s32 $0x7C00  }
0x192: {  	[hbm4b:s6+s3] =	stream.indirect_vreg.scatter [tilespmem:s28], [sflag:$0x3], $0x80, v6, vm0, $0xb8;
	[tilespmem:$0x15C00] =	vst v63  }
0x193: {  	v5 =	vperm.xlane v5, v2;
	s20 =	simm.s32 $0x8400  }
0x194: {  	[hbm4b:s15+s3] =	stream.indirect_vreg.scatter [tilespmem:s20], [sflag:$0x3], $0x80, v6, vm0, $0xb8;
	[tilespmem:$0x15C00] =	vst v63  }
0x195: {  	v5 =	vadd.s32 v1, v5;
	s22 =	simm.s32 $0x8C00  }
0x196: {  	[hbm4b:s7+s3] =	stream.indirect_vreg.scatter [tilespmem:s22], [sflag:$0x3], $0x80, v6, vm0, $0xb8;
	[tilespmem:$0x15C00] =	vst v63  }
0x197: {  	s28 =	simm.s32 $0x9400  }
0x198: {  	[hbm4b:s9+s3] =	stream.indirect_vreg.scatter [tilespmem:s28], [sflag:$0x3], $0x80, v6, vm0, $0xb8;
	[tilespmem:$0x15C00] =	vst v63  }
0x199: {  	s20 =	simm.s32 $0x9C00  }
0x19a: {  	[hbm4b:s2+s3] =	stream.indirect_vreg.scatter [tilespmem:s20], [sflag:$0x3], $0x80, v5, vm0, $0xb8;
	[tilespmem:$0x15C00] =	vst v63  }
0x19b: {  	s22 =	simm.s32 $0xA400  }
0x19c: {  	[hbm4b:s10+s3] =	stream.indirect_vreg.scatter [tilespmem:s22], [sflag:$0x3], $0x80, v5, vm0, $0xb8;
	[tilespmem:$0x15C00] =	vst v63  }
0x19d: {  	s28 =	simm.s32 $0xAC00  }
0x19e: {  	[hbm4b:s30+s3] =	stream.indirect_vreg.scatter [tilespmem:s28], [sflag:$0x3], $0x80, v5, vm0, $0xb8;
	[tilespmem:$0x15C00] =	vst v63  }
0x19f: {  	s20 =	simm.s32 $0xB400  }
0x1a0: {  	[hbm4b:s12+s3] =	stream.indirect_vreg.scatter [tilespmem:s20], [sflag:$0x3], $0x80, v5, vm0, $0xb8;
	[tilespmem:$0x15C00] =	vst v63  }
0x1a1: {  	s22 =	simm.s32 $0xBC00  }
0x1a2: {  	[hbm4b:s26+s3] =	stream.indirect_vreg.scatter [tilespmem:s22], [sflag:$0x3], $0x80, v5, vm0, $0xb8;
	[tilespmem:$0x15C00] =	vst v63  }
0x1a3: {  	s28 =	simm.s32 $0xC400  }
0x1a4: {  	[hbm4b:s1+s3] =	stream.indirect_vreg.scatter [tilespmem:s28], [sflag:$0x3], $0x80, v5, vm0, $0xb8;
	[tilespmem:$0x15C00] =	vst v63  }
0x1a5: {  	s20 =	simm.s32 $0xCC00  }
0x1a6: {  	[hbm4b:s29+s3] =	stream.indirect_vreg.scatter [tilespmem:s20], [sflag:$0x3], $0x80, v5, vm0, $0xb8;
	[tilespmem:$0x15C00] =	vst v63  }
0x1a7: {  	s22 =	simm.s32 $0xD400  }
0x1a8: {  	[hbm4b:s14+s3] =	stream.indirect_vreg.scatter [tilespmem:s22], [sflag:$0x3], $0x80, v5, vm0, $0xb8;
	[tilespmem:$0x15C00] =	vst v63  }
0x1a9: {  	s28 =	simm.s32 $0xDC00  }
0x1aa: {  	[hbm4b:s31+s3] =	stream.indirect_vreg.scatter [tilespmem:s28], [sflag:$0x3], $0x80, v5, vm0, $0xb8;
	[tilespmem:$0x15C00] =	vst v63  }
0x1ab: {  	s20 =	simm.s32 $0xE400  }
0x1ac: {  	[hbm4b:s19+s3] =	stream.indirect_vreg.scatter [tilespmem:s20], [sflag:$0x3], $0x80, v5, vm0, $0xb8;
	[tilespmem:$0x15C00] =	vst v63  }
0x1ad: {  	s22 =	simm.s32 $0xEC00  }
0x1ae: {  	[hbm4b:s0+s3] =	stream.indirect_vreg.scatter [tilespmem:s22], [sflag:$0x3], $0x80, v5, vm0, $0xb8;
	[tilespmem:$0x15C00] =	vst v63  }
0x1af: {  	s4 =	simm.s32 $0xF400  }
0x1b0: {  	[hbm4b:s16+s3] =	stream.indirect_vreg.scatter [tilespmem:s4], [sflag:$0x3], $0x80, v5, vm0, $0xb8;
	[tilespmem:$0x15C00] =	vst v63  }
0x1b1: {  	s28 =	simm.s32 $0xFC00  }
0x1b2: {  	[hbm4b:s6+s3] =	stream.indirect_vreg.scatter [tilespmem:s28], [sflag:$0x3], $0x80, v5, vm0, $0xb8;
	[tilespmem:$0x15C00] =	vst v63  }
0x1b3: {  	s25 =	simm.s32 $0x10400  }
0x1b4: {  	[hbm4b:s15+s3] =	stream.indirect_vreg.scatter [tilespmem:s25], [sflag:$0x3], $0x80, v5, vm0, $0xb8;
	[tilespmem:$0x15C00] =	vst v63  }
0x1b5: {  	s22 =	simm.s32 $0x10C00  }
0x1b6: {  	[hbm4b:s7+s3] =	stream.indirect_vreg.scatter [tilespmem:s22], [sflag:$0x3], $0x80, v5, vm0, $0xb8;
	[tilespmem:$0x15C00] =	vst v63  }
0x1b7: {  	s25 =	simm.s32 $0x11400  }
0x1b8: {  	[hbm4b:s9+s3] =	stream.indirect_vreg.scatter [tilespmem:s25], [sflag:$0x3], $0x80, v5, vm0, $0xb8;
	[tilespmem:$0x15C00] =	vst v63  }
0x1b9: {  	v5 =	vld.msk [tilespmem:s18+$0xFFFFFF10], $0xf;
	_ =	sdelay $0x4  }
0x1ba: {  	v6 =	vshll.u32 v5, $0x5  }
0x1bb: {  	v5 =	vand.u32 $0x7, v5;
	v6 =	vand.u32 $0xFFFFFF00, v6  }
0x1bc: {  	v5 =	vor.u32 v5, v6  }
0x1bd: {  	v5 =	vperm.xlane v5, v3;
	_ =	sdelay $0x1  }
0x1be: {  	v5 =	vadd.s32 v4, v5;
	_ =	sdelay $0x3  }
0x1bf: {  	s22 =	simm.s32 $0x11C00  }
0x1c0: {  	[hbm4b:s2+s3] =	stream.indirect_vreg.scatter [tilespmem:s22], [sflag:$0x4], $0x80, v5, vm0, $0xb8;
	[tilespmem:$0x15C00] =	vst v63  }
0x1c1: {  	s20 =	simm.s32 $0x12400  }
0x1c2: {  	[hbm4b:s30+s3] =	stream.indirect_vreg.scatter [tilespmem:s20], [sflag:$0x4], $0x80, v5, vm0, $0xb8;
	[tilespmem:$0x15C00] =	vst v63  }
0x1c3: {  	s23 =	simm.s32 $0x12C00  }
0x1c4: {  	[hbm4b:s26+s3] =	stream.indirect_vreg.scatter [tilespmem:s23], [sflag:$0x4], $0x80, v5, vm0, $0xb8;
	[tilespmem:$0x15C00] =	vst v63  }
0x1c5: {  	s11 =	simm.s32 $0x13400  }
0x1c6: {  	[hbm4b:s29+s3] =	stream.indirect_vreg.scatter [tilespmem:s11], [sflag:$0x4], $0x80, v5, vm0, $0xb8;
	[tilespmem:$0x15C00] =	vst v63  }
0x1c7: {  	s21 =	simm.s32 $0x13C00  }
0x1c8: {  	[hbm4b:s31+s3] =	stream.indirect_vreg.scatter [tilespmem:s21], [sflag:$0x4], $0x80, v5, vm0, $0xb8;
	[tilespmem:$0x15C00] =	vst v63  }
0x1c9: {  	s17 =	simm.s32 $0x14400  }
0x1ca: {  	[hbm4b:s0+s3] =	stream.indirect_vreg.scatter [tilespmem:s17], [sflag:$0x4], $0x80, v5, vm0, $0xb8;
	[tilespmem:$0x15C00] =	vst v63  }
0x1cb: {  	s13 =	simm.s32 $0x14C00  }
0x1cc: {  	[hbm4b:s6+s3] =	stream.indirect_vreg.scatter [tilespmem:s13], [sflag:$0x4], $0x80, v5, vm0, $0xb8;
	[tilespmem:$0x15C00] =	vst v63  }
0x1cd: {  	s24 =	simm.s32 $0x15400  }
0x1ce: {  	[hbm4b:s7+s3] =	stream.indirect_vreg.scatter [tilespmem:s24], [sflag:$0x4], $0x80, v5, vm0, $0xb8;
	[tilespmem:$0x15C00] =	vst v63  }
0x1cf: {  	v5 =	vld [tilespmem:s18+$0xFFFFFF80];
	_ =	sdelay $0x4  }
0x1d0: {  	v6 =	vshll.u32 v5, $0x5  }
0x1d1: {  	v5 =	vand.u32 $0x7, v5;
	v6 =	vand.u32 $0xFFFFFF00, v6  }
0x1d2: {  	v5 =	vor.u32 v5, v6  }
0x1d3: {  	v6 =	vperm.xlane v5, v0;
	_ =	sdelay $0x1  }
0x1d4: {  	v6 =	vadd.s32 v1, v6;
	_ =	sdelay $0x4  }
0x1d5: {  	[hbm4b:s2+s3] =	stream.indirect_vreg.scatter [tilespmem:s5], [sflag:$0x3], $0x80, v6, vm0, $0xb8;
	[tilespmem:$0x15C00] =	vst v63  }
0x1d6: {  	s24 =	simm.s32 $0x2400  }
0x1d7: {  	[hbm4b:s10+s3] =	stream.indirect_vreg.scatter [tilespmem:s24], [sflag:$0x3], $0x80, v6, vm0, $0xb8;
	[tilespmem:$0x15C00] =	vst v63  }
0x1d8: {  	s24 =	simm.s32 $0x2C00  }
0x1d9: {  	[hbm4b:s30+s3] =	stream.indirect_vreg.scatter [tilespmem:s24], [sflag:$0x3], $0x80, v6, vm0, $0xb8;
	[tilespmem:$0x15C00] =	vst v63  }
0x1da: {  	s24 =	simm.s32 $0x3400  }
0x1db: {  	[hbm4b:s12+s3] =	stream.indirect_vreg.scatter [tilespmem:s24], [sflag:$0x3], $0x80, v6, vm0, $0xb8;
	[tilespmem:$0x15C00] =	vst v63  }
0x1dc: {  	s24 =	simm.s32 $0x3C00  }
0x1dd: {  	[hbm4b:s26+s3] =	stream.indirect_vreg.scatter [tilespmem:s24], [sflag:$0x3], $0x80, v6, vm0, $0xb8;
	[tilespmem:$0x15C00] =	vst v63  }
0x1de: {  	s24 =	simm.s32 $0x4400  }
0x1df: {  	[hbm4b:s1+s3] =	stream.indirect_vreg.scatter [tilespmem:s24], [sflag:$0x3], $0x80, v6, vm0, $0xb8;
	[tilespmem:$0x15C00] =	vst v63  }
0x1e0: {  	s24 =	simm.s32 $0x4C00  }
0x1e1: {  	[hbm4b:s29+s3] =	stream.indirect_vreg.scatter [tilespmem:s24], [sflag:$0x3], $0x80, v6, vm0, $0xb8;
	[tilespmem:$0x15C00] =	vst v63  }
0x1e2: {  	s24 =	simm.s32 $0x5400  }
0x1e3: {  	[hbm4b:s14+s3] =	stream.indirect_vreg.scatter [tilespmem:s24], [sflag:$0x3], $0x80, v6, vm0, $0xb8;
	[tilespmem:$0x15C00] =	vst v63  }
0x1e4: {  	s24 =	simm.s32 $0x5C00  }
0x1e5: {  	[hbm4b:s31+s3] =	stream.indirect_vreg.scatter [tilespmem:s24], [sflag:$0x3], $0x80, v6, vm0, $0xb8;
	[tilespmem:$0x15C00] =	vst v63  }
0x1e6: {  	s24 =	simm.s32 $0x6400  }
0x1e7: {  	[hbm4b:s19+s3] =	stream.indirect_vreg.scatter [tilespmem:s24], [sflag:$0x3], $0x80, v6, vm0, $0xb8;
	[tilespmem:$0x15C00] =	vst v63  }
0x1e8: {  	s24 =	simm.s32 $0x6C00  }
0x1e9: {  	[hbm4b:s0+s3] =	stream.indirect_vreg.scatter [tilespmem:s24], [sflag:$0x3], $0x80, v6, vm0, $0xb8;
	[tilespmem:$0x15C00] =	vst v63  }
0x1ea: {  	s24 =	simm.s32 $0x7400  }
0x1eb: {  	[hbm4b:s16+s3] =	stream.indirect_vreg.scatter [tilespmem:s24], [sflag:$0x3], $0x80, v6, vm0, $0xb8;
	[tilespmem:$0x15C00] =	vst v63  }
0x1ec: {  	s24 =	simm.s32 $0x7C00  }
0x1ed: {  	[hbm4b:s6+s3] =	stream.indirect_vreg.scatter [tilespmem:s24], [sflag:$0x3], $0x80, v6, vm0, $0xb8;
	[tilespmem:$0x15C00] =	vst v63  }
0x1ee: {  	v5 =	vperm.xlane v5, v2;
	s24 =	simm.s32 $0x8400  }
0x1ef: {  	[hbm4b:s15+s3] =	stream.indirect_vreg.scatter [tilespmem:s24], [sflag:$0x3], $0x80, v6, vm0, $0xb8;
	[tilespmem:$0x15C00] =	vst v63  }
0x1f0: {  	v5 =	vadd.s32 v1, v5;
	s24 =	simm.s32 $0x8C00  }
0x1f1: {  	[hbm4b:s7+s3] =	stream.indirect_vreg.scatter [tilespmem:s24], [sflag:$0x3], $0x80, v6, vm0, $0xb8;
	[tilespmem:$0x15C00] =	vst v63  }
0x1f2: {  	s24 =	simm.s32 $0x9400  }
0x1f3: {  	[hbm4b:s9+s3] =	stream.indirect_vreg.scatter [tilespmem:s24], [sflag:$0x3], $0x80, v6, vm0, $0xb8;
	[tilespmem:$0x15C00] =	vst v63  }
0x1f4: {  	s24 =	simm.s32 $0x9C00  }
0x1f5: {  	[hbm4b:s2+s3] =	stream.indirect_vreg.scatter [tilespmem:s24], [sflag:$0x3], $0x80, v5, vm0, $0xb8;
	[tilespmem:$0x15C00] =	vst v63  }
0x1f6: {  	s24 =	simm.s32 $0xA400  }
0x1f7: {  	[hbm4b:s10+s3] =	stream.indirect_vreg.scatter [tilespmem:s24], [sflag:$0x3], $0x80, v5, vm0, $0xb8;
	[tilespmem:$0x15C00] =	vst v63  }
0x1f8: {  	s24 =	simm.s32 $0xAC00  }
0x1f9: {  	[hbm4b:s30+s3] =	stream.indirect_vreg.scatter [tilespmem:s24], [sflag:$0x3], $0x80, v5, vm0, $0xb8;
	[tilespmem:$0x15C00] =	vst v63  }
0x1fa: {  	s24 =	simm.s32 $0xB400  }
0x1fb: {  	[hbm4b:s12+s3] =	stream.indirect_vreg.scatter [tilespmem:s24], [sflag:$0x3], $0x80, v5, vm0, $0xb8;
	[tilespmem:$0x15C00] =	vst v63  }
0x1fc: {  	s24 =	simm.s32 $0xBC00  }
0x1fd: {  	[hbm4b:s26+s3] =	stream.indirect_vreg.scatter [tilespmem:s24], [sflag:$0x3], $0x80, v5, vm0, $0xb8;
	[tilespmem:$0x15C00] =	vst v63  }
0x1fe: {  	s24 =	simm.s32 $0xC400  }
0x1ff: {  	[hbm4b:s1+s3] =	stream.indirect_vreg.scatter [tilespmem:s24], [sflag:$0x3], $0x80, v5, vm0, $0xb8;
	[tilespmem:$0x15C00] =	vst v63  }
0x200: {  	s24 =	simm.s32 $0xCC00  }
0x201: {  	[hbm4b:s29+s3] =	stream.indirect_vreg.scatter [tilespmem:s24], [sflag:$0x3], $0x80, v5, vm0, $0xb8;
	[tilespmem:$0x15C00] =	vst v63  }
0x202: {  	s24 =	simm.s32 $0xD400  }
0x203: {  	[hbm4b:s14+s3] =	stream.indirect_vreg.scatter [tilespmem:s24], [sflag:$0x3], $0x80, v5, vm0, $0xb8;
	[tilespmem:$0x15C00] =	vst v63  }
0x204: {  	s24 =	simm.s32 $0xDC00  }
0x205: {  	[hbm4b:s31+s3] =	stream.indirect_vreg.scatter [tilespmem:s24], [sflag:$0x3], $0x80, v5, vm0, $0xb8;
	[tilespmem:$0x15C00] =	vst v63  }
0x206: {  	s24 =	simm.s32 $0xE400  }
0x207: {  	[hbm4b:s19+s3] =	stream.indirect_vreg.scatter [tilespmem:s24], [sflag:$0x3], $0x80, v5, vm0, $0xb8;
	[tilespmem:$0x15C00] =	vst v63  }
0x208: {  	s24 =	simm.s32 $0xEC00  }
0x209: {  	[hbm4b:s0+s3] =	stream.indirect_vreg.scatter [tilespmem:s24], [sflag:$0x3], $0x80, v5, vm0, $0xb8;
	[tilespmem:$0x15C00] =	vst v63  }
0x20a: {  	_ = 	snop  }
0x20b: {  	[hbm4b:s16+s3] =	stream.indirect_vreg.scatter [tilespmem:s4], [sflag:$0x3], $0x80, v5, vm0, $0xb8;
	[tilespmem:$0x15C00] =	vst v63  }
0x20c: {  	s24 =	simm.s32 $0xFC00  }
0x20d: {  	[hbm4b:s6+s3] =	stream.indirect_vreg.scatter [tilespmem:s24], [sflag:$0x3], $0x80, v5, vm0, $0xb8;
	[tilespmem:$0x15C00] =	vst v63  }
0x20e: {  	s5 =	simm.s32 $0x10400  }
0x20f: {  	[hbm4b:s15+s3] =	stream.indirect_vreg.scatter [tilespmem:s5], [sflag:$0x3], $0x80, v5, vm0, $0xb8;
	[tilespmem:$0x15C00] =	vst v63  }
0x210: {  	s28 =	simm.s32 $0x10C00  }
0x211: {  	[hbm4b:s7+s3] =	stream.indirect_vreg.scatter [tilespmem:s28], [sflag:$0x3], $0x80, v5, vm0, $0xb8;
	[tilespmem:$0x15C00] =	vst v63  }
0x212: {  	s25 =	simm.s32 $0x11400  }
0x213: {  	[hbm4b:s9+s3] =	stream.indirect_vreg.scatter [tilespmem:s25], [sflag:$0x3], $0x80, v5, vm0, $0xb8;
	[tilespmem:$0x15C00] =	vst v63  }
0x214: {  	v5 =	vld.msk [tilespmem:s18+$0xFFFFFF90], $0xf;
	_ =	sdelay $0x4  }
0x215: {  	v6 =	vshll.u32 v5, $0x5  }
0x216: {  	v5 =	vand.u32 $0x7, v5;
	v6 =	vand.u32 $0xFFFFFF00, v6  }
0x217: {  	v5 =	vor.u32 v5, v6  }
0x218: {  	v5 =	vperm.xlane v5, v3;
	_ =	sdelay $0x1  }
0x219: {  	v5 =	vadd.s32 v4, v5;
	_ =	sdelay $0x3  }
0x21a: {  	s22 =	simm.s32 $0x11C00  }
0x21b: {  	[hbm4b:s2+s3] =	stream.indirect_vreg.scatter [tilespmem:s22], [sflag:$0x4], $0x80, v5, vm0, $0xb8;
	[tilespmem:$0x15C00] =	vst v63  }
0x21c: {  	s20 =	simm.s32 $0x12400  }
0x21d: {  	[hbm4b:s30+s3] =	stream.indirect_vreg.scatter [tilespmem:s20], [sflag:$0x4], $0x80, v5, vm0, $0xb8;
	[tilespmem:$0x15C00] =	vst v63  }
0x21e: {  	s23 =	simm.s32 $0x12C00  }
0x21f: {  	[hbm4b:s26+s3] =	stream.indirect_vreg.scatter [tilespmem:s23], [sflag:$0x4], $0x80, v5, vm0, $0xb8;
	[tilespmem:$0x15C00] =	vst v63  }
0x220: {  	s11 =	simm.s32 $0x13400  }
0x221: {  	[hbm4b:s29+s3] =	stream.indirect_vreg.scatter [tilespmem:s11], [sflag:$0x4], $0x80, v5, vm0, $0xb8;
	[tilespmem:$0x15C00] =	vst v63  }
0x222: {  	s21 =	simm.s32 $0x13C00  }
0x223: {  	[hbm4b:s31+s3] =	stream.indirect_vreg.scatter [tilespmem:s21], [sflag:$0x4], $0x80, v5, vm0, $0xb8;
	[tilespmem:$0x15C00] =	vst v63  }
0x224: {  	s17 =	simm.s32 $0x14400  }
0x225: {  	[hbm4b:s0+s3] =	stream.indirect_vreg.scatter [tilespmem:s17], [sflag:$0x4], $0x80, v5, vm0, $0xb8;
	[tilespmem:$0x15C00] =	vst v63  }
0x226: {  	s13 =	simm.s32 $0x14C00  }
0x227: {  	[hbm4b:s6+s3] =	stream.indirect_vreg.scatter [tilespmem:s13], [sflag:$0x4], $0x80, v5, vm0, $0xb8;
	[tilespmem:$0x15C00] =	vst v63  }
0x228: {  	s21 =	simm.s32 $0x15400  }
0x229: {  	[hbm4b:s7+s3] =	stream.indirect_vreg.scatter [tilespmem:s21], [sflag:$0x4], $0x80, v5, vm0, $0xb8;
	[tilespmem:$0x15C00] =	vst v63  }
0x22a: {  	v5 =	vld [tilespmem:s18+$0x0];
	_ =	sdelay $0x4  }
0x22b: {  	v6 =	vshll.u32 v5, $0x5  }
0x22c: {  	v5 =	vand.u32 $0x7, v5;
	v6 =	vand.u32 $0xFFFFFF00, v6  }
0x22d: {  	v5 =	vor.u32 v5, v6  }
0x22e: {  	v6 =	vperm.xlane v5, v0;
	_ =	sdelay $0x1  }
0x22f: {  	v6 =	vadd.s32 v1, v6;
	_ =	sdelay $0x3  }
0x230: {  	s23 =	simm.s32 $0x1C00  }
0x231: {  	[hbm4b:s2+s3] =	stream.indirect_vreg.scatter [tilespmem:s23], [sflag:$0x3], $0x80, v6, vm0, $0xb8;
	[tilespmem:$0x15C00] =	vst v63  }
0x232: {  	s23 =	simm.s32 $0x2400  }
0x233: {  	[hbm4b:s10+s3] =	stream.indirect_vreg.scatter [tilespmem:s23], [sflag:$0x3], $0x80, v6, vm0, $0xb8;
	[tilespmem:$0x15C00] =	vst v63  }
0x234: {  	s23 =	simm.s32 $0x2C00  }
0x235: {  	[hbm4b:s30+s3] =	stream.indirect_vreg.scatter [tilespmem:s23], [sflag:$0x3], $0x80, v6, vm0, $0xb8;
	[tilespmem:$0x15C00] =	vst v63  }
0x236: {  	s23 =	simm.s32 $0x3400  }
0x237: {  	[hbm4b:s12+s3] =	stream.indirect_vreg.scatter [tilespmem:s23], [sflag:$0x3], $0x80, v6, vm0, $0xb8;
	[tilespmem:$0x15C00] =	vst v63  }
0x238: {  	s23 =	simm.s32 $0x3C00  }
0x239: {  	[hbm4b:s26+s3] =	stream.indirect_vreg.scatter [tilespmem:s23], [sflag:$0x3], $0x80, v6, vm0, $0xb8;
	[tilespmem:$0x15C00] =	vst v63  }
0x23a: {  	s23 =	simm.s32 $0x4400  }
0x23b: {  	[hbm4b:s1+s3] =	stream.indirect_vreg.scatter [tilespmem:s23], [sflag:$0x3], $0x80, v6, vm0, $0xb8;
	[tilespmem:$0x15C00] =	vst v63  }
0x23c: {  	s23 =	simm.s32 $0x4C00  }
0x23d: {  	[hbm4b:s29+s3] =	stream.indirect_vreg.scatter [tilespmem:s23], [sflag:$0x3], $0x80, v6, vm0, $0xb8;
	[tilespmem:$0x15C00] =	vst v63  }
0x23e: {  	s23 =	simm.s32 $0x5400  }
0x23f: {  	[hbm4b:s14+s3] =	stream.indirect_vreg.scatter [tilespmem:s23], [sflag:$0x3], $0x80, v6, vm0, $0xb8;
	[tilespmem:$0x15C00] =	vst v63  }
0x240: {  	s23 =	simm.s32 $0x5C00  }
0x241: {  	[hbm4b:s31+s3] =	stream.indirect_vreg.scatter [tilespmem:s23], [sflag:$0x3], $0x80, v6, vm0, $0xb8;
	[tilespmem:$0x15C00] =	vst v63  }
0x242: {  	s23 =	simm.s32 $0x6400  }
0x243: {  	[hbm4b:s19+s3] =	stream.indirect_vreg.scatter [tilespmem:s23], [sflag:$0x3], $0x80, v6, vm0, $0xb8;
	[tilespmem:$0x15C00] =	vst v63  }
0x244: {  	s23 =	simm.s32 $0x6C00  }
0x245: {  	[hbm4b:s0+s3] =	stream.indirect_vreg.scatter [tilespmem:s23], [sflag:$0x3], $0x80, v6, vm0, $0xb8;
	[tilespmem:$0x15C00] =	vst v63  }
0x246: {  	s23 =	simm.s32 $0x7400  }
0x247: {  	[hbm4b:s16+s3] =	stream.indirect_vreg.scatter [tilespmem:s23], [sflag:$0x3], $0x80, v6, vm0, $0xb8;
	[tilespmem:$0x15C00] =	vst v63  }
0x248: {  	s23 =	simm.s32 $0x7C00  }
0x249: {  	[hbm4b:s6+s3] =	stream.indirect_vreg.scatter [tilespmem:s23], [sflag:$0x3], $0x80, v6, vm0, $0xb8;
	[tilespmem:$0x15C00] =	vst v63  }
0x24a: {  	v5 =	vperm.xlane v5, v2;
	s23 =	simm.s32 $0x8400  }
0x24b: {  	[hbm4b:s15+s3] =	stream.indirect_vreg.scatter [tilespmem:s23], [sflag:$0x3], $0x80, v6, vm0, $0xb8;
	[tilespmem:$0x15C00] =	vst v63  }
0x24c: {  	v5 =	vadd.s32 v1, v5;
	s23 =	simm.s32 $0x8C00  }
0x24d: {  	[hbm4b:s7+s3] =	stream.indirect_vreg.scatter [tilespmem:s23], [sflag:$0x3], $0x80, v6, vm0, $0xb8;
	[tilespmem:$0x15C00] =	vst v63  }
0x24e: {  	s23 =	simm.s32 $0x9400  }
0x24f: {  	[hbm4b:s9+s3] =	stream.indirect_vreg.scatter [tilespmem:s23], [sflag:$0x3], $0x80, v6, vm0, $0xb8;
	[tilespmem:$0x15C00] =	vst v63  }
0x250: {  	s23 =	simm.s32 $0x9C00  }
0x251: {  	[hbm4b:s2+s3] =	stream.indirect_vreg.scatter [tilespmem:s23], [sflag:$0x3], $0x80, v5, vm0, $0xb8;
	[tilespmem:$0x15C00] =	vst v63  }
0x252: {  	s23 =	simm.s32 $0xA400  }
0x253: {  	[hbm4b:s10+s3] =	stream.indirect_vreg.scatter [tilespmem:s23], [sflag:$0x3], $0x80, v5, vm0, $0xb8;
	[tilespmem:$0x15C00] =	vst v63  }
0x254: {  	s23 =	simm.s32 $0xAC00  }
0x255: {  	[hbm4b:s30+s3] =	stream.indirect_vreg.scatter [tilespmem:s23], [sflag:$0x3], $0x80, v5, vm0, $0xb8;
	[tilespmem:$0x15C00] =	vst v63  }
0x256: {  	s23 =	simm.s32 $0xB400  }
0x257: {  	[hbm4b:s12+s3] =	stream.indirect_vreg.scatter [tilespmem:s23], [sflag:$0x3], $0x80, v5, vm0, $0xb8;
	[tilespmem:$0x15C00] =	vst v63  }
0x258: {  	s23 =	simm.s32 $0xBC00  }
0x259: {  	[hbm4b:s26+s3] =	stream.indirect_vreg.scatter [tilespmem:s23], [sflag:$0x3], $0x80, v5, vm0, $0xb8;
	[tilespmem:$0x15C00] =	vst v63  }
0x25a: {  	s23 =	simm.s32 $0xC400  }
0x25b: {  	[hbm4b:s1+s3] =	stream.indirect_vreg.scatter [tilespmem:s23], [sflag:$0x3], $0x80, v5, vm0, $0xb8;
	[tilespmem:$0x15C00] =	vst v63  }
0x25c: {  	s23 =	simm.s32 $0xCC00  }
0x25d: {  	[hbm4b:s29+s3] =	stream.indirect_vreg.scatter [tilespmem:s23], [sflag:$0x3], $0x80, v5, vm0, $0xb8;
	[tilespmem:$0x15C00] =	vst v63  }
0x25e: {  	s23 =	simm.s32 $0xD400  }
0x25f: {  	[hbm4b:s14+s3] =	stream.indirect_vreg.scatter [tilespmem:s23], [sflag:$0x3], $0x80, v5, vm0, $0xb8;
	[tilespmem:$0x15C00] =	vst v63  }
0x260: {  	s23 =	simm.s32 $0xDC00  }
0x261: {  	[hbm4b:s31+s3] =	stream.indirect_vreg.scatter [tilespmem:s23], [sflag:$0x3], $0x80, v5, vm0, $0xb8;
	[tilespmem:$0x15C00] =	vst v63  }
0x262: {  	s23 =	simm.s32 $0xE400  }
0x263: {  	[hbm4b:s19+s3] =	stream.indirect_vreg.scatter [tilespmem:s23], [sflag:$0x3], $0x80, v5, vm0, $0xb8;
	[tilespmem:$0x15C00] =	vst v63  }
0x264: {  	s23 =	simm.s32 $0xEC00  }
0x265: {  	[hbm4b:s0+s3] =	stream.indirect_vreg.scatter [tilespmem:s23], [sflag:$0x3], $0x80, v5, vm0, $0xb8;
	[tilespmem:$0x15C00] =	vst v63  }
0x266: {  	s23 =	simm.s32 $0xF400  }
0x267: {  	[hbm4b:s16+s3] =	stream.indirect_vreg.scatter [tilespmem:s23], [sflag:$0x3], $0x80, v5, vm0, $0xb8;
	[tilespmem:$0x15C00] =	vst v63  }
0x268: {  	s23 =	simm.s32 $0xFC00  }
0x269: {  	[hbm4b:s6+s3] =	stream.indirect_vreg.scatter [tilespmem:s23], [sflag:$0x3], $0x80, v5, vm0, $0xb8;
	[tilespmem:$0x15C00] =	vst v63  }
0x26a: {  	s23 =	simm.s32 $0x10400  }
0x26b: {  	[hbm4b:s15+s3] =	stream.indirect_vreg.scatter [tilespmem:s23], [sflag:$0x3], $0x80, v5, vm0, $0xb8;
	[tilespmem:$0x15C00] =	vst v63  }
0x26c: {  	s24 =	simm.s32 $0x10C00  }
0x26d: {  	[hbm4b:s7+s3] =	stream.indirect_vreg.scatter [tilespmem:s24], [sflag:$0x3], $0x80, v5, vm0, $0xb8;
	[tilespmem:$0x15C00] =	vst v63  }
0x26e: {  	s28 =	simm.s32 $0x11400  }
0x26f: {  	[hbm4b:s9+s3] =	stream.indirect_vreg.scatter [tilespmem:s28], [sflag:$0x3], $0x80, v5, vm0, $0xb8;
	[tilespmem:$0x15C00] =	vst v63  }
0x270: {  	v5 =	vld.msk [tilespmem:s18+$0x10], $0xf;
	_ =	sdelay $0x4  }
0x271: {  	v6 =	vshll.u32 v5, $0x5  }
0x272: {  	v5 =	vand.u32 $0x7, v5;
	v6 =	vand.u32 $0xFFFFFF00, v6  }
0x273: {  	v5 =	vor.u32 v5, v6  }
0x274: {  	v5 =	vperm.xlane v5, v3;
	_ =	sdelay $0x1  }
0x275: {  	v5 =	vadd.s32 v4, v5;
	_ =	sdelay $0x3  }
0x276: {  	s25 =	simm.s32 $0x11C00  }
0x277: {  	[hbm4b:s2+s3] =	stream.indirect_vreg.scatter [tilespmem:s25], [sflag:$0x4], $0x80, v5, vm0, $0xb8;
	[tilespmem:$0x15C00] =	vst v63  }
0x278: {  	s20 =	simm.s32 $0x12400  }
0x279: {  	[hbm4b:s30+s3] =	stream.indirect_vreg.scatter [tilespmem:s20], [sflag:$0x4], $0x80, v5, vm0, $0xb8;
	[tilespmem:$0x15C00] =	vst v63  }
0x27a: {  	s22 =	simm.s32 $0x12C00  }
0x27b: {  	[hbm4b:s26+s3] =	stream.indirect_vreg.scatter [tilespmem:s22], [sflag:$0x4], $0x80, v5, vm0, $0xb8;
	[tilespmem:$0x15C00] =	vst v63  }
0x27c: {  	s4 =	simm.s32 $0x13400  }
0x27d: {  	[hbm4b:s29+s3] =	stream.indirect_vreg.scatter [tilespmem:s4], [sflag:$0x4], $0x80, v5, vm0, $0xb8;
	[tilespmem:$0x15C00] =	vst v63  }
0x27e: {  	s11 =	simm.s32 $0x13C00  }
0x27f: {  	[hbm4b:s31+s3] =	stream.indirect_vreg.scatter [tilespmem:s11], [sflag:$0x4], $0x80, v5, vm0, $0xb8;
	[tilespmem:$0x15C00] =	vst v63  }
0x280: {  	s17 =	simm.s32 $0x14400  }
0x281: {  	[hbm4b:s0+s3] =	stream.indirect_vreg.scatter [tilespmem:s17], [sflag:$0x4], $0x80, v5, vm0, $0xb8;
	[tilespmem:$0x15C00] =	vst v63  }
0x282: {  	s13 =	simm.s32 $0x14C00  }
0x283: {  	[hbm4b:s6+s3] =	stream.indirect_vreg.scatter [tilespmem:s13], [sflag:$0x4], $0x80, v5, vm0, $0xb8;
	[tilespmem:$0x15C00] =	vst v63  }
0x284: {  	s5 =	simm.s32 $0x15400  }
0x285: {  	[hbm4b:s7+s3] =	stream.indirect_vreg.scatter [tilespmem:s5], [sflag:$0x4], $0x80, v5, vm0, $0xb8;
	[tilespmem:$0x15C00] =	vst v63  }
0x286: {  	v5 =	vld [tilespmem:s18+$0x80];
	_ =	sdelay $0x4  }
0x287: {  	v6 =	vshll.u32 v5, $0x5  }
0x288: {  	v5 =	vand.u32 $0x7, v5;
	v6 =	vand.u32 $0xFFFFFF00, v6  }
0x289: {  	v5 =	vor.u32 v5, v6  }
0x28a: {  	v6 =	vperm.xlane v5, v0;
	_ =	sdelay $0x1  }
0x28b: {  	v6 =	vadd.s32 v1, v6;
	_ =	sdelay $0x3  }
0x28c: {  	s13 =	simm.s32 $0x1C00  }
0x28d: {  	[hbm4b:s2+s3] =	stream.indirect_vreg.scatter [tilespmem:s13], [sflag:$0x3], $0x80, v6, vm0, $0xb8;
	[tilespmem:$0x15C00] =	vst v63  }
0x28e: {  	s13 =	simm.s32 $0x2400  }
0x28f: {  	[hbm4b:s10+s3] =	stream.indirect_vreg.scatter [tilespmem:s13], [sflag:$0x3], $0x80, v6, vm0, $0xb8;
	[tilespmem:$0x15C00] =	vst v63  }
0x290: {  	s13 =	simm.s32 $0x2C00  }
0x291: {  	[hbm4b:s30+s3] =	stream.indirect_vreg.scatter [tilespmem:s13], [sflag:$0x3], $0x80, v6, vm0, $0xb8;
	[tilespmem:$0x15C00] =	vst v63  }
0x292: {  	s13 =	simm.s32 $0x3400  }
0x293: {  	[hbm4b:s12+s3] =	stream.indirect_vreg.scatter [tilespmem:s13], [sflag:$0x3], $0x80, v6, vm0, $0xb8;
	[tilespmem:$0x15C00] =	vst v63  }
0x294: {  	s13 =	simm.s32 $0x3C00  }
0x295: {  	[hbm4b:s26+s3] =	stream.indirect_vreg.scatter [tilespmem:s13], [sflag:$0x3], $0x80, v6, vm0, $0xb8;
	[tilespmem:$0x15C00] =	vst v63  }
0x296: {  	s13 =	simm.s32 $0x4400  }
0x297: {  	[hbm4b:s1+s3] =	stream.indirect_vreg.scatter [tilespmem:s13], [sflag:$0x3], $0x80, v6, vm0, $0xb8;
	[tilespmem:$0x15C00] =	vst v63  }
0x298: {  	s13 =	simm.s32 $0x4C00  }
0x299: {  	[hbm4b:s29+s3] =	stream.indirect_vreg.scatter [tilespmem:s13], [sflag:$0x3], $0x80, v6, vm0, $0xb8;
	[tilespmem:$0x15C00] =	vst v63  }
0x29a: {  	s13 =	simm.s32 $0x5400  }
0x29b: {  	[hbm4b:s14+s3] =	stream.indirect_vreg.scatter [tilespmem:s13], [sflag:$0x3], $0x80, v6, vm0, $0xb8;
	[tilespmem:$0x15C00] =	vst v63  }
0x29c: {  	s13 =	simm.s32 $0x5C00  }
0x29d: {  	[hbm4b:s31+s3] =	stream.indirect_vreg.scatter [tilespmem:s13], [sflag:$0x3], $0x80, v6, vm0, $0xb8;
	[tilespmem:$0x15C00] =	vst v63  }
0x29e: {  	s13 =	simm.s32 $0x6400  }
0x29f: {  	[hbm4b:s19+s3] =	stream.indirect_vreg.scatter [tilespmem:s13], [sflag:$0x3], $0x80, v6, vm0, $0xb8;
	[tilespmem:$0x15C00] =	vst v63  }
0x2a0: {  	s13 =	simm.s32 $0x6C00  }
0x2a1: {  	[hbm4b:s0+s3] =	stream.indirect_vreg.scatter [tilespmem:s13], [sflag:$0x3], $0x80, v6, vm0, $0xb8;
	[tilespmem:$0x15C00] =	vst v63  }
0x2a2: {  	s13 =	simm.s32 $0x7400  }
0x2a3: {  	[hbm4b:s16+s3] =	stream.indirect_vreg.scatter [tilespmem:s13], [sflag:$0x3], $0x80, v6, vm0, $0xb8;
	[tilespmem:$0x15C00] =	vst v63  }
0x2a4: {  	s13 =	simm.s32 $0x7C00  }
0x2a5: {  	[hbm4b:s6+s3] =	stream.indirect_vreg.scatter [tilespmem:s13], [sflag:$0x3], $0x80, v6, vm0, $0xb8;
	[tilespmem:$0x15C00] =	vst v63  }
0x2a6: {  	v5 =	vperm.xlane v5, v2;
	s13 =	simm.s32 $0x8400  }
0x2a7: {  	[hbm4b:s15+s3] =	stream.indirect_vreg.scatter [tilespmem:s13], [sflag:$0x3], $0x80, v6, vm0, $0xb8;
	[tilespmem:$0x15C00] =	vst v63  }
0x2a8: {  	v5 =	vadd.s32 v1, v5;
	s13 =	simm.s32 $0x8C00  }
0x2a9: {  	[hbm4b:s7+s3] =	stream.indirect_vreg.scatter [tilespmem:s13], [sflag:$0x3], $0x80, v6, vm0, $0xb8;
	[tilespmem:$0x15C00] =	vst v63  }
0x2aa: {  	s13 =	simm.s32 $0x9400  }
0x2ab: {  	[hbm4b:s9+s3] =	stream.indirect_vreg.scatter [tilespmem:s13], [sflag:$0x3], $0x80, v6, vm0, $0xb8;
	[tilespmem:$0x15C00] =	vst v63  }
0x2ac: {  	s13 =	simm.s32 $0x9C00  }
0x2ad: {  	[hbm4b:s2+s3] =	stream.indirect_vreg.scatter [tilespmem:s13], [sflag:$0x3], $0x80, v5, vm0, $0xb8;
	[tilespmem:$0x15C00] =	vst v63  }
0x2ae: {  	s13 =	simm.s32 $0xA400  }
0x2af: {  	[hbm4b:s10+s3] =	stream.indirect_vreg.scatter [tilespmem:s13], [sflag:$0x3], $0x80, v5, vm0, $0xb8;
	[tilespmem:$0x15C00] =	vst v63  }
0x2b0: {  	s13 =	simm.s32 $0xAC00  }
0x2b1: {  	[hbm4b:s30+s3] =	stream.indirect_vreg.scatter [tilespmem:s13], [sflag:$0x3], $0x80, v5, vm0, $0xb8;
	[tilespmem:$0x15C00] =	vst v63  }
0x2b2: {  	s13 =	simm.s32 $0xB400  }
0x2b3: {  	[hbm4b:s12+s3] =	stream.indirect_vreg.scatter [tilespmem:s13], [sflag:$0x3], $0x80, v5, vm0, $0xb8;
	[tilespmem:$0x15C00] =	vst v63  }
0x2b4: {  	s13 =	simm.s32 $0xBC00  }
0x2b5: {  	[hbm4b:s26+s3] =	stream.indirect_vreg.scatter [tilespmem:s13], [sflag:$0x3], $0x80, v5, vm0, $0xb8;
	[tilespmem:$0x15C00] =	vst v63  }
0x2b6: {  	s13 =	simm.s32 $0xC400  }
0x2b7: {  	[hbm4b:s1+s3] =	stream.indirect_vreg.scatter [tilespmem:s13], [sflag:$0x3], $0x80, v5, vm0, $0xb8;
	[tilespmem:$0x15C00] =	vst v63  }
0x2b8: {  	s13 =	simm.s32 $0xCC00  }
0x2b9: {  	[hbm4b:s29+s3] =	stream.indirect_vreg.scatter [tilespmem:s13], [sflag:$0x3], $0x80, v5, vm0, $0xb8;
	[tilespmem:$0x15C00] =	vst v63  }
0x2ba: {  	s13 =	simm.s32 $0xD400  }
0x2bb: {  	[hbm4b:s14+s3] =	stream.indirect_vreg.scatter [tilespmem:s13], [sflag:$0x3], $0x80, v5, vm0, $0xb8;
	[tilespmem:$0x15C00] =	vst v63  }
0x2bc: {  	s13 =	simm.s32 $0xDC00  }
0x2bd: {  	[hbm4b:s31+s3] =	stream.indirect_vreg.scatter [tilespmem:s13], [sflag:$0x3], $0x80, v5, vm0, $0xb8;
	[tilespmem:$0x15C00] =	vst v63  }
0x2be: {  	s13 =	simm.s32 $0xE400  }
0x2bf: {  	[hbm4b:s19+s3] =	stream.indirect_vreg.scatter [tilespmem:s13], [sflag:$0x3], $0x80, v5, vm0, $0xb8;
	[tilespmem:$0x15C00] =	vst v63  }
0x2c0: {  	s13 =	simm.s32 $0xEC00  }
0x2c1: {  	[hbm4b:s0+s3] =	stream.indirect_vreg.scatter [tilespmem:s13], [sflag:$0x3], $0x80, v5, vm0, $0xb8;
	[tilespmem:$0x15C00] =	vst v63  }
0x2c2: {  	s13 =	simm.s32 $0xF400  }
0x2c3: {  	[hbm4b:s16+s3] =	stream.indirect_vreg.scatter [tilespmem:s13], [sflag:$0x3], $0x80, v5, vm0, $0xb8;
	[tilespmem:$0x15C00] =	vst v63  }
0x2c4: {  	s13 =	simm.s32 $0xFC00  }
0x2c5: {  	[hbm4b:s6+s3] =	stream.indirect_vreg.scatter [tilespmem:s13], [sflag:$0x3], $0x80, v5, vm0, $0xb8;
	[tilespmem:$0x15C00] =	vst v63  }
0x2c6: {  	s5 =	simm.s32 $0x10400  }
0x2c7: {  	[hbm4b:s15+s3] =	stream.indirect_vreg.scatter [tilespmem:s5], [sflag:$0x3], $0x80, v5, vm0, $0xb8;
	[tilespmem:$0x15C00] =	vst v63  }
0x2c8: {  	s24 =	simm.s32 $0x10C00  }
0x2c9: {  	[hbm4b:s7+s3] =	stream.indirect_vreg.scatter [tilespmem:s24], [sflag:$0x3], $0x80, v5, vm0, $0xb8;
	[tilespmem:$0x15C00] =	vst v63  }
0x2ca: {  	s23 =	simm.s32 $0x11400  }
0x2cb: {  	[hbm4b:s9+s3] =	stream.indirect_vreg.scatter [tilespmem:s23], [sflag:$0x3], $0x80, v5, vm0, $0xb8;
	[tilespmem:$0x15C00] =	vst v63  }
0x2cc: {  	v5 =	vld.msk [tilespmem:s18+$0x90], $0xf;
	_ =	sdelay $0x4  }
0x2cd: {  	v6 =	vshll.u32 v5, $0x5  }
0x2ce: {  	v5 =	vand.u32 $0x7, v5;
	v6 =	vand.u32 $0xFFFFFF00, v6  }
0x2cf: {  	v5 =	vor.u32 v5, v6  }
0x2d0: {  	v5 =	vperm.xlane v5, v3;
	_ =	sdelay $0x1  }
0x2d1: {  	v5 =	vadd.s32 v4, v5;
	_ =	sdelay $0x3  }
0x2d2: {  	s21 =	simm.s32 $0x11C00  }
0x2d3: {  	[hbm4b:s2+s3] =	stream.indirect_vreg.scatter [tilespmem:s21], [sflag:$0x4], $0x80, v5, vm0, $0xb8;
	[tilespmem:$0x15C00] =	vst v63  }
0x2d4: {  	s28 =	simm.s32 $0x12400  }
0x2d5: {  	[hbm4b:s30+s3] =	stream.indirect_vreg.scatter [tilespmem:s28], [sflag:$0x4], $0x80, v5, vm0, $0xb8;
	[tilespmem:$0x15C00] =	vst v63  }
0x2d6: {  	s25 =	simm.s32 $0x12C00  }
0x2d7: {  	[hbm4b:s26+s3] =	stream.indirect_vreg.scatter [tilespmem:s25], [sflag:$0x4], $0x80, v5, vm0, $0xb8;
	[tilespmem:$0x15C00] =	vst v63  }
0x2d8: {  	s22 =	simm.s32 $0x13400  }
0x2d9: {  	[hbm4b:s29+s3] =	stream.indirect_vreg.scatter [tilespmem:s22], [sflag:$0x4], $0x80, v5, vm0, $0xb8;
	[tilespmem:$0x15C00] =	vst v63  }
0x2da: {  	s20 =	simm.s32 $0x13C00  }
0x2db: {  	[hbm4b:s31+s3] =	stream.indirect_vreg.scatter [tilespmem:s20], [sflag:$0x4], $0x80, v5, vm0, $0xb8;
	[tilespmem:$0x15C00] =	vst v63  }
0x2dc: {  	s17 =	simm.s32 $0x14400  }
0x2dd: {  	[hbm4b:s0+s3] =	stream.indirect_vreg.scatter [tilespmem:s17], [sflag:$0x4], $0x80, v5, vm0, $0xb8;
	[tilespmem:$0x15C00] =	vst v63  }
0x2de: {  	s11 =	simm.s32 $0x14C00  }
0x2df: {  	[hbm4b:s6+s3] =	stream.indirect_vreg.scatter [tilespmem:s11], [sflag:$0x4], $0x80, v5, vm0, $0xb8;
	[tilespmem:$0x15C00] =	vst v63  }
0x2e0: {  	s4 =	simm.s32 $0x15400  }
0x2e1: {  	[hbm4b:s7+s3] =	stream.indirect_vreg.scatter [tilespmem:s4], [sflag:$0x4], $0x80, v5, vm0, $0xb8;
	[tilespmem:$0x15C00] =	vst v63  }
0x2e2: {  	v5 =	vld [tilespmem:s18+$0x100];
	_ =	sdelay $0x4  }
0x2e3: {  	v6 =	vshll.u32 v5, $0x5  }
0x2e4: {  	v5 =	vand.u32 $0x7, v5;
	v6 =	vand.u32 $0xFFFFFF00, v6  }
0x2e5: {  	v5 =	vor.u32 v5, v6  }
0x2e6: {  	v6 =	vperm.xlane v5, v0;
	_ =	sdelay $0x1  }
0x2e7: {  	v6 =	vadd.s32 v1, v6;
	_ =	sdelay $0x3  }
0x2e8: {  	s28 =	simm.s32 $0x1C00  }
0x2e9: {  	[hbm4b:s2+s3] =	stream.indirect_vreg.scatter [tilespmem:s28], [sflag:$0x3], $0x80, v6, vm0, $0xb8;
	[tilespmem:$0x15C00] =	vst v63  }
0x2ea: {  	s28 =	simm.s32 $0x2400  }
0x2eb: {  	[hbm4b:s10+s3] =	stream.indirect_vreg.scatter [tilespmem:s28], [sflag:$0x3], $0x80, v6, vm0, $0xb8;
	[tilespmem:$0x15C00] =	vst v63  }
0x2ec: {  	s28 =	simm.s32 $0x2C00  }
0x2ed: {  	[hbm4b:s30+s3] =	stream.indirect_vreg.scatter [tilespmem:s28], [sflag:$0x3], $0x80, v6, vm0, $0xb8;
	[tilespmem:$0x15C00] =	vst v63  }
0x2ee: {  	s28 =	simm.s32 $0x3400  }
0x2ef: {  	[hbm4b:s12+s3] =	stream.indirect_vreg.scatter [tilespmem:s28], [sflag:$0x3], $0x80, v6, vm0, $0xb8;
	[tilespmem:$0x15C00] =	vst v63  }
0x2f0: {  	s28 =	simm.s32 $0x3C00  }
0x2f1: {  	[hbm4b:s26+s3] =	stream.indirect_vreg.scatter [tilespmem:s28], [sflag:$0x3], $0x80, v6, vm0, $0xb8;
	[tilespmem:$0x15C00] =	vst v63  }
0x2f2: {  	s28 =	simm.s32 $0x4400  }
0x2f3: {  	[hbm4b:s1+s3] =	stream.indirect_vreg.scatter [tilespmem:s28], [sflag:$0x3], $0x80, v6, vm0, $0xb8;
	[tilespmem:$0x15C00] =	vst v63  }
0x2f4: {  	s28 =	simm.s32 $0x4C00  }
0x2f5: {  	[hbm4b:s29+s3] =	stream.indirect_vreg.scatter [tilespmem:s28], [sflag:$0x3], $0x80, v6, vm0, $0xb8;
	[tilespmem:$0x15C00] =	vst v63  }
0x2f6: {  	s28 =	simm.s32 $0x5400  }
0x2f7: {  	[hbm4b:s14+s3] =	stream.indirect_vreg.scatter [tilespmem:s28], [sflag:$0x3], $0x80, v6, vm0, $0xb8;
	[tilespmem:$0x15C00] =	vst v63  }
0x2f8: {  	s28 =	simm.s32 $0x5C00  }
0x2f9: {  	[hbm4b:s31+s3] =	stream.indirect_vreg.scatter [tilespmem:s28], [sflag:$0x3], $0x80, v6, vm0, $0xb8;
	[tilespmem:$0x15C00] =	vst v63  }
0x2fa: {  	s28 =	simm.s32 $0x6400  }
0x2fb: {  	[hbm4b:s19+s3] =	stream.indirect_vreg.scatter [tilespmem:s28], [sflag:$0x3], $0x80, v6, vm0, $0xb8;
	[tilespmem:$0x15C00] =	vst v63  }
0x2fc: {  	s28 =	simm.s32 $0x6C00  }
0x2fd: {  	[hbm4b:s0+s3] =	stream.indirect_vreg.scatter [tilespmem:s28], [sflag:$0x3], $0x80, v6, vm0, $0xb8;
	[tilespmem:$0x15C00] =	vst v63  }
0x2fe: {  	s28 =	simm.s32 $0x7400  }
0x2ff: {  	[hbm4b:s16+s3] =	stream.indirect_vreg.scatter [tilespmem:s28], [sflag:$0x3], $0x80, v6, vm0, $0xb8;
	[tilespmem:$0x15C00] =	vst v63  }
0x300: {  	s28 =	simm.s32 $0x7C00  }
0x301: {  	[hbm4b:s6+s3] =	stream.indirect_vreg.scatter [tilespmem:s28], [sflag:$0x3], $0x80, v6, vm0, $0xb8;
	[tilespmem:$0x15C00] =	vst v63  }
0x302: {  	v5 =	vperm.xlane v5, v2;
	s28 =	simm.s32 $0x8400  }
0x303: {  	[hbm4b:s15+s3] =	stream.indirect_vreg.scatter [tilespmem:s28], [sflag:$0x3], $0x80, v6, vm0, $0xb8;
	[tilespmem:$0x15C00] =	vst v63  }
0x304: {  	v5 =	vadd.s32 v1, v5;
	s28 =	simm.s32 $0x8C00  }
0x305: {  	[hbm4b:s7+s3] =	stream.indirect_vreg.scatter [tilespmem:s28], [sflag:$0x3], $0x80, v6, vm0, $0xb8;
	[tilespmem:$0x15C00] =	vst v63  }
0x306: {  	s28 =	simm.s32 $0x9400  }
0x307: {  	[hbm4b:s9+s3] =	stream.indirect_vreg.scatter [tilespmem:s28], [sflag:$0x3], $0x80, v6, vm0, $0xb8;
	[tilespmem:$0x15C00] =	vst v63  }
0x308: {  	s28 =	simm.s32 $0x9C00  }
0x309: {  	[hbm4b:s2+s3] =	stream.indirect_vreg.scatter [tilespmem:s28], [sflag:$0x3], $0x80, v5, vm0, $0xb8;
	[tilespmem:$0x15C00] =	vst v63  }
0x30a: {  	s28 =	simm.s32 $0xA400  }
0x30b: {  	[hbm4b:s10+s3] =	stream.indirect_vreg.scatter [tilespmem:s28], [sflag:$0x3], $0x80, v5, vm0, $0xb8;
	[tilespmem:$0x15C00] =	vst v63  }
0x30c: {  	s28 =	simm.s32 $0xAC00  }
0x30d: {  	[hbm4b:s30+s3] =	stream.indirect_vreg.scatter [tilespmem:s28], [sflag:$0x3], $0x80, v5, vm0, $0xb8;
	[tilespmem:$0x15C00] =	vst v63  }
0x30e: {  	s28 =	simm.s32 $0xB400  }
0x30f: {  	[hbm4b:s12+s3] =	stream.indirect_vreg.scatter [tilespmem:s28], [sflag:$0x3], $0x80, v5, vm0, $0xb8;
	[tilespmem:$0x15C00] =	vst v63  }
0x310: {  	s28 =	simm.s32 $0xBC00  }
0x311: {  	[hbm4b:s26+s3] =	stream.indirect_vreg.scatter [tilespmem:s28], [sflag:$0x3], $0x80, v5, vm0, $0xb8;
	[tilespmem:$0x15C00] =	vst v63  }
0x312: {  	s28 =	simm.s32 $0xC400  }
0x313: {  	[hbm4b:s1+s3] =	stream.indirect_vreg.scatter [tilespmem:s28], [sflag:$0x3], $0x80, v5, vm0, $0xb8;
	[tilespmem:$0x15C00] =	vst v63  }
0x314: {  	s28 =	simm.s32 $0xCC00  }
0x315: {  	[hbm4b:s29+s3] =	stream.indirect_vreg.scatter [tilespmem:s28], [sflag:$0x3], $0x80, v5, vm0, $0xb8;
	[tilespmem:$0x15C00] =	vst v63  }
0x316: {  	s28 =	simm.s32 $0xD400  }
0x317: {  	[hbm4b:s14+s3] =	stream.indirect_vreg.scatter [tilespmem:s28], [sflag:$0x3], $0x80, v5, vm0, $0xb8;
	[tilespmem:$0x15C00] =	vst v63  }
0x318: {  	s28 =	simm.s32 $0xDC00  }
0x319: {  	[hbm4b:s31+s3] =	stream.indirect_vreg.scatter [tilespmem:s28], [sflag:$0x3], $0x80, v5, vm0, $0xb8;
	[tilespmem:$0x15C00] =	vst v63  }
0x31a: {  	s28 =	simm.s32 $0xE400  }
0x31b: {  	[hbm4b:s19+s3] =	stream.indirect_vreg.scatter [tilespmem:s28], [sflag:$0x3], $0x80, v5, vm0, $0xb8;
	[tilespmem:$0x15C00] =	vst v63  }
0x31c: {  	s28 =	simm.s32 $0xEC00  }
0x31d: {  	[hbm4b:s0+s3] =	stream.indirect_vreg.scatter [tilespmem:s28], [sflag:$0x3], $0x80, v5, vm0, $0xb8;
	[tilespmem:$0x15C00] =	vst v63  }
0x31e: {  	s28 =	simm.s32 $0xF400  }
0x31f: {  	[hbm4b:s16+s3] =	stream.indirect_vreg.scatter [tilespmem:s28], [sflag:$0x3], $0x80, v5, vm0, $0xb8;
	[tilespmem:$0x15C00] =	vst v63  }
0x320: {  	s13 =	simm.s32 $0xFC00  }
0x321: {  	[hbm4b:s6+s3] =	stream.indirect_vreg.scatter [tilespmem:s13], [sflag:$0x3], $0x80, v5, vm0, $0xb8;
	[tilespmem:$0x15C00] =	vst v63  }
0x322: {  	s5 =	simm.s32 $0x10400  }
0x323: {  	[hbm4b:s15+s3] =	stream.indirect_vreg.scatter [tilespmem:s5], [sflag:$0x3], $0x80, v5, vm0, $0xb8;
	[tilespmem:$0x15C00] =	vst v63  }
0x324: {  	s28 =	simm.s32 $0x10C00  }
0x325: {  	[hbm4b:s7+s3] =	stream.indirect_vreg.scatter [tilespmem:s28], [sflag:$0x3], $0x80, v5, vm0, $0xb8;
	[tilespmem:$0x15C00] =	vst v63  }
0x326: {  	s24 =	simm.s32 $0x11400  }
0x327: {  	[hbm4b:s9+s3] =	stream.indirect_vreg.scatter [tilespmem:s24], [sflag:$0x3], $0x80, v5, vm0, $0xb8;
	[tilespmem:$0x15C00] =	vst v63  }
0x328: {  	v5 =	vld.msk [tilespmem:s18+$0x110], $0xf;
	_ =	sdelay $0x4  }
0x329: {  	v6 =	vshll.u32 v5, $0x5  }
0x32a: {  	v5 =	vand.u32 $0x7, v5;
	v6 =	vand.u32 $0xFFFFFF00, v6  }
0x32b: {  	v5 =	vor.u32 v5, v6  }
0x32c: {  	v5 =	vperm.xlane v5, v3;
	_ =	sdelay $0x1  }
0x32d: {  	v5 =	vadd.s32 v4, v5;
	_ =	sdelay $0x3  }
0x32e: {  	s23 =	simm.s32 $0x11C00  }
0x32f: {  	[hbm4b:s2+s3] =	stream.indirect_vreg.scatter [tilespmem:s23], [sflag:$0x4], $0x80, v5, vm0, $0xb8;
	[tilespmem:$0x15C00] =	vst v63  }
0x330: {  	s23 =	simm.s32 $0x12400  }
0x331: {  	[hbm4b:s30+s3] =	stream.indirect_vreg.scatter [tilespmem:s23], [sflag:$0x4], $0x80, v5, vm0, $0xb8;
	[tilespmem:$0x15C00] =	vst v63  }
0x332: {  	s25 =	simm.s32 $0x12C00  }
0x333: {  	[hbm4b:s26+s3] =	stream.indirect_vreg.scatter [tilespmem:s25], [sflag:$0x4], $0x80, v5, vm0, $0xb8;
	[tilespmem:$0x15C00] =	vst v63  }
0x334: {  	s22 =	simm.s32 $0x13400  }
0x335: {  	[hbm4b:s29+s3] =	stream.indirect_vreg.scatter [tilespmem:s22], [sflag:$0x4], $0x80, v5, vm0, $0xb8;
	[tilespmem:$0x15C00] =	vst v63  }
0x336: {  	s21 =	simm.s32 $0x13C00  }
0x337: {  	[hbm4b:s31+s3] =	stream.indirect_vreg.scatter [tilespmem:s21], [sflag:$0x4], $0x80, v5, vm0, $0xb8;
	[tilespmem:$0x15C00] =	vst v63  }
0x338: {  	s20 =	simm.s32 $0x14400  }
0x339: {  	[hbm4b:s0+s3] =	stream.indirect_vreg.scatter [tilespmem:s20], [sflag:$0x4], $0x80, v5, vm0, $0xb8;
	[tilespmem:$0x15C00] =	vst v63  }
0x33a: {  	s11 =	simm.s32 $0x14C00  }
0x33b: {  	[hbm4b:s6+s3] =	stream.indirect_vreg.scatter [tilespmem:s11], [sflag:$0x4], $0x80, v5, vm0, $0xb8;
	[tilespmem:$0x15C00] =	vst v63  }
0x33c: {  	s4 =	simm.s32 $0x15400  }
0x33d: {  	[hbm4b:s7+s3] =	stream.indirect_vreg.scatter [tilespmem:s4], [sflag:$0x4], $0x80, v5, vm0, $0xb8;
	[tilespmem:$0x15C00] =	vst v63  }
0x33e: {  	v5 =	vld [tilespmem:s18+$0x180];
	_ =	sdelay $0x4  }
0x33f: {  	v6 =	vshll.u32 v5, $0x5  }
0x340: {  	v5 =	vand.u32 $0x7, v5;
	v6 =	vand.u32 $0xFFFFFF00, v6  }
0x341: {  	v5 =	vor.u32 v5, v6  }
0x342: {  	v6 =	vperm.xlane v5, v0;
	_ =	sdelay $0x1  }
0x343: {  	v6 =	vadd.s32 v1, v6;
	_ =	sdelay $0x3  }
0x344: {  	s4 =	simm.s32 $0x1C00  }
0x345: {  	[hbm4b:s2+s3] =	stream.indirect_vreg.scatter [tilespmem:s4], [sflag:$0x3], $0x80, v6, vm0, $0xb8;
	[tilespmem:$0x15C00] =	vst v63  }
0x346: {  	s4 =	simm.s32 $0x2400  }
0x347: {  	[hbm4b:s10+s3] =	stream.indirect_vreg.scatter [tilespmem:s4], [sflag:$0x3], $0x80, v6, vm0, $0xb8;
	[tilespmem:$0x15C00] =	vst v63  }
0x348: {  	s4 =	simm.s32 $0x2C00  }
0x349: {  	[hbm4b:s30+s3] =	stream.indirect_vreg.scatter [tilespmem:s4], [sflag:$0x3], $0x80, v6, vm0, $0xb8;
	[tilespmem:$0x15C00] =	vst v63  }
0x34a: {  	s4 =	simm.s32 $0x3400  }
0x34b: {  	[hbm4b:s12+s3] =	stream.indirect_vreg.scatter [tilespmem:s4], [sflag:$0x3], $0x80, v6, vm0, $0xb8;
	[tilespmem:$0x15C00] =	vst v63  }
0x34c: {  	s4 =	simm.s32 $0x3C00  }
0x34d: {  	[hbm4b:s26+s3] =	stream.indirect_vreg.scatter [tilespmem:s4], [sflag:$0x3], $0x80, v6, vm0, $0xb8;
	[tilespmem:$0x15C00] =	vst v63  }
0x34e: {  	s4 =	simm.s32 $0x4400  }
0x34f: {  	[hbm4b:s1+s3] =	stream.indirect_vreg.scatter [tilespmem:s4], [sflag:$0x3], $0x80, v6, vm0, $0xb8;
	[tilespmem:$0x15C00] =	vst v63  }
0x350: {  	s4 =	simm.s32 $0x4C00  }
0x351: {  	[hbm4b:s29+s3] =	stream.indirect_vreg.scatter [tilespmem:s4], [sflag:$0x3], $0x80, v6, vm0, $0xb8;
	[tilespmem:$0x15C00] =	vst v63  }
0x352: {  	s4 =	simm.s32 $0x5400  }
0x353: {  	[hbm4b:s14+s3] =	stream.indirect_vreg.scatter [tilespmem:s4], [sflag:$0x3], $0x80, v6, vm0, $0xb8;
	[tilespmem:$0x15C00] =	vst v63  }
0x354: {  	s4 =	simm.s32 $0x5C00  }
0x355: {  	[hbm4b:s31+s3] =	stream.indirect_vreg.scatter [tilespmem:s4], [sflag:$0x3], $0x80, v6, vm0, $0xb8;
	[tilespmem:$0x15C00] =	vst v63  }
0x356: {  	s4 =	simm.s32 $0x6400  }
0x357: {  	[hbm4b:s19+s3] =	stream.indirect_vreg.scatter [tilespmem:s4], [sflag:$0x3], $0x80, v6, vm0, $0xb8;
	[tilespmem:$0x15C00] =	vst v63  }
0x358: {  	s4 =	simm.s32 $0x6C00  }
0x359: {  	[hbm4b:s0+s3] =	stream.indirect_vreg.scatter [tilespmem:s4], [sflag:$0x3], $0x80, v6, vm0, $0xb8;
	[tilespmem:$0x15C00] =	vst v63  }
0x35a: {  	s4 =	simm.s32 $0x7400  }
0x35b: {  	[hbm4b:s16+s3] =	stream.indirect_vreg.scatter [tilespmem:s4], [sflag:$0x3], $0x80, v6, vm0, $0xb8;
	[tilespmem:$0x15C00] =	vst v63  }
0x35c: {  	s4 =	simm.s32 $0x7C00  }
0x35d: {  	[hbm4b:s6+s3] =	stream.indirect_vreg.scatter [tilespmem:s4], [sflag:$0x3], $0x80, v6, vm0, $0xb8;
	[tilespmem:$0x15C00] =	vst v63  }
0x35e: {  	v5 =	vperm.xlane v5, v2;
	s4 =	simm.s32 $0x8400  }
0x35f: {  	[hbm4b:s15+s3] =	stream.indirect_vreg.scatter [tilespmem:s4], [sflag:$0x3], $0x80, v6, vm0, $0xb8;
	[tilespmem:$0x15C00] =	vst v63  }
0x360: {  	v5 =	vadd.s32 v1, v5;
	s4 =	simm.s32 $0x8C00  }
0x361: {  	[hbm4b:s7+s3] =	stream.indirect_vreg.scatter [tilespmem:s4], [sflag:$0x3], $0x80, v6, vm0, $0xb8;
	[tilespmem:$0x15C00] =	vst v63  }
0x362: {  	s4 =	simm.s32 $0x9400  }
0x363: {  	[hbm4b:s9+s3] =	stream.indirect_vreg.scatter [tilespmem:s4], [sflag:$0x3], $0x80, v6, vm0, $0xb8;
	[tilespmem:$0x15C00] =	vst v63  }
0x364: {  	s4 =	simm.s32 $0x9C00  }
0x365: {  	[hbm4b:s2+s3] =	stream.indirect_vreg.scatter [tilespmem:s4], [sflag:$0x3], $0x80, v5, vm0, $0xb8;
	[tilespmem:$0x15C00] =	vst v63  }
0x366: {  	s4 =	simm.s32 $0xA400  }
0x367: {  	[hbm4b:s10+s3] =	stream.indirect_vreg.scatter [tilespmem:s4], [sflag:$0x3], $0x80, v5, vm0, $0xb8;
	[tilespmem:$0x15C00] =	vst v63  }
0x368: {  	s10 =	simm.s32 $0xAC00  }
0x369: {  	[hbm4b:s30+s3] =	stream.indirect_vreg.scatter [tilespmem:s10], [sflag:$0x3], $0x80, v5, vm0, $0xb8;
	[tilespmem:$0x15C00] =	vst v63  }
0x36a: {  	s10 =	simm.s32 $0xB400  }
0x36b: {  	[hbm4b:s12+s3] =	stream.indirect_vreg.scatter [tilespmem:s10], [sflag:$0x3], $0x80, v5, vm0, $0xb8;
	[tilespmem:$0x15C00] =	vst v63  }
0x36c: {  	s10 =	simm.s32 $0xBC00  }
0x36d: {  	[hbm4b:s26+s3] =	stream.indirect_vreg.scatter [tilespmem:s10], [sflag:$0x3], $0x80, v5, vm0, $0xb8;
	[tilespmem:$0x15C00] =	vst v63  }
0x36e: {  	s10 =	simm.s32 $0xC400  }
0x36f: {  	[hbm4b:s1+s3] =	stream.indirect_vreg.scatter [tilespmem:s10], [sflag:$0x3], $0x80, v5, vm0, $0xb8;
	[tilespmem:$0x15C00] =	vst v63  }
0x370: {  	s10 =	simm.s32 $0xCC00  }
0x371: {  	[hbm4b:s29+s3] =	stream.indirect_vreg.scatter [tilespmem:s10], [sflag:$0x3], $0x80, v5, vm0, $0xb8;
	[tilespmem:$0x15C00] =	vst v63  }
0x372: {  	s1 =	simm.s32 $0xD400  }
0x373: {  	[hbm4b:s14+s3] =	stream.indirect_vreg.scatter [tilespmem:s1], [sflag:$0x3], $0x80, v5, vm0, $0xb8;
	[tilespmem:$0x15C00] =	vst v63  }
0x374: {  	s10 =	simm.s32 $0xDC00  }
0x375: {  	[hbm4b:s31+s3] =	stream.indirect_vreg.scatter [tilespmem:s10], [sflag:$0x3], $0x80, v5, vm0, $0xb8;
	[tilespmem:$0x15C00] =	vst v63  }
0x376: {  	s14 =	simm.s32 $0xE400  }
0x377: {  	[hbm4b:s19+s3] =	stream.indirect_vreg.scatter [tilespmem:s14], [sflag:$0x3], $0x80, v5, vm0, $0xb8;
	[tilespmem:$0x15C00] =	vst v63  }
0x378: {  	s19 =	simm.s32 $0xEC00  }
0x379: {  	[hbm4b:s0+s3] =	stream.indirect_vreg.scatter [tilespmem:s19], [sflag:$0x3], $0x80, v5, vm0, $0xb8;
	[tilespmem:$0x15C00] =	vst v63  }
0x37a: {  	s17 =	simm.s32 $0xF400  }
0x37b: {  	[hbm4b:s16+s3] =	stream.indirect_vreg.scatter [tilespmem:s17], [sflag:$0x3], $0x80, v5, vm0, $0xb8;
	[tilespmem:$0x15C00] =	vst v63  }
0x37c: {  	s13 =	simm.s32 $0xFC00  }
0x37d: {  	[hbm4b:s6+s3] =	stream.indirect_vreg.scatter [tilespmem:s13], [sflag:$0x3], $0x80, v5, vm0, $0xb8;
	[tilespmem:$0x15C00] =	vst v63  }
0x37e: {  	s5 =	simm.s32 $0x10400  }
0x37f: {  	[hbm4b:s15+s3] =	stream.indirect_vreg.scatter [tilespmem:s5], [sflag:$0x3], $0x80, v5, vm0, $0xb8;
	[tilespmem:$0x15C00] =	vst v63  }
0x380: {  	s28 =	simm.s32 $0x10C00  }
0x381: {  	[hbm4b:s7+s3] =	stream.indirect_vreg.scatter [tilespmem:s28], [sflag:$0x3], $0x80, v5, vm0, $0xb8;
	[tilespmem:$0x15C00] =	vst v63  }
0x382: {  	s24 =	simm.s32 $0x11400  }
0x383: {  	[hbm4b:s9+s3] =	stream.indirect_vreg.scatter [tilespmem:s24], [sflag:$0x3], $0x80, v5, vm0, $0xb8;
	[tilespmem:$0x15C00] =	vst v63  }
0x384: {  	v5 =	vld.msk [tilespmem:s18+$0x190], $0xf;
	_ =	sdelay $0x4  }
0x385: {  	v6 =	vshll.u32 v5, $0x5  }
0x386: {  	v5 =	vand.u32 $0x7, v5;
	v6 =	vand.u32 $0xFFFFFF00, v6  }
0x387: {  	v5 =	vor.u32 v5, v6  }
0x388: {  	v5 =	vperm.xlane v5, v3;
	_ =	sdelay $0x1  }
0x389: {  	v5 =	vadd.s32 v4, v5;
	_ =	sdelay $0x3  }
0x38a: {  	s24 =	simm.s32 $0x11C00  }
0x38b: {  	[hbm4b:s2+s3] =	stream.indirect_vreg.scatter [tilespmem:s24], [sflag:$0x4], $0x80, v5, vm0, $0xb8;
	[tilespmem:$0x15C00] =	vst v63  }
0x38c: {  	s23 =	simm.s32 $0x12400  }
0x38d: {  	[hbm4b:s30+s3] =	stream.indirect_vreg.scatter [tilespmem:s23], [sflag:$0x4], $0x80, v5, vm0, $0xb8;
	[tilespmem:$0x15C00] =	vst v63  }
0x38e: {  	s25 =	simm.s32 $0x12C00  }
0x38f: {  	[hbm4b:s26+s3] =	stream.indirect_vreg.scatter [tilespmem:s25], [sflag:$0x4], $0x80, v5, vm0, $0xb8;
	[tilespmem:$0x15C00] =	vst v63  }
0x390: {  	s22 =	simm.s32 $0x13400  }
0x391: {  	[hbm4b:s29+s3] =	stream.indirect_vreg.scatter [tilespmem:s22], [sflag:$0x4], $0x80, v5, vm0, $0xb8;
	[tilespmem:$0x15C00] =	vst v63  }
0x392: {  	s8 =	sadd.s32 $0x200, s8;
	s21 =	simm.s32 $0x13C00;
	s25 =	rddreg [dreg:$0x3]  }
0x393: {  	[hbm4b:s31+s3] =	stream.indirect_vreg.scatter [tilespmem:s21], [sflag:$0x4], $0x80, v5, vm0, $0xb8;
	[tilespmem:$0x15C00] =	vst v63  }
0x394: {  	s20 =	simm.s32 $0x14400;
	p0 =	sne.s32 s25, s8  }
0x395: {  	[hbm4b:s0+s3] =	stream.indirect_vreg.scatter [tilespmem:s20], [sflag:$0x4], $0x80, v5, vm0, $0xb8;
	[tilespmem:$0x15C00] =	vst v63  }
.Ltmp0:
0x396: {  	_ = 	snop;
	(pc) =	sbr.rel @p0 .LBB2_2-.Ltmp0, $4  }
0x397: {  	s11 =	simm.s32 $0x14C00  }
0x398: {  	[hbm4b:s6+s3] =	stream.indirect_vreg.scatter [tilespmem:s11], [sflag:$0x4], $0x80, v5, vm0, $0xb8;
	[tilespmem:$0x15C00] =	vst v63  }
0x399: {  	s28 =	simm.s32 $0x15400;
	s18 =	sadd.s32 $0x400, s18  }
0x39a: {  	[hbm4b:s7+s3] =	stream.indirect_vreg.scatter [tilespmem:s28], [sflag:$0x4], $0x80, v5, vm0, $0xb8;
	[tilespmem:$0x15C00] =	vst v63  }
0x39b: {  	s4 =	simm.s32 $0x3  }
0x39c: {  	_ =	swait.ge [sflag:s4], $0x10000  }
0x39d: {  	[sflag:s4] =	ssyncset.done $0x0  }
0x39e: {  	[sflag:s4] =	ssyncadd.s32 $0xFFFF0000  }
0x39f: {  	_ =	swait.ge [sflag:s4], $0x10000  }
0x3a0: {  	[sflag:s4] =	ssyncset.done $0x0  }
0x3a1: {  	[sflag:s4] =	ssyncadd.s32 $0xFFFF0000  }
0x3a2: {  	_ =	swait.ge [sflag:s4], $0x10000  }
0x3a3: {  	[sflag:s4] =	ssyncset.done $0x0  }
0x3a4: {  	[sflag:s4] =	ssyncadd.s32 $0xFFFF0000  }
0x3a5: {  	_ =	swait.ge [sflag:s4], $0x10000  }
0x3a6: {  	[sflag:s4] =	ssyncset.done $0x0  }
0x3a7: {  	[sflag:s4] =	ssyncadd.s32 $0xFFFF0000  }
0x3a8: {  	_ =	swait.ge [sflag:s4], $0x10000  }
0x3a9: {  	[sflag:s4] =	ssyncset.done $0x0  }
0x3aa: {  	[sflag:s4] =	ssyncadd.s32 $0xFFFF0000  }
0x3ab: {  	_ =	swait.ge [sflag:s4], $0x10000  }
0x3ac: {  	[sflag:s4] =	ssyncset.done $0x0  }
0x3ad: {  	[sflag:s4] =	ssyncadd.s32 $0xFFFF0000  }
0x3ae: {  	_ =	swait.ge [sflag:s4], $0x10000  }
0x3af: {  	[sflag:s4] =	ssyncset.done $0x0  }
0x3b0: {  	[sflag:s4] =	ssyncadd.s32 $0xFFFF0000  }
0x3b1: {  	_ =	swait.ge [sflag:s4], $0x10000  }
0x3b2: {  	[sflag:s4] =	ssyncset.done $0x0  }
0x3b3: {  	s28 =	simm.s32 $0x4;
	[sflag:s4] =	ssyncadd.s32 $0xFFFF0000  }
0x3b4: {  	_ =	swait.ge [sflag:s28], $0x4000  }
0x3b5: {  	[sflag:s28] =	ssyncset.done $0x0  }
0x3b6: {  	[sflag:s28] =	ssyncadd.s32 $0xFFFFC000  }
0x3b7: {  	_ =	swait.ge [sflag:s28], $0x4000  }
0x3b8: {  	[sflag:s28] =	ssyncset.done $0x0  }
0x3b9: {  	[sflag:s28] =	ssyncadd.s32 $0xFFFFC000  }
0x3ba: {  	_ =	swait.ge [sflag:s28], $0x4000  }
0x3bb: {  	[sflag:s28] =	ssyncset.done $0x0  }
0x3bc: {  	[sflag:s28] =	ssyncadd.s32 $0xFFFFC000  }
0x3bd: {  	_ =	swait.ge [sflag:s28], $0x4000  }
0x3be: {  	[sflag:s28] =	ssyncset.done $0x0  }
0x3bf: {  	[sflag:s28] =	ssyncadd.s32 $0xFFFFC000  }
0x3c0: {  	_ =	swait.ge [sflag:s28], $0x4000  }
0x3c1: {  	[sflag:s28] =	ssyncset.done $0x0  }
0x3c2: {  	[sflag:s28] =	ssyncadd.s32 $0xFFFFC000  }
0x3c3: {  	_ =	swait.ge [sflag:s28], $0x4000  }
0x3c4: {  	[sflag:s28] =	ssyncset.done $0x0  }
0x3c5: {  	[sflag:s28] =	ssyncadd.s32 $0xFFFFC000  }
0x3c6: {  	_ =	swait.ge [sflag:s28], $0x4000  }
0x3c7: {  	[sflag:s28] =	ssyncset.done $0x0  }
0x3c8: {  	[sflag:s28] =	ssyncadd.s32 $0xFFFFC000  }
0x3c9: {  	_ =	swait.ge [sflag:s28], $0x4000  }
0x3ca: {  	s8 =	rddreg [dreg:$0x17]  }
0x3cb: {  	s11 =	rddreg [dreg:$0x16];
	s8 =	sadd.s32 $0x1, s8  }
0x3cc: {  	p0 =	sne.s32 s8, s11  }
.Ltmp1:
0x3cd: {  	_ = 	snop;
	(pc) =	sbr.rel @p0 .LBB2_1-.Ltmp1, $3  }
0x3ce: {  	_ =	sdelay $0x1  }
0x3cf: {  	[sflag:s28] =	ssyncset.done $0x0  }
0x3d0: {  	[sflag:s28] =	ssyncadd.s32 $0xFFFFC000  }
0x3d1: {  	_ =	sfence.sel $0x180000  }
0x3d2: {  	[bflag:$0x0] =	sbarrier.arrive $0xFFFF  }
0x3d3: {  	_ =	strace $0x9000004D  }
0x3d4: {  	s0 =	stileid.u32;
	[bflag:$0x2] =	sbarrier.arrive $0xFFFF  }
0x3d5: {  	p0 =	sne.s32 s0, $0x0;
	s0 =	rddreg [dreg:$0x2]  }
0x3d6: {  	s0 =	sadd.s32 @!p0 $0x100000, s0  }
0x3d7: {  	[sflag:s0] =	ssyncadd.tile.s32 @!p0 $0x1;
	_ =	shalt  }
.Lfunc_end2:
_tile_overlayer_lowered:
.L_overlay_start_2:
0x3d8: {  	(tag) =	ssettag $0x2  }
0x3d9: {  	s0 =	rddreg [dreg:$0x0];
	s2 =	stileid.u32  }
0x3da: {  	s1 =	rddreg [dreg:$0x1];
	p0 =	sne.s32 s2, $0x0  }
0x3db: {  	s3 =	rddreg [dreg:$0x2];
	[bflag:$0x3] =	sbarrier.arrive $0xFFFF;
	s2 =	simm.s32 @!p0 $0x1C05  }
0x3dc: {  	[timem:s3], [sflag:s2] =	dma.local @!p0 [hbm:s0], s1  }
0x3dd: {  	s0 =	simm.s32 @!p0 $0x5  }
0x3de: {  	_ =	swait.ge @!p0 [sflag:s0], s1  }
0x3df: {  	s1 =	ssub.s32 @!p0 $0x0, s1;
	[sflag:s0] =	ssyncset.done @!p0 $0x0  }
0x3e0: {  	[sflag:s0] =	ssyncadd.s32 @!p0 s1  }
0x3e1: {  	[bflag:$0x3] =	sbarrier.arrive $0xFFFF  }
0x3e2: {  	_ =	shalt  }

// kernel: scatter_offload_async_start
scs
__scs_entry_jumppad:
0x0: {  	(pc) =	sbr.rel $0x88, $3  }
0x1: {  	(tag) =	ssettag $0x0;
	lr =	simm.s32 $0x1  }
0x2: {  	[smem:$0x3F9F] =	sst lr;
	_ =	strace $0xD0000000  }
0x3: {  	_ = 	snop  }
0x4: {  	_ = 	snop  }
0x5: {  	_ = 	snop  }
0x6: {  	_ = 	snop  }
0x7: {  	_ = 	snop  }
__scs_overlays_trampoline_lowered:
0x8: {  	[smem:$0x3FAE] =	sst s0  }
0x9: {  	[smem:$0x3FAF] =	sst s1  }
0xa: {  	[smem:$0x3FB0] =	sst s2  }
0xb: {  	[smem:$0x3FB1] =	sst s3  }
0xc: {  	[smem:$0x3FB2] =	sst s4  }
0xd: {  	[smem:$0x3FB3] =	sst s5  }
0xe: {  	[smem:$0x3FB4] =	sst s6  }
0xf: {  	[smem:$0x3FB5] =	sst s7  }
0x10: {  	[smem:$0x3FB6] =	sst s8  }
0x11: {  	[smem:$0x3FB7] =	sst s9;
	s0 =	simm.s32 @!p0 $0x0  }
0x12: {  	s1 =	sld [smem:$0x3F9D];
	s0 =	simm.s32 @p0 $0x1  }
0x13: {  	[smem:$0x3FB8] =	sst s0;
	s0 =	simm.s32 @!p1 $0x0  }
0x14: {  	s2 =	sld [smem:$0x3F9C];
	s0 =	simm.s32 @p1 $0x1  }
0x15: {  	[smem:$0x3FB9] =	sst s0;
	s0 =	simm.s32 @!p2 $0x0  }
0x16: {  	s3 =	sld [smem:$0x3FDB];
	s0 =	simm.s32 @p2 $0x1  }
0x17: {  	s4 =	simm.s32 $0x1BF5;
	[smem:$0x3FBB] =	sst s0  }
0x18: {  	s0 =	sld [smem:$0x3F9E];
	_ =	swait.ge [sflag:s4], $0x0  }
0x19: {  	s7 =	sld [smem:$0x3F9F]  }
0x1a: {  	s8 =	sadd.s32 $0xFFFFE003, lr  }
0x1b: {  	s9 =	sadd.s32 $0xFFFFFEF7, lr;
	s5 =	simm.s32 $0xFFFFFFFF;
	p2 =	slt.u32 s8, $0xFFFFF086  }
0x1c: {  	p1 =	slt.u32 s9, $0xF7A;
	s5 =	simm.s32 @!p2 $0x0  }
0x1d: {  	s5 =	simm.s32 @p1 $0x1;
	p0 =	seq.s32 s7, s2  }
0x1e: {  	s7 =	smul.u32 @!p0 $0xF7A, s2;
	p2 =	seq.s32 @!p0 s5, $0x0  }
0x1f: {  	s9 =	smul.u32 $0xF7A, s1;
	s8 =	simm.s32 @!p0 $0x1BF5;
	p2 =	por !p2, p0  }
0x20: {  	[sflag:s8] =	ssyncset.s32 @!p0 $0xFFFFF086;
	s6 =	sadd.s32 @!p0 s3, s7;
	s7 =	simm.s32 @!p0 $0x108  }
0x21: {  	s3 =	sadd.s32 s3, s9;
	s6 =	sadd.s32 @!p0 $0x88, s6;
	s7 =	simm.s32 @p2 $0x1082  }
0x22: {  	[simem:s7], [sflag:s8] =	dma.local @!p0 [hbm:s6], $0xF7A  }
0x23: {  	s9 =	sor.u32 $0xD0000000, s2;
	s6 =	simm.s32 $0x108;
	_ =	swait.ge @!p0 [sflag:s8], $0x0  }
0x24: {  	s3 =	sadd.s32 $0x88, s3;
	s6 =	simm.s32 @!p1 $0x1082;
	[sflag:s4] =	ssyncset.s32 $0xFFFFF086  }
0x25: {  	[simem:s6], [sflag:s4] =	dma.local [hbm:s3], $0xF7A  }
0x26: {  	[smem:$0x3F9F] =	sst s1;
	(tag) =	ssettag s2;
	_ =	strace s9  }
0x27: {  	s1 =	sld [smem:$0x3FAF]  }
0x28: {  	s2 =	sld [smem:$0x3FB0]  }
0x29: {  	s4 =	sld [smem:$0x3FB2]  }
0x2a: {  	p0 =	seq.s32 s5, $0x0;
	s5 =	sld [smem:$0x3FB3]  }
0x2b: {  	s6 =	sld [smem:$0x3FB4]  }
0x2c: {  	s7 =	sld [smem:$0x3FB5]  }
0x2d: {  	s3 =	simm.s32 $0x108;
	s8 =	sld [smem:$0x3FB6]  }
0x2e: {  	s3 =	simm.s32 @!p0 $0x1082;
	s9 =	sld [smem:$0x3FB7]  }
0x2f: {  	lr =	sadd.s32 s0, s3;
	s0 =	sld [smem:$0x3FAE]  }
0x30: {  	s3 =	sld [smem:$0x3FB1]  }
0x31: {  	[smem:$0x3FBA] =	sst s10  }
0x32: {  	s10 =	sld [smem:$0x3FB8];
	_ =	sdelay $0x3  }
0x33: {  	p0 =	seq.s32 s10, $0x1;
	s10 =	sld [smem:$0x3FBA];
	_ =	sdelay $0x3  }
0x34: {  	[smem:$0x3FBA] =	sst s10  }
0x35: {  	s10 =	sld [smem:$0x3FB9];
	_ =	sdelay $0x3  }
0x36: {  	p1 =	seq.s32 s10, $0x1;
	s10 =	sld [smem:$0x3FBA];
	_ =	sdelay $0x3  }
0x37: {  	[smem:$0x3FBA] =	sst s10  }
0x38: {  	s10 =	sld [smem:$0x3FBB]  }
0x39: {  	_ = 	snop;
	(pc) =	sbr.ind lr, $3  }
0x3a: {  	_ = 	snop  }
0x3b: {  	_ = 	snop  }
0x3c: {  	p2 =	seq.s32 s10, $0x1;
	s10 =	sld [smem:$0x3FBA]  }
0x3d: {  	_ =	shalt  }
0x3e: {  	_ =	shalt  }
0x3f: {  	_ =	shalt  }
0x40: {  	_ =	shalt  }
0x41: {  	_ =	shalt  }
0x42: {  	_ =	shalt  }
0x43: {  	_ =	shalt  }
0x44: {  	_ =	shalt  }
0x45: {  	_ =	shalt  }
0x46: {  	_ =	shalt  }
0x47: {  	_ =	shalt  }
0x48: {  	_ =	shalt  }
0x49: {  	_ =	shalt  }
0x4a: {  	_ =	shalt  }
0x4b: {  	_ =	shalt  }
0x4c: {  	_ =	shalt  }
0x4d: {  	_ =	shalt  }
0x4e: {  	_ =	shalt  }
0x4f: {  	_ =	shalt  }
0x50: {  	_ =	shalt  }
0x51: {  	_ =	shalt  }
0x52: {  	_ =	shalt  }
0x53: {  	_ =	shalt  }
0x54: {  	_ =	shalt  }
0x55: {  	_ =	shalt  }
0x56: {  	_ =	shalt  }
0x57: {  	_ =	shalt  }
0x58: {  	_ =	shalt  }
0x59: {  	_ =	shalt  }
0x5a: {  	_ =	shalt  }
0x5b: {  	_ =	shalt  }
0x5c: {  	_ =	shalt  }
0x5d: {  	_ =	shalt  }
0x5e: {  	_ =	shalt  }
0x5f: {  	_ =	shalt  }
0x60: {  	_ =	shalt  }
0x61: {  	_ =	shalt  }
0x62: {  	_ =	shalt  }
0x63: {  	_ =	shalt  }
0x64: {  	_ =	shalt  }
0x65: {  	_ =	shalt  }
0x66: {  	_ =	shalt  }
0x67: {  	_ =	shalt  }
0x68: {  	_ =	shalt  }
0x69: {  	_ =	shalt  }
0x6a: {  	_ =	shalt  }
0x6b: {  	_ =	shalt  }
0x6c: {  	_ =	shalt  }
0x6d: {  	_ =	shalt  }
0x6e: {  	_ =	shalt  }
0x6f: {  	_ =	shalt  }
0x70: {  	_ =	shalt  }
0x71: {  	_ =	shalt  }
0x72: {  	_ =	shalt  }
0x73: {  	_ =	shalt  }
0x74: {  	_ =	shalt  }
0x75: {  	_ =	shalt  }
0x76: {  	_ =	shalt  }
0x77: {  	_ =	shalt  }
0x78: {  	_ =	shalt  }
0x79: {  	_ =	shalt  }
0x7a: {  	_ =	shalt  }
0x7b: {  	_ =	shalt  }
0x7c: {  	_ =	shalt  }
0x7d: {  	_ =	shalt  }
0x7e: {  	_ =	shalt  }
0x7f: {  	_ =	shalt  }
0x80: {  	_ =	shalt  }
0x81: {  	_ =	shalt  }
0x82: {  	_ =	shalt  }
0x83: {  	_ =	shalt  }
0x84: {  	_ =	shalt  }
0x85: {  	_ =	shalt  }
0x86: {  	_ =	shalt  }
0x87: {  	_ =	shalt  }
.Lfunc_end0:
.L_simem_size_0:
called_computation_lowered:
.L_overlay_start_0:
0x88: {  	s0 =	sld [smem:$0x3FD9]  }
0x89: {  	s1 =	sld [smem:$0x3FFE];
	_ =	sdelay $0x3  }
0x8a: {  	s0 =	sadd.s32 s1, s0  }
0x8b: {  	[smem:$0x3FC6] =	sst s0  }
0x8c: {  	_ = 	snop  }
0x8d: {  	s0 =	sld [smem:$0x3FD0];
	(tm) =	ssettm $0x1  }
0x8e: {  	s16 =	sld [smem:$0x3FFB];
	_ =	sdelay $0x3  }
0x8f: {  	_ =	strace s16  }
0x90: {  	s1 =	sld [smem:$0x3FFC];
	_ =	sdelay $0x3  }
0x91: {  	_ =	strace s1  }
0x92: {  	s1 =	sld [smem:$0x3FFD];
	_ =	sdelay $0x3  }
0x93: {  	_ =	strace s1  }
0x94: {  	_ =	strace $0x8FFFFFFF  }
0x95: {  	s17 =	sld [smem:$0x3FDB];
	_ =	sdelay $0x1  }
0x96: {  	s2 =	simm.s32 $_scs_section_size  }
0x97: {  	s3 =	simm.s32 $_size__tile_overlayer_lowered;
	s4 =	simm.s32 $_tile_overlayer_lowered  }
0x98: {  	s20 =	simm.s32 $0x1BFF;
	s19 =	sshll.u32 s4, $0x1;
	s1 =	sadd.s32 s2, s17  }
0x99: {  	s5 =	simm.s32 $0x0;
	s18 =	sshll.u32 s3, $0x1;
	s3 =	sadd.s32 s19, s1  }
0x9a: {  	[timem:s5], [sflag:s20] =	dma.local [hbm:s3], s18  }
0x9b: {  	_ =	swait.ge [sflag:s20], s18  }
0x9c: {  	s2 =	ssub.s32 $0x0, s18;
	[sflag:s20] =	ssyncset.done $0x0  }
0x9d: {  	[sflag:s20] =	ssyncadd.s32 s2;
	_ =	sdelay $0x1  }
0x9e: {  	s21 =	simm.s32 $0x1B8B  }
0x9f: {  	_ =	swait.ge [sflag:s21], $0x1  }
0xa0: {  	[sflag:s21] =	ssyncset.done $0x0  }
0xa1: {  	s23 =	simm.s32 $0x1B8E;
	s22 =	sld [smem:$0x3FFE];
	[sflag:s21] =	ssyncadd.s32 $0xFFFFFFFF  }
0xa2: {  	s24 =	simm.s32 $execute0_lowered;
	[smem:$0x3FD2] =	sst s23  }
0xa3: {  	s3 =	sshll.u32 s24, $0x1;
	_ =	strace $0x80000046;
	[dreg:$0x1] =	wrdreg $0xFFFFFFFF  }
0xa4: {  	s25 =	simm.s32 $_size_execute0_lowered;
	s1 =	sadd.s32 s1, s3;
	[dreg:$0x0] =	wrdreg $0x0  }
0xa5: {  	s3 =	sshll.u32 s25, $0x1;
	[dreg:$0x2] =	wrdreg s1  }
0xa6: {  	[dreg:$0x3] =	wrdreg s3  }
0xa7: {  	[dreg:$0x4] =	wrdreg $0xC0  }
0xa8: {  	_ =	task [dreg:s5], $0x5FFFF  }
0xa9: {  	[dreg:$0x1] =	wrdreg $0xFFFFFFFF  }
0xaa: {  	[dreg:$0x0] =	wrdreg $0x60  }
0xab: {  	[dreg:$0x2] =	wrdreg s22  }
0xac: {  	[dreg:$0x3] =	wrdreg s0  }
0xad: {  	[dreg:$0x4] =	wrdreg $0x9  }
0xae: {  	_ =	task.clear_ibuf [dreg:s5], $0x5FFFF;
	_ =	strace $0x90000046  }
0xaf: {  	s26 =	simm.s32 $0x9;
	_ =	strace $0x80000048  }
0xb0: {  	_ =	swait.ge [sflag:s26], $0x1  }
0xb1: {  	[sflag:s26] =	ssyncadd.s32 $0xFFFFFFFF  }
0xb2: {  	_ =	strace $0x90000048  }
0xb3: {  	_ =	sfence  }
0xb4: {  	s28 =	sld [smem:$0x0];
	_ =	sdelay $0x1  }
0xb5: {  	s29 =	srdreg.scid  }
0xb6: {  	s30 =	sshll.u32 s29, $0xD;
	s31 =	sshrl.u32 s29, $0x2  }
0xb7: {  	s2 =	sand.u32 $0x4000, s30;
	s1 =	sand.u32 $0x1, s29;
	s0 =	sadd.s32 s31, s28  }
0xb8: {  	s1 =	sor.u32 s2, s1;
	s0 =	sshll.u32 s0, $0x11  }
0xb9: {  	s0 =	sor.u32 s0, s1  }
0xba: {  	s0 =	sadd.s32 $0x8F2B, s0  }
0xbb: {  	[sflag:s0] =	ssyncadd.remote.s32 $0x1  }
0xbc: {  	_ =	sfence.sel $0xFFFF  }
0xbd: {  	[dreg:$0x0] =	wrdreg $0xFFFFFFFF;
	(pc) =	sbr.abs _section_cstart, $3  }
0xbe: {  	[dreg:$0x1] =	wrdreg $0xFFFFFFFF  }
0xbf: {  	_ =	task.clear_ibuf [dreg:s5], $0x2FFFF;
	_ =	strace $0x9FFFFFFF  }
0xc0: {  	(tm) =	ssettm $0x7FFFFFFF  }
0xc1: {  	_ =	shalt  }
tec
execute0_lowered:
.L_overlay_start_1:
0x0: {  	(tag) =	ssettag $0x1  }
0x1: {  	s2 =	rddreg [dreg:$0x0]  }
0x2: {  	s3 =	rddreg [dreg:$0x1]  }
0x3: {  	s0 =	rddreg [dreg:$0x2];
	_ =	strace $0x80000047;
	s4 =	stileid.u32  }
0x4: {  	s5 =	simm.s32 $0x3E;
	s1 =	sadd.s32 $0x200, s2;
	p0 =	sne.s32 s4, $0x0  }
0x5: {  	[sflag:s5] =	ssyncpa.u1 $0x0;
	s6 =	simm.s32 @!p0 $0x1C3E;
	s7 =	simm.s32 @!p0 $0x0  }
0x6: {  	[spmem:s7], [sflag:s6] =	dma.local @!p0 [hbm:s1], $0x10  }
0x7: {  	s6 =	simm.s32 @!p0 $0x3E  }
0x8: {  	_ =	swait.ge @!p0 [sflag:s6], $0x10  }
0x9: {  	[sflag:s6] =	ssyncset.done @!p0 $0x0  }
0xa: {  	[sflag:s6] =	ssyncadd.s32 @!p0 $0xFFFFFFF0  }
0xb: {  	s21 =	simm.s32 $0x1;
	s22 =	simm.s32 $0x2;
	[bflag:$0x0] =	sbarrier.arrive $0xFFFF  }
0xc: {  	s8 =	simm.s32 $0x0;
	s9 =	simm.s32 $0x48;
	[sflag:s5] =	ssyncpa.u1 $0x1  }
0xd: {  	s2 =	sadd.s32 $0x600, s2;
	s4 =	sshll.u32 s4, $0x3;
	[sflag:s21] =	ssyncpa.u1 $0x0  }
0xe: {  	s3 =	sadd.s32 s3, s4;
	(ifvalue) =	ssetifvalue $0x80;
	[sflag:s22] =	ssyncpa.u1 $0x0  }
0xf: {  	[tilespmem:s9], [sflag:$0x2] =	stream.linear.gather [hbm4b:s3+s8], $0x40, $0x38;
	[tilespmem:$0x108] =	vst v63  }
0x10: {  	s23 =	simm.s32 $0xC8;
	s2 =	sadd.s32 s2, s4  }
0x11: {  	[tilespmem:s23], [sflag:$0x2] =	stream.linear.gather [hbm4b:s2+s8], $0x40, $0x38;
	[tilespmem:$0x108] =	vst v63  }
0x12: {  	_ =	swait.ge [sflag:s22], $0x80  }
0x13: {  	[sflag:s22] =	ssyncset.done $0x0  }
0x14: {  	[sflag:s22] =	ssyncadd.s32 $0xFFFFFF80  }
0x15: {  	v0 =	vld.msk [tilespmem:s9+$0x0 ss:$0x1], $0xffff;
	_ =	sdelay $0x4  }
0x16: {  	v0 =	vmin.u32 v0, $0x80;
	_ =	sdelay $0x3  }
0x17: {  	vm0 =	vmmov $0xffff;
	s24 =	simm.s32 $0x58  }
0x18: {  	[spmem:s8] =	stream.indirect_vreg.scatter.add.s32 [tilespmem:s23], [sflag:$0x1], $0x1, v0, vm0, $0x4038;
	[tilespmem:$0x108] =	vst v63  }
0x19: {  	v0 =	vld.msk [tilespmem:s24+$0x0 ss:$0x1], $0xffff;
	_ =	sdelay $0x4  }
0x1a: {  	v0 =	vmin.u32 v0, $0x80;
	_ =	sdelay $0x3  }
0x1b: {  	s25 =	simm.s32 $0xD8;
	s26 =	simm.s32 $0x68  }
0x1c: {  	[spmem:s8] =	stream.indirect_vreg.scatter.add.s32 [tilespmem:s25], [sflag:$0x1], $0x1, v0, vm0, $0x4038;
	[tilespmem:$0x108] =	vst v63  }
0x1d: {  	v0 =	vld.msk [tilespmem:s26+$0x0 ss:$0x1], $0xffff;
	_ =	sdelay $0x4  }
0x1e: {  	v0 =	vmin.u32 v0, $0x80;
	_ =	sdelay $0x3  }
0x1f: {  	s28 =	simm.s32 $0xE8;
	s29 =	simm.s32 $0x78  }
0x20: {  	[spmem:s8] =	stream.indirect_vreg.scatter.add.s32 [tilespmem:s28], [sflag:$0x1], $0x1, v0, vm0, $0x4038;
	[tilespmem:$0x108] =	vst v63  }
0x21: {  	v0 =	vld.msk [tilespmem:s29+$0x0 ss:$0x1], $0xffff;
	_ =	sdelay $0x4  }
0x22: {  	v0 =	vmin.u32 v0, $0x80;
	_ =	sdelay $0x3  }
0x23: {  	s30 =	simm.s32 $0xF8  }
0x24: {  	[spmem:s8] =	stream.indirect_vreg.scatter.add.s32 [tilespmem:s30], [sflag:$0x1], $0x1, v0, vm0, $0x4038;
	[tilespmem:$0x108] =	vst v63  }
0x25: {  	_ =	swait.ge [sflag:s21], $0x40  }
0x26: {  	[sflag:s21] =	ssyncset.done $0x0  }
0x27: {  	[sflag:s21] =	ssyncadd.s32 $0xFFFFFFC0  }
0x28: {  	_ =	sfence.sel $0x180000  }
0x29: {  	[bflag:$0x0] =	sbarrier.arrive $0xFFFF  }
0x2a: {  	[sflag:s22] =	ssyncpa.u1 $0x1  }
0x2b: {  	[sflag:s21] =	ssyncpa.u1 $0x1  }
0x2c: {  	_ =	sfence.stream.spmem  }
0x2d: {  	s31 =	simm.s32 $0x3D;
	[bflag:$0x0] =	sbarrier.arrive $0xFFFF  }
0x2e: {  	s2 =	simm.s32 @p0 $0x3D;
	[sflag:s31] =	ssyncpa.u1 $0x0  }
0x2f: {  	[sflag:s2] =	ssyncpa.u1 @p0 $0x1  }
0x30: {  	[bflag:$0x0] =	sbarrier.arrive @p0 $0xFFFF  }
0x31: {  	_ =	strace @p0 $0x90000047  }
0x32: {  	s2 =	simm.s32 @!p0 $0x1C3D;
	[bflag:$0x2] =	sbarrier.arrive @p0 $0xFFFF  }
0x33: {  	[hbm:s1], [sflag:s2] =	dma.local @!p0 [spmem:s7], $0x10  }
0x34: {  	s1 =	simm.s32 @!p0 $0x3D  }
0x35: {  	_ =	swait.ge @!p0 [sflag:s1], $0x10  }
0x36: {  	[sflag:s1] =	ssyncset.done @!p0 $0x0  }
0x37: {  	[sflag:s1] =	ssyncadd.s32 @!p0 $0xFFFFFFF0  }
0x38: {  	[sflag:s1] =	ssyncpa.u1 @!p0 $0x1  }
0x39: {  	[bflag:$0x0] =	sbarrier.arrive @!p0 $0xFFFF  }
0x3a: {  	_ =	strace @!p0 $0x90000047  }
0x3b: {  	s0 =	sadd.s32 @!p0 $0x100000, s0;
	[bflag:$0x2] =	sbarrier.arrive @!p0 $0xFFFF  }
0x3c: {  	[sflag:s0] =	ssyncadd.tile.s32 @!p0 $0x1;
	_ =	shalt  }
.Lfunc_end2:
_tile_overlayer_lowered:
.L_overlay_start_2:
0x3d: {  	(tag) =	ssettag $0x2  }
0x3e: {  	s0 =	rddreg [dreg:$0x0];
	s2 =	stileid.u32  }
0x3f: {  	s1 =	rddreg [dreg:$0x1];
	p0 =	sne.s32 s2, $0x0  }
0x40: {  	s3 =	rddreg [dreg:$0x2];
	[bflag:$0x3] =	sbarrier.arrive $0xFFFF;
	s2 =	simm.s32 @!p0 $0x1C01  }
0x41: {  	[timem:s3], [sflag:s2] =	dma.local @!p0 [hbm:s0], s1  }
0x42: {  	s0 =	simm.s32 @!p0 $0x1  }
0x43: {  	_ =	swait.ge @!p0 [sflag:s0], s1  }
0x44: {  	s1 =	ssub.s32 @!p0 $0x0, s1;
	[sflag:s0] =	ssyncset.done @!p0 $0x0  }
0x45: {  	[sflag:s0] =	ssyncadd.s32 @!p0 s1  }
0x46: {  	[bflag:$0x3] =	sbarrier.arrive $0xFFFF  }
0x47: {  	_ =	shalt  }

</sc_bundles>
